<compile_context>
chip_gen: v7x
topology: tpu7x:2x2x1
jax: 0.10.2.dev20260603
libtpu: 0.0.44.dev20260713+nightly
codegen_flags: <defaults>
</compile_context>

<pallas_src>
import functools

import jax
import jax.numpy as jnp
from jax import lax
from jax.experimental import pallas as pl
from jax.experimental.pallas import tpu as pltpu
from jax.experimental.pallas import tpu_sc as plsc

VOCAB = 33
HIDDEN = 512
NUM_TABLES = 6
B = 4 * 8192
NC, NS = 2, 16
NW = NC * NS
L = 16
K = HIDDEN // L
N_SC = 3
N_TC = NUM_TABLES - N_SC
ROWS_PER_W = B // NW
CHUNK = 32
NCHUNK = ROWS_PER_W // CHUNK
NBUF = 3
TC_BLK = 512


def _make_sc_lookup():
  mesh = plsc.VectorSubcoreMesh(
      core_axis_name="c", subcore_axis_name="s", num_cores=NC, num_subcores=NS
  )
  out_type = [
      jax.ShapeDtypeStruct((B, HIDDEN), jnp.float32) for _ in range(N_SC)
  ]
  scratch = [
      pltpu.VMEM((ROWS_PER_W // 128, 128), jnp.int32),
      [pltpu.VMEM((VOCAB * HIDDEN,), jnp.float32) for _ in range(N_SC)],
      [pltpu.VMEM((CHUNK, HIDDEN), jnp.float32) for _ in range(NBUF)],
      pltpu.SemaphoreType.DMA,
  ]

  @functools.partial(
      pl.kernel, mesh=mesh, out_type=out_type, scratch_types=scratch,
      compiler_params=pltpu.CompilerParams(needs_layout_passes=False),
  )
  def lookup(idx_hbm, t0, t1, t2, o0, o1, o2, idx_v, tbls, bufs, ssem):
    outs = (o0, o1, o2)
    wid = lax.axis_index("s") * NC + lax.axis_index("c")
    base0 = wid * ROWS_PER_W

    pltpu.sync_copy(idx_hbm.at[wid], idx_v)
    for src, dst in zip((t0, t1, t2), tbls):
      pltpu.sync_copy(src, dst)

    cols = [jnp.arange(L, dtype=jnp.int32) + L * k for k in range(K)]

    def wait_store():
      pltpu.make_async_copy(bufs[0], o0.at[pl.ds(0, CHUNK)], ssem).wait()

    def chunk_body(ci, carry):
      pos0 = ci * CHUNK
      for t in range(N_SC):
        @pl.when(ci > 0)
        def _():
          wait_store()

        buf = bufs[t]

        @plsc.parallel_loop(0, CHUNK, 1, unroll=2)
        def _(j, t=t, buf=buf, pos0=pos0):
          pos = pos0 + j
          bc = plsc.load_gather(
              idx_v,
              [jnp.full((L,), pos // 128, jnp.int32),
               jnp.full((L,), pos % 128, jnp.int32)],
          )
          flat0 = bc * HIDDEN
          for k in range(K):
            buf[j, pl.ds(L * k, L)] = plsc.load_gather(
                tbls[t], [flat0 + cols[k]])

        pltpu.async_copy(buf, outs[t].at[pl.ds(base0 + pos0, CHUNK)], ssem)
      return carry

    lax.fori_loop(0, NCHUNK, chunk_body, 0)
    for _ in range(NBUF):
      wait_store()

  return lookup


def _tc_body(idx_ref, tbl_ref, o0, o1, o2):
  idxv = idx_ref[0, 0, :]
  oh = (idxv[:, None] == lax.broadcasted_iota(jnp.int32, (TC_BLK, VOCAB), 1))
  oh = oh.astype(jnp.float32)
  for t, out in enumerate((o0, o1, o2)):
    out[...] = lax.dot_general(
        oh, tbl_ref[t], (((1,), (0,)), ((), ())),
        preferred_element_type=jnp.float32,
    )


def _tc_onehot(idx3d, tbl_stack):
  grid = (B // TC_BLK,)
  return pl.pallas_call(
      _tc_body,
      grid=grid,
      in_specs=[
          pl.BlockSpec((1, 1, TC_BLK), lambda b: (b, 0, 0)),
          pl.BlockSpec((N_TC, VOCAB, HIDDEN), lambda b: (0, 0, 0)),
      ],
      out_specs=[
          pl.BlockSpec((TC_BLK, HIDDEN), lambda b: (b, 0))
          for _ in range(N_TC)
      ],
      out_shape=[
          jax.ShapeDtypeStruct((B, HIDDEN), jnp.float32) for _ in range(N_TC)
      ],
  )(idx3d, tbl_stack)


_sc_lookup = _make_sc_lookup()


def kernel(inputs, tables):
  idx_sc = inputs.reshape(NW, ROWS_PER_W // 128, 128).astype(jnp.int32)
  idx_tc = inputs.reshape(B // TC_BLK, 1, TC_BLK).astype(jnp.int32)
  sc_out = _sc_lookup(idx_sc, *(tables[N_TC + i].reshape(-1)
                                for i in range(N_SC)))
  tc_out = _tc_onehot(idx_tc, tables[:N_TC])
  flat = list(tc_out) + list(sc_out)
  ve = [o.reshape(inputs.shape + (HIDDEN,)) for o in flat]
  return tuple(ve + list(reversed(ve)))

# --- scband reference (transcript-rebuilt; emitter-appended) ---
"""Pipeline reference for scband-value-embedding-27779848470853 (READ-ONLY COPY).

The authoritative reference and input builder live on the scoring server;
editing this copy changes nothing except your own understanding.
"""

import jax, jax.numpy as jnp
import numpy as np

VOCAB = 33
HIDDEN = 512
NUM_LAYERS = 12
NUM_TABLES = NUM_LAYERS // 2  # 6

def setup_inputs(seed: int = 0) -> dict:
    key = jax.random.key(seed)
    k_idx, k_tab = jax.random.split(key)
    inputs = jax.random.randint(k_idx, (4, 8192), 0, VOCAB, dtype=jnp.int64 if jax.config.jax_enable_x64 else jnp.int32)
    tables = []
    for i in range(NUM_TABLES):
        tables.append(jax.random.normal(jax.random.fold_in(k_tab, i), (VOCAB, HIDDEN), dtype=jnp.float32))
    tables = jnp.stack(tables, axis=0)  # [NUM_TABLES, VOCAB, HIDDEN]
    return {"inputs": inputs, "tables": tables}

def reference(inputs, tables):
    # ve = [emb(inputs) for emb in self.embed]; ve += reversed(ve)
    ve = [jnp.take(tables[i], inputs, axis=0) for i in range(tables.shape[0])]
    ve = ve + list(reversed(ve))
    return tuple(ve)

if __name__ == "__main__":
    import jax
    _d = setup_inputs()
    print(jax.jit(kernel)(*tuple(_d.values())))

</pallas_src>

<mosaic_0001>
#map = affine_map<(d0, d1) -> (0, 0, 0)>
#map1 = affine_map<(d0, d1) -> (0)>
#map2 = affine_map<(d0, d1) -> (0, 0)>
module attributes {stable_mosaic.version = 14 : i64} {
  func.func @lookup(%arg0: i32, %arg1: i32, %arg2: memref<32x8x128xi32, #tpu.memory_space<hbm>>, %arg3: memref<16896xf32, #tpu.memory_space<hbm>>, %arg4: memref<16896xf32, #tpu.memory_space<hbm>>, %arg5: memref<16896xf32, #tpu.memory_space<hbm>>, %arg6: memref<32768x512xf32, #tpu.memory_space<hbm>>, %arg7: memref<32768x512xf32, #tpu.memory_space<hbm>>, %arg8: memref<32768x512xf32, #tpu.memory_space<hbm>>, %arg9: memref<8x128xi32, #tpu.memory_space<vmem>>, %arg10: memref<16896xf32, #tpu.memory_space<vmem>>, %arg11: memref<16896xf32, #tpu.memory_space<vmem>>, %arg12: memref<16896xf32, #tpu.memory_space<vmem>>, %arg13: memref<32x512xf32, #tpu.memory_space<vmem>>, %arg14: memref<32x512xf32, #tpu.memory_space<vmem>>, %arg15: memref<32x512xf32, #tpu.memory_space<vmem>>, %arg16: memref<!tpu.dma_semaphore, #tpu.memory_space<semaphore_mem>>) attributes {dimension_semantics = [#tpu.dimension_semantics<core_parallel>, #tpu.dimension_semantics<subcore_parallel>], iteration_bounds = array<i64: 2, 16>, scalar_prefetch = 0 : i64, scratch_operands = 8 : i64, tpu.core_type = #tpu.core_type<sc_vector_subcore>, window_params = [{transform_indices = #map}, {transform_indices = #map1}, {transform_indices = #map1}, {transform_indices = #map1}, {transform_indices = #map2}, {transform_indices = #map2}, {transform_indices = #map2}]} {
    %mul3A = arith.constant 2 : i32
    %mul3A_0 = arith.muli %arg1, %mul3A : i32
    %add3A = arith.addi %mul3A_0, %arg0 : i32
    %mul3A_1 = arith.constant 1024 : i32
    %mul3A_2 = arith.muli %add3A, %mul3A_1 : i32
    "tpu.region"() ({
      %run_scoped3A = tpu.sem_alloc : memref<!tpu.dma_semaphore, #tpu.memory_space<semaphore_mem>>
      %dma_start3A = arith.constant 0 : i32
      %dma_start3A_152 = arith.constant 0 : i32
      %dma_start3A_153 = tpu.memref_slice %arg2[%add3A, %dma_start3A, %dma_start3A_152] : memref<32x8x128xi32, #tpu.memory_space<hbm>> -> memref<1x8x128xi32, #tpu.memory_space<hbm>>
      %dma_start3A_154 = tpu.memref_squeeze %dma_start3A_153 : memref<1x8x128xi32, #tpu.memory_space<hbm>> -> memref<8x128xi32, #tpu.memory_space<hbm>>
      %dma_start3A_155 = arith.constant 0 : i32
      %dma_start3A_156 = arith.constant 0 : i32
      %dma_start3A_157 = tpu.memref_slice %arg2[%add3A, %dma_start3A_155, %dma_start3A_156] : memref<32x8x128xi32, #tpu.memory_space<hbm>> -> memref<1x8x128xi32, #tpu.memory_space<hbm>>
      %dma_start3A_158 = tpu.memref_squeeze %dma_start3A_157 : memref<1x8x128xi32, #tpu.memory_space<hbm>> -> memref<8x128xi32, #tpu.memory_space<hbm>>
      tpu.enqueue_dma source(%dma_start3A_158 : memref<8x128xi32, #tpu.memory_space<hbm>>) target(%arg9 : memref<8x128xi32, #tpu.memory_space<vmem>>) target_semaphore(%run_scoped3A : memref<!tpu.dma_semaphore, #tpu.memory_space<semaphore_mem>>)
      %dma_wait3A_159 = arith.constant 0 : i32
      %dma_wait3A_160 = arith.constant 0 : i32
      %dma_wait3A_161 = tpu.memref_slice %arg2[%add3A, %dma_wait3A_159, %dma_wait3A_160] : memref<32x8x128xi32, #tpu.memory_space<hbm>> -> memref<1x8x128xi32, #tpu.memory_space<hbm>>
      %dma_wait3A_162 = tpu.memref_squeeze %dma_wait3A_161 : memref<1x8x128xi32, #tpu.memory_space<hbm>> -> memref<8x128xi32, #tpu.memory_space<hbm>>
      %dma_wait3A_163 = arith.constant 0 : i32
      %dma_wait3A_164 = arith.constant 0 : i32
      %dma_wait3A_165 = tpu.memref_slice %arg2[%add3A, %dma_wait3A_163, %dma_wait3A_164] : memref<32x8x128xi32, #tpu.memory_space<hbm>> -> memref<1x8x128xi32, #tpu.memory_space<hbm>>
      %dma_wait3A_166 = tpu.memref_squeeze %dma_wait3A_165 : memref<1x8x128xi32, #tpu.memory_space<hbm>> -> memref<8x128xi32, #tpu.memory_space<hbm>>
      tpu.wait_dma2 semaphore(%run_scoped3A : memref<!tpu.dma_semaphore, #tpu.memory_space<semaphore_mem>>) src(%dma_wait3A_166 : memref<8x128xi32, #tpu.memory_space<hbm>>) dst(%arg9 : memref<8x128xi32, #tpu.memory_space<vmem>>)
      tpu.yield
    }) : () -> ()
    "tpu.region"() ({
      %run_scoped3A = tpu.sem_alloc : memref<!tpu.dma_semaphore, #tpu.memory_space<semaphore_mem>>
      tpu.enqueue_dma source(%arg3 : memref<16896xf32, #tpu.memory_space<hbm>>) target(%arg10 : memref<16896xf32, #tpu.memory_space<vmem>>) target_semaphore(%run_scoped3A : memref<!tpu.dma_semaphore, #tpu.memory_space<semaphore_mem>>)
      tpu.wait_dma2 semaphore(%run_scoped3A : memref<!tpu.dma_semaphore, #tpu.memory_space<semaphore_mem>>) src(%arg3 : memref<16896xf32, #tpu.memory_space<hbm>>) dst(%arg10 : memref<16896xf32, #tpu.memory_space<vmem>>)
      tpu.yield
    }) : () -> ()
    "tpu.region"() ({
      %run_scoped3A = tpu.sem_alloc : memref<!tpu.dma_semaphore, #tpu.memory_space<semaphore_mem>>
      tpu.enqueue_dma source(%arg4 : memref<16896xf32, #tpu.memory_space<hbm>>) target(%arg11 : memref<16896xf32, #tpu.memory_space<vmem>>) target_semaphore(%run_scoped3A : memref<!tpu.dma_semaphore, #tpu.memory_space<semaphore_mem>>)
      tpu.wait_dma2 semaphore(%run_scoped3A : memref<!tpu.dma_semaphore, #tpu.memory_space<semaphore_mem>>) src(%arg4 : memref<16896xf32, #tpu.memory_space<hbm>>) dst(%arg11 : memref<16896xf32, #tpu.memory_space<vmem>>)
      tpu.yield
    }) : () -> ()
    "tpu.region"() ({
      %run_scoped3A = tpu.sem_alloc : memref<!tpu.dma_semaphore, #tpu.memory_space<semaphore_mem>>
      tpu.enqueue_dma source(%arg5 : memref<16896xf32, #tpu.memory_space<hbm>>) target(%arg12 : memref<16896xf32, #tpu.memory_space<vmem>>) target_semaphore(%run_scoped3A : memref<!tpu.dma_semaphore, #tpu.memory_space<semaphore_mem>>)
      tpu.wait_dma2 semaphore(%run_scoped3A : memref<!tpu.dma_semaphore, #tpu.memory_space<semaphore_mem>>) src(%arg5 : memref<16896xf32, #tpu.memory_space<hbm>>) dst(%arg12 : memref<16896xf32, #tpu.memory_space<vmem>>)
      tpu.yield
    }) : () -> ()
    %iota3A = tpu.iota {dimensions = array<i32: 0>} : vector<16xi32>
    %add3A_3 = arith.constant 0 : i32
    %add3A_4 = vector.broadcast %add3A_3 : i32 to vector<16xi32>
    %add3A_5 = arith.addi %iota3A, %add3A_4 : vector<16xi32>
    %iota3A_6 = tpu.iota {dimensions = array<i32: 0>} : vector<16xi32>
    %add3A_7 = arith.constant 16 : i32
    %add3A_8 = vector.broadcast %add3A_7 : i32 to vector<16xi32>
    %add3A_9 = arith.addi %iota3A_6, %add3A_8 : vector<16xi32>
    %iota3A_10 = tpu.iota {dimensions = array<i32: 0>} : vector<16xi32>
    %add3A_11 = arith.constant 32 : i32
    %add3A_12 = vector.broadcast %add3A_11 : i32 to vector<16xi32>
    %add3A_13 = arith.addi %iota3A_10, %add3A_12 : vector<16xi32>
    %iota3A_14 = tpu.iota {dimensions = array<i32: 0>} : vector<16xi32>
    %add3A_15 = arith.constant 48 : i32
    %add3A_16 = vector.broadcast %add3A_15 : i32 to vector<16xi32>
    %add3A_17 = arith.addi %iota3A_14, %add3A_16 : vector<16xi32>
    %iota3A_18 = tpu.iota {dimensions = array<i32: 0>} : vector<16xi32>
    %add3A_19 = arith.constant 64 : i32
    %add3A_20 = vector.broadcast %add3A_19 : i32 to vector<16xi32>
    %add3A_21 = arith.addi %iota3A_18, %add3A_20 : vector<16xi32>
    %iota3A_22 = tpu.iota {dimensions = array<i32: 0>} : vector<16xi32>
    %add3A_23 = arith.constant 80 : i32
    %add3A_24 = vector.broadcast %add3A_23 : i32 to vector<16xi32>
    %add3A_25 = arith.addi %iota3A_22, %add3A_24 : vector<16xi32>
    %iota3A_26 = tpu.iota {dimensions = array<i32: 0>} : vector<16xi32>
    %add3A_27 = arith.constant 96 : i32
    %add3A_28 = vector.broadcast %add3A_27 : i32 to vector<16xi32>
    %add3A_29 = arith.addi %iota3A_26, %add3A_28 : vector<16xi32>
    %iota3A_30 = tpu.iota {dimensions = array<i32: 0>} : vector<16xi32>
    %add3A_31 = arith.constant 112 : i32
    %add3A_32 = vector.broadcast %add3A_31 : i32 to vector<16xi32>
    %add3A_33 = arith.addi %iota3A_30, %add3A_32 : vector<16xi32>
    %iota3A_34 = tpu.iota {dimensions = array<i32: 0>} : vector<16xi32>
    %add3A_35 = arith.constant 128 : i32
    %add3A_36 = vector.broadcast %add3A_35 : i32 to vector<16xi32>
    %add3A_37 = arith.addi %iota3A_34, %add3A_36 : vector<16xi32>
    %iota3A_38 = tpu.iota {dimensions = array<i32: 0>} : vector<16xi32>
    %add3A_39 = arith.constant 144 : i32
    %add3A_40 = vector.broadcast %add3A_39 : i32 to vector<16xi32>
    %add3A_41 = arith.addi %iota3A_38, %add3A_40 : vector<16xi32>
    %iota3A_42 = tpu.iota {dimensions = array<i32: 0>} : vector<16xi32>
    %add3A_43 = arith.constant 160 : i32
    %add3A_44 = vector.broadcast %add3A_43 : i32 to vector<16xi32>
    %add3A_45 = arith.addi %iota3A_42, %add3A_44 : vector<16xi32>
    %iota3A_46 = tpu.iota {dimensions = array<i32: 0>} : vector<16xi32>
    %add3A_47 = arith.constant 176 : i32
    %add3A_48 = vector.broadcast %add3A_47 : i32 to vector<16xi32>
    %add3A_49 = arith.addi %iota3A_46, %add3A_48 : vector<16xi32>
    %iota3A_50 = tpu.iota {dimensions = array<i32: 0>} : vector<16xi32>
    %add3A_51 = arith.constant 192 : i32
    %add3A_52 = vector.broadcast %add3A_51 : i32 to vector<16xi32>
    %add3A_53 = arith.addi %iota3A_50, %add3A_52 : vector<16xi32>
    %iota3A_54 = tpu.iota {dimensions = array<i32: 0>} : vector<16xi32>
    %add3A_55 = arith.constant 208 : i32
    %add3A_56 = vector.broadcast %add3A_55 : i32 to vector<16xi32>
    %add3A_57 = arith.addi %iota3A_54, %add3A_56 : vector<16xi32>
    %iota3A_58 = tpu.iota {dimensions = array<i32: 0>} : vector<16xi32>
    %add3A_59 = arith.constant 224 : i32
    %add3A_60 = vector.broadcast %add3A_59 : i32 to vector<16xi32>
    %add3A_61 = arith.addi %iota3A_58, %add3A_60 : vector<16xi32>
    %iota3A_62 = tpu.iota {dimensions = array<i32: 0>} : vector<16xi32>
    %add3A_63 = arith.constant 240 : i32
    %add3A_64 = vector.broadcast %add3A_63 : i32 to vector<16xi32>
    %add3A_65 = arith.addi %iota3A_62, %add3A_64 : vector<16xi32>
    %iota3A_66 = tpu.iota {dimensions = array<i32: 0>} : vector<16xi32>
    %add3A_67 = arith.constant 256 : i32
    %add3A_68 = vector.broadcast %add3A_67 : i32 to vector<16xi32>
    %add3A_69 = arith.addi %iota3A_66, %add3A_68 : vector<16xi32>
    %iota3A_70 = tpu.iota {dimensions = array<i32: 0>} : vector<16xi32>
    %add3A_71 = arith.constant 272 : i32
    %add3A_72 = vector.broadcast %add3A_71 : i32 to vector<16xi32>
    %add3A_73 = arith.addi %iota3A_70, %add3A_72 : vector<16xi32>
    %iota3A_74 = tpu.iota {dimensions = array<i32: 0>} : vector<16xi32>
    %add3A_75 = arith.constant 288 : i32
    %add3A_76 = vector.broadcast %add3A_75 : i32 to vector<16xi32>
    %add3A_77 = arith.addi %iota3A_74, %add3A_76 : vector<16xi32>
    %iota3A_78 = tpu.iota {dimensions = array<i32: 0>} : vector<16xi32>
    %add3A_79 = arith.constant 304 : i32
    %add3A_80 = vector.broadcast %add3A_79 : i32 to vector<16xi32>
    %add3A_81 = arith.addi %iota3A_78, %add3A_80 : vector<16xi32>
    %iota3A_82 = tpu.iota {dimensions = array<i32: 0>} : vector<16xi32>
    %add3A_83 = arith.constant 320 : i32
    %add3A_84 = vector.broadcast %add3A_83 : i32 to vector<16xi32>
    %add3A_85 = arith.addi %iota3A_82, %add3A_84 : vector<16xi32>
    %iota3A_86 = tpu.iota {dimensions = array<i32: 0>} : vector<16xi32>
    %add3A_87 = arith.constant 336 : i32
    %add3A_88 = vector.broadcast %add3A_87 : i32 to vector<16xi32>
    %add3A_89 = arith.addi %iota3A_86, %add3A_88 : vector<16xi32>
    %iota3A_90 = tpu.iota {dimensions = array<i32: 0>} : vector<16xi32>
    %add3A_91 = arith.constant 352 : i32
    %add3A_92 = vector.broadcast %add3A_91 : i32 to vector<16xi32>
    %add3A_93 = arith.addi %iota3A_90, %add3A_92 : vector<16xi32>
    %iota3A_94 = tpu.iota {dimensions = array<i32: 0>} : vector<16xi32>
    %add3A_95 = arith.constant 368 : i32
    %add3A_96 = vector.broadcast %add3A_95 : i32 to vector<16xi32>
    %add3A_97 = arith.addi %iota3A_94, %add3A_96 : vector<16xi32>
    %iota3A_98 = tpu.iota {dimensions = array<i32: 0>} : vector<16xi32>
    %add3A_99 = arith.constant 384 : i32
    %add3A_100 = vector.broadcast %add3A_99 : i32 to vector<16xi32>
    %add3A_101 = arith.addi %iota3A_98, %add3A_100 : vector<16xi32>
    %iota3A_102 = tpu.iota {dimensions = array<i32: 0>} : vector<16xi32>
    %add3A_103 = arith.constant 400 : i32
    %add3A_104 = vector.broadcast %add3A_103 : i32 to vector<16xi32>
    %add3A_105 = arith.addi %iota3A_102, %add3A_104 : vector<16xi32>
    %iota3A_106 = tpu.iota {dimensions = array<i32: 0>} : vector<16xi32>
    %add3A_107 = arith.constant 416 : i32
    %add3A_108 = vector.broadcast %add3A_107 : i32 to vector<16xi32>
    %add3A_109 = arith.addi %iota3A_106, %add3A_108 : vector<16xi32>
    %iota3A_110 = tpu.iota {dimensions = array<i32: 0>} : vector<16xi32>
    %add3A_111 = arith.constant 432 : i32
    %add3A_112 = vector.broadcast %add3A_111 : i32 to vector<16xi32>
    %add3A_113 = arith.addi %iota3A_110, %add3A_112 : vector<16xi32>
    %iota3A_114 = tpu.iota {dimensions = array<i32: 0>} : vector<16xi32>
    %add3A_115 = arith.constant 448 : i32
    %add3A_116 = vector.broadcast %add3A_115 : i32 to vector<16xi32>
    %add3A_117 = arith.addi %iota3A_114, %add3A_116 : vector<16xi32>
    %iota3A_118 = tpu.iota {dimensions = array<i32: 0>} : vector<16xi32>
    %add3A_119 = arith.constant 464 : i32
    %add3A_120 = vector.broadcast %add3A_119 : i32 to vector<16xi32>
    %add3A_121 = arith.addi %iota3A_118, %add3A_120 : vector<16xi32>
    %iota3A_122 = tpu.iota {dimensions = array<i32: 0>} : vector<16xi32>
    %add3A_123 = arith.constant 480 : i32
    %add3A_124 = vector.broadcast %add3A_123 : i32 to vector<16xi32>
    %add3A_125 = arith.addi %iota3A_122, %add3A_124 : vector<16xi32>
    %iota3A_126 = tpu.iota {dimensions = array<i32: 0>} : vector<16xi32>
    %add3A_127 = arith.constant 496 : i32
    %add3A_128 = vector.broadcast %add3A_127 : i32 to vector<16xi32>
    %add3A_129 = arith.addi %iota3A_126, %add3A_128 : vector<16xi32>
    %scan3A = arith.constant 0 : i32
    %scan3A_130 = arith.constant 0 : i32
    %scan3A_131 = arith.constant 32 : i32
    %scan3A_132 = arith.addi %scan3A_130, %scan3A_131 : i32
    %scan3A_133 = arith.constant 1 : i32
    scf.for %scan3A_152 = %scan3A_130 to %scan3A_132 step %scan3A_133  : i32 {
      %mul3A_153 = arith.constant 32 : i32
      %mul3A_154 = arith.muli %scan3A_152, %mul3A_153 : i32
      %gt3A = arith.constant 0 : i32
      %gt3A_155 = arith.cmpi sgt, %scan3A_152, %gt3A : i32
      %convert_element_type3A = arith.extui %gt3A_155 : i1 to i32
      %cond3A = arith.constant 0 : i32
      %cond3A_156 = arith.cmpi ne, %convert_element_type3A, %cond3A : i32
      scf.if %cond3A_156 {
        %dma_wait3A_189 = arith.constant 0 : i32
        %dma_wait3A_190 = arith.constant 0 : i32
        %dma_wait3A_191 = tpu.memref_slice %arg6[%dma_wait3A_189, %dma_wait3A_190] : memref<32768x512xf32, #tpu.memory_space<hbm>> -> memref<32x512xf32, #tpu.memory_space<hbm>>
        %dma_wait3A_192 = arith.constant 0 : i32
        %dma_wait3A_193 = arith.constant 0 : i32
        %dma_wait3A_194 = tpu.memref_slice %arg6[%dma_wait3A_192, %dma_wait3A_193] : memref<32768x512xf32, #tpu.memory_space<hbm>> -> memref<32x512xf32, #tpu.memory_space<hbm>>
        tpu.wait_dma2 semaphore(%arg16 : memref<!tpu.dma_semaphore, #tpu.memory_space<semaphore_mem>>) src(%arg13 : memref<32x512xf32, #tpu.memory_space<vmem>>) dst(%dma_wait3A_194 : memref<32x512xf32, #tpu.memory_space<hbm>>)
      } else {
      }
      %parallel_loop3A = arith.constant 0 : i32
      %parallel_loop3A_157 = arith.constant 32 : i32
      %parallel_loop3A_158 = arith.constant 1 : i32
      scf.for %parallel_loop3A_189 = %parallel_loop3A to %parallel_loop3A_157 step %parallel_loop3A_158  : i32 {
        %parallel_loop3A_190 = arith.addi %mul3A_154, %parallel_loop3A_189 : i32
        %parallel_loop3A_191 = arith.constant 128 : i32
        %parallel_loop3A_192 = arith.divsi %parallel_loop3A_190, %parallel_loop3A_191 : i32
        %parallel_loop3A_193 = arith.constant 0 : i32
        %parallel_loop3A_194 = arith.cmpi sgt, %parallel_loop3A_190, %parallel_loop3A_193 : i32
        %parallel_loop3A_195 = arith.extui %parallel_loop3A_194 : i1 to i32
        %parallel_loop3A_196 = arith.constant 0 : i32
        %parallel_loop3A_197 = arith.cmpi slt, %parallel_loop3A_190, %parallel_loop3A_196 : i32
        %parallel_loop3A_198 = arith.extui %parallel_loop3A_197 : i1 to i32
        %parallel_loop3A_199 = arith.subi %parallel_loop3A_195, %parallel_loop3A_198 : i32
        %parallel_loop3A_200 = arith.constant 0 : i32
        %parallel_loop3A_201 = arith.cmpi sgt, %parallel_loop3A_191, %parallel_loop3A_200 : i32
        %parallel_loop3A_202 = arith.extui %parallel_loop3A_201 : i1 to i32
        %parallel_loop3A_203 = arith.constant 0 : i32
        %parallel_loop3A_204 = arith.cmpi slt, %parallel_loop3A_191, %parallel_loop3A_203 : i32
        %parallel_loop3A_205 = arith.extui %parallel_loop3A_204 : i1 to i32
        %parallel_loop3A_206 = arith.subi %parallel_loop3A_202, %parallel_loop3A_205 : i32
        %parallel_loop3A_207 = arith.cmpi ne, %parallel_loop3A_199, %parallel_loop3A_206 : i32
        %parallel_loop3A_208 = arith.remsi %parallel_loop3A_190, %parallel_loop3A_191 : i32
        %parallel_loop3A_209 = arith.constant 0 : i32
        %parallel_loop3A_210 = arith.cmpi ne, %parallel_loop3A_208, %parallel_loop3A_209 : i32
        %parallel_loop3A_211 = arith.andi %parallel_loop3A_207, %parallel_loop3A_210 : i1
        %parallel_loop3A_212 = arith.constant 1 : i32
        %parallel_loop3A_213 = arith.subi %parallel_loop3A_192, %parallel_loop3A_212 : i32
        %parallel_loop3A_214 = arith.select %parallel_loop3A_211, %parallel_loop3A_213, %parallel_loop3A_192 : i32
        %parallel_loop3A_215 = vector.broadcast %parallel_loop3A_214 : i32 to vector<16xi32>
        %parallel_loop3A_216 = arith.constant 128 : i32
        %parallel_loop3A_217 = arith.constant 0 : i32
        %parallel_loop3A_218 = arith.cmpi eq, %parallel_loop3A_216, %parallel_loop3A_217 : i32
        %parallel_loop3A_219 = arith.constant 1 : i32
        %parallel_loop3A_220 = arith.select %parallel_loop3A_218, %parallel_loop3A_219, %parallel_loop3A_216 : i32
        %parallel_loop3A_221 = arith.remsi %parallel_loop3A_190, %parallel_loop3A_220 : i32
        %parallel_loop3A_222 = arith.constant 0 : i32
        %parallel_loop3A_223 = arith.cmpi ne, %parallel_loop3A_221, %parallel_loop3A_222 : i32
        %parallel_loop3A_224 = arith.constant 0 : i32
        %parallel_loop3A_225 = arith.cmpi slt, %parallel_loop3A_221, %parallel_loop3A_224 : i32
        %parallel_loop3A_226 = arith.constant 0 : i32
        %parallel_loop3A_227 = arith.cmpi slt, %parallel_loop3A_220, %parallel_loop3A_226 : i32
        %parallel_loop3A_228 = arith.xori %parallel_loop3A_225, %parallel_loop3A_227 : i1
        %parallel_loop3A_229 = arith.andi %parallel_loop3A_228, %parallel_loop3A_223 : i1
        %parallel_loop3A_230 = arith.addi %parallel_loop3A_221, %parallel_loop3A_220 : i32
        %parallel_loop3A_231 = arith.select %parallel_loop3A_229, %parallel_loop3A_230, %parallel_loop3A_221 : i32
        %parallel_loop3A_232 = vector.broadcast %parallel_loop3A_231 : i32 to vector<16xi32>
        %parallel_loop3A_233 = tpu.vector_load_idx %arg9[%parallel_loop3A_215, %parallel_loop3A_232] : memref<8x128xi32, #tpu.memory_space<vmem>>[vector<16xi32>, vector<16xi32>], vector<16xi32>,
        %parallel_loop3A_234 = arith.constant 512 : i32
        %parallel_loop3A_235 = vector.broadcast %parallel_loop3A_234 : i32 to vector<16xi32>
        %parallel_loop3A_236 = arith.muli %parallel_loop3A_233, %parallel_loop3A_235 : vector<16xi32>
        %parallel_loop3A_237 = arith.addi %parallel_loop3A_236, %add3A_5 : vector<16xi32>
        %parallel_loop3A_238 = tpu.vector_load_idx %arg10[%parallel_loop3A_237] : memref<16896xf32, #tpu.memory_space<vmem>>[vector<16xi32>], vector<16xf32>,
        %parallel_loop3A_239 = arith.index_cast %parallel_loop3A_189 : i32 to index
        %parallel_loop3A_240 = arith.constant 0 : index
        %parallel_loop3A_241 = tpu.vector_load %arg13[%parallel_loop3A_239, %parallel_loop3A_240] {strides = array<i32>} : memref<32x512xf32, #tpu.memory_space<vmem>>, vector<16xf32>,
        tpu.vector_store %arg13[%parallel_loop3A_239, %parallel_loop3A_240], %parallel_loop3A_238 {strides = array<i32>} : memref<32x512xf32, #tpu.memory_space<vmem>>, vector<16xf32>,
        %parallel_loop3A_242 = arith.addi %parallel_loop3A_236, %add3A_9 : vector<16xi32>
        %parallel_loop3A_243 = tpu.vector_load_idx %arg10[%parallel_loop3A_242] : memref<16896xf32, #tpu.memory_space<vmem>>[vector<16xi32>], vector<16xf32>,
        %parallel_loop3A_244 = arith.index_cast %parallel_loop3A_189 : i32 to index
        %parallel_loop3A_245 = arith.constant 16 : index
        %parallel_loop3A_246 = tpu.vector_load %arg13[%parallel_loop3A_244, %parallel_loop3A_245] {strides = array<i32>} : memref<32x512xf32, #tpu.memory_space<vmem>>, vector<16xf32>,
        tpu.vector_store %arg13[%parallel_loop3A_244, %parallel_loop3A_245], %parallel_loop3A_243 {strides = array<i32>} : memref<32x512xf32, #tpu.memory_space<vmem>>, vector<16xf32>,
        %parallel_loop3A_247 = arith.addi %parallel_loop3A_236, %add3A_13 : vector<16xi32>
        %parallel_loop3A_248 = tpu.vector_load_idx %arg10[%parallel_loop3A_247] : memref<16896xf32, #tpu.memory_space<vmem>>[vector<16xi32>], vector<16xf32>,
        %parallel_loop3A_249 = arith.index_cast %parallel_loop3A_189 : i32 to index
        %parallel_loop3A_250 = arith.constant 32 : index
        %parallel_loop3A_251 = tpu.vector_load %arg13[%parallel_loop3A_249, %parallel_loop3A_250] {strides = array<i32>} : memref<32x512xf32, #tpu.memory_space<vmem>>, vector<16xf32>,
        tpu.vector_store %arg13[%parallel_loop3A_249, %parallel_loop3A_250], %parallel_loop3A_248 {strides = array<i32>} : memref<32x512xf32, #tpu.memory_space<vmem>>, vector<16xf32>,
        %parallel_loop3A_252 = arith.addi %parallel_loop3A_236, %add3A_17 : vector<16xi32>
        %parallel_loop3A_253 = tpu.vector_load_idx %arg10[%parallel_loop3A_252] : memref<16896xf32, #tpu.memory_space<vmem>>[vector<16xi32>], vector<16xf32>,
        %parallel_loop3A_254 = arith.index_cast %parallel_loop3A_189 : i32 to index
        %parallel_loop3A_255 = arith.constant 48 : index
        %parallel_loop3A_256 = tpu.vector_load %arg13[%parallel_loop3A_254, %parallel_loop3A_255] {strides = array<i32>} : memref<32x512xf32, #tpu.memory_space<vmem>>, vector<16xf32>,
        tpu.vector_store %arg13[%parallel_loop3A_254, %parallel_loop3A_255], %parallel_loop3A_253 {strides = array<i32>} : memref<32x512xf32, #tpu.memory_space<vmem>>, vector<16xf32>,
        %parallel_loop3A_257 = arith.addi %parallel_loop3A_236, %add3A_21 : vector<16xi32>
        %parallel_loop3A_258 = tpu.vector_load_idx %arg10[%parallel_loop3A_257] : memref<16896xf32, #tpu.memory_space<vmem>>[vector<16xi32>], vector<16xf32>,
        %parallel_loop3A_259 = arith.index_cast %parallel_loop3A_189 : i32 to index
        %parallel_loop3A_260 = arith.constant 64 : index
        %parallel_loop3A_261 = tpu.vector_load %arg13[%parallel_loop3A_259, %parallel_loop3A_260] {strides = array<i32>} : memref<32x512xf32, #tpu.memory_space<vmem>>, vector<16xf32>,
        tpu.vector_store %arg13[%parallel_loop3A_259, %parallel_loop3A_260], %parallel_loop3A_258 {strides = array<i32>} : memref<32x512xf32, #tpu.memory_space<vmem>>, vector<16xf32>,
        %parallel_loop3A_262 = arith.addi %parallel_loop3A_236, %add3A_25 : vector<16xi32>
        %parallel_loop3A_263 = tpu.vector_load_idx %arg10[%parallel_loop3A_262] : memref<16896xf32, #tpu.memory_space<vmem>>[vector<16xi32>], vector<16xf32>,
        %parallel_loop3A_264 = arith.index_cast %parallel_loop3A_189 : i32 to index
        %parallel_loop3A_265 = arith.constant 80 : index
        %parallel_loop3A_266 = tpu.vector_load %arg13[%parallel_loop3A_264, %parallel_loop3A_265] {strides = array<i32>} : memref<32x512xf32, #tpu.memory_space<vmem>>, vector<16xf32>,
        tpu.vector_store %arg13[%parallel_loop3A_264, %parallel_loop3A_265], %parallel_loop3A_263 {strides = array<i32>} : memref<32x512xf32, #tpu.memory_space<vmem>>, vector<16xf32>,
        %parallel_loop3A_267 = arith.addi %parallel_loop3A_236, %add3A_29 : vector<16xi32>
        %parallel_loop3A_268 = tpu.vector_load_idx %arg10[%parallel_loop3A_267] : memref<16896xf32, #tpu.memory_space<vmem>>[vector<16xi32>], vector<16xf32>,
        %parallel_loop3A_269 = arith.index_cast %parallel_loop3A_189 : i32 to index
        %parallel_loop3A_270 = arith.constant 96 : index
        %parallel_loop3A_271 = tpu.vector_load %arg13[%parallel_loop3A_269, %parallel_loop3A_270] {strides = array<i32>} : memref<32x512xf32, #tpu.memory_space<vmem>>, vector<16xf32>,
        tpu.vector_store %arg13[%parallel_loop3A_269, %parallel_loop3A_270], %parallel_loop3A_268 {strides = array<i32>} : memref<32x512xf32, #tpu.memory_space<vmem>>, vector<16xf32>,
        %parallel_loop3A_272 = arith.addi %parallel_loop3A_236, %add3A_33 : vector<16xi32>
        %parallel_loop3A_273 = tpu.vector_load_idx %arg10[%parallel_loop3A_272] : memref<16896xf32, #tpu.memory_space<vmem>>[vector<16xi32>], vector<16xf32>,
        %parallel_loop3A_274 = arith.index_cast %parallel_loop3A_189 : i32 to index
        %parallel_loop3A_275 = arith.constant 112 : index
        %parallel_loop3A_276 = tpu.vector_load %arg13[%parallel_loop3A_274, %parallel_loop3A_275] {strides = array<i32>} : memref<32x512xf32, #tpu.memory_space<vmem>>, vector<16xf32>,
        tpu.vector_store %arg13[%parallel_loop3A_274, %parallel_loop3A_275], %parallel_loop3A_273 {strides = array<i32>} : memref<32x512xf32, #tpu.memory_space<vmem>>, vector<16xf32>,
        %parallel_loop3A_277 = arith.addi %parallel_loop3A_236, %add3A_37 : vector<16xi32>
        %parallel_loop3A_278 = tpu.vector_load_idx %arg10[%parallel_loop3A_277] : memref<16896xf32, #tpu.memory_space<vmem>>[vector<16xi32>], vector<16xf32>,
        %parallel_loop3A_279 = arith.index_cast %parallel_loop3A_189 : i32 to index
        %parallel_loop3A_280 = arith.constant 128 : index
        %parallel_loop3A_281 = tpu.vector_load %arg13[%parallel_loop3A_279, %parallel_loop3A_280] {strides = array<i32>} : memref<32x512xf32, #tpu.memory_space<vmem>>, vector<16xf32>,
        tpu.vector_store %arg13[%parallel_loop3A_279, %parallel_loop3A_280], %parallel_loop3A_278 {strides = array<i32>} : memref<32x512xf32, #tpu.memory_space<vmem>>, vector<16xf32>,
        %parallel_loop3A_282 = arith.addi %parallel_loop3A_236, %add3A_41 : vector<16xi32>
        %parallel_loop3A_283 = tpu.vector_load_idx %arg10[%parallel_loop3A_282] : memref<16896xf32, #tpu.memory_space<vmem>>[vector<16xi32>], vector<16xf32>,
        %parallel_loop3A_284 = arith.index_cast %parallel_loop3A_189 : i32 to index
        %parallel_loop3A_285 = arith.constant 144 : index
        %parallel_loop3A_286 = tpu.vector_load %arg13[%parallel_loop3A_284, %parallel_loop3A_285] {strides = array<i32>} : memref<32x512xf32, #tpu.memory_space<vmem>>, vector<16xf32>,
        tpu.vector_store %arg13[%parallel_loop3A_284, %parallel_loop3A_285], %parallel_loop3A_283 {strides = array<i32>} : memref<32x512xf32, #tpu.memory_space<vmem>>, vector<16xf32>,
        %parallel_loop3A_287 = arith.addi %parallel_loop3A_236, %add3A_45 : vector<16xi32>
        %parallel_loop3A_288 = tpu.vector_load_idx %arg10[%parallel_loop3A_287] : memref<16896xf32, #tpu.memory_space<vmem>>[vector<16xi32>], vector<16xf32>,
        %parallel_loop3A_289 = arith.index_cast %parallel_loop3A_189 : i32 to index
        %parallel_loop3A_290 = arith.constant 160 : index
        %parallel_loop3A_291 = tpu.vector_load %arg13[%parallel_loop3A_289, %parallel_loop3A_290] {strides = array<i32>} : memref<32x512xf32, #tpu.memory_space<vmem>>, vector<16xf32>,
        tpu.vector_store %arg13[%parallel_loop3A_289, %parallel_loop3A_290], %parallel_loop3A_288 {strides = array<i32>} : memref<32x512xf32, #tpu.memory_space<vmem>>, vector<16xf32>,
        %parallel_loop3A_292 = arith.addi %parallel_loop3A_236, %add3A_49 : vector<16xi32>
        %parallel_loop3A_293 = tpu.vector_load_idx %arg10[%parallel_loop3A_292] : memref<16896xf32, #tpu.memory_space<vmem>>[vector<16xi32>], vector<16xf32>,
        %parallel_loop3A_294 = arith.index_cast %parallel_loop3A_189 : i32 to index
        %parallel_loop3A_295 = arith.constant 176 : index
        %parallel_loop3A_296 = tpu.vector_load %arg13[%parallel_loop3A_294, %parallel_loop3A_295] {strides = array<i32>} : memref<32x512xf32, #tpu.memory_space<vmem>>, vector<16xf32>,
        tpu.vector_store %arg13[%parallel_loop3A_294, %parallel_loop3A_295], %parallel_loop3A_293 {strides = array<i32>} : memref<32x512xf32, #tpu.memory_space<vmem>>, vector<16xf32>,
        %parallel_loop3A_297 = arith.addi %parallel_loop3A_236, %add3A_53 : vector<16xi32>
        %parallel_loop3A_298 = tpu.vector_load_idx %arg10[%parallel_loop3A_297] : memref<16896xf32, #tpu.memory_space<vmem>>[vector<16xi32>], vector<16xf32>,
        %parallel_loop3A_299 = arith.index_cast %parallel_loop3A_189 : i32 to index
        %parallel_loop3A_300 = arith.constant 192 : index
        %parallel_loop3A_301 = tpu.vector_load %arg13[%parallel_loop3A_299, %parallel_loop3A_300] {strides = array<i32>} : memref<32x512xf32, #tpu.memory_space<vmem>>, vector<16xf32>,
        tpu.vector_store %arg13[%parallel_loop3A_299, %parallel_loop3A_300], %parallel_loop3A_298 {strides = array<i32>} : memref<32x512xf32, #tpu.memory_space<vmem>>, vector<16xf32>,
        %parallel_loop3A_302 = arith.addi %parallel_loop3A_236, %add3A_57 : vector<16xi32>
        %parallel_loop3A_303 = tpu.vector_load_idx %arg10[%parallel_loop3A_302] : memref<16896xf32, #tpu.memory_space<vmem>>[vector<16xi32>], vector<16xf32>,
        %parallel_loop3A_304 = arith.index_cast %parallel_loop3A_189 : i32 to index
        %parallel_loop3A_305 = arith.constant 208 : index
        %parallel_loop3A_306 = tpu.vector_load %arg13[%parallel_loop3A_304, %parallel_loop3A_305] {strides = array<i32>} : memref<32x512xf32, #tpu.memory_space<vmem>>, vector<16xf32>,
        tpu.vector_store %arg13[%parallel_loop3A_304, %parallel_loop3A_305], %parallel_loop3A_303 {strides = array<i32>} : memref<32x512xf32, #tpu.memory_space<vmem>>, vector<16xf32>,
        %parallel_loop3A_307 = arith.addi %parallel_loop3A_236, %add3A_61 : vector<16xi32>
        %parallel_loop3A_308 = tpu.vector_load_idx %arg10[%parallel_loop3A_307] : memref<16896xf32, #tpu.memory_space<vmem>>[vector<16xi32>], vector<16xf32>,
        %parallel_loop3A_309 = arith.index_cast %parallel_loop3A_189 : i32 to index
        %parallel_loop3A_310 = arith.constant 224 : index
        %parallel_loop3A_311 = tpu.vector_load %arg13[%parallel_loop3A_309, %parallel_loop3A_310] {strides = array<i32>} : memref<32x512xf32, #tpu.memory_space<vmem>>, vector<16xf32>,
        tpu.vector_store %arg13[%parallel_loop3A_309, %parallel_loop3A_310], %parallel_loop3A_308 {strides = array<i32>} : memref<32x512xf32, #tpu.memory_space<vmem>>, vector<16xf32>,
        %parallel_loop3A_312 = arith.addi %parallel_loop3A_236, %add3A_65 : vector<16xi32>
        %parallel_loop3A_313 = tpu.vector_load_idx %arg10[%parallel_loop3A_312] : memref<16896xf32, #tpu.memory_space<vmem>>[vector<16xi32>], vector<16xf32>,
        %parallel_loop3A_314 = arith.index_cast %parallel_loop3A_189 : i32 to index
        %parallel_loop3A_315 = arith.constant 240 : index
        %parallel_loop3A_316 = tpu.vector_load %arg13[%parallel_loop3A_314, %parallel_loop3A_315] {strides = array<i32>} : memref<32x512xf32, #tpu.memory_space<vmem>>, vector<16xf32>,
        tpu.vector_store %arg13[%parallel_loop3A_314, %parallel_loop3A_315], %parallel_loop3A_313 {strides = array<i32>} : memref<32x512xf32, #tpu.memory_space<vmem>>, vector<16xf32>,
        %parallel_loop3A_317 = arith.addi %parallel_loop3A_236, %add3A_69 : vector<16xi32>
        %parallel_loop3A_318 = tpu.vector_load_idx %arg10[%parallel_loop3A_317] : memref<16896xf32, #tpu.memory_space<vmem>>[vector<16xi32>], vector<16xf32>,
        %parallel_loop3A_319 = arith.index_cast %parallel_loop3A_189 : i32 to index
        %parallel_loop3A_320 = arith.constant 256 : index
        %parallel_loop3A_321 = tpu.vector_load %arg13[%parallel_loop3A_319, %parallel_loop3A_320] {strides = array<i32>} : memref<32x512xf32, #tpu.memory_space<vmem>>, vector<16xf32>,
        tpu.vector_store %arg13[%parallel_loop3A_319, %parallel_loop3A_320], %parallel_loop3A_318 {strides = array<i32>} : memref<32x512xf32, #tpu.memory_space<vmem>>, vector<16xf32>,
        %parallel_loop3A_322 = arith.addi %parallel_loop3A_236, %add3A_73 : vector<16xi32>
        %parallel_loop3A_323 = tpu.vector_load_idx %arg10[%parallel_loop3A_322] : memref<16896xf32, #tpu.memory_space<vmem>>[vector<16xi32>], vector<16xf32>,
        %parallel_loop3A_324 = arith.index_cast %parallel_loop3A_189 : i32 to index
        %parallel_loop3A_325 = arith.constant 272 : index
        %parallel_loop3A_326 = tpu.vector_load %arg13[%parallel_loop3A_324, %parallel_loop3A_325] {strides = array<i32>} : memref<32x512xf32, #tpu.memory_space<vmem>>, vector<16xf32>,
        tpu.vector_store %arg13[%parallel_loop3A_324, %parallel_loop3A_325], %parallel_loop3A_323 {strides = array<i32>} : memref<32x512xf32, #tpu.memory_space<vmem>>, vector<16xf32>,
        %parallel_loop3A_327 = arith.addi %parallel_loop3A_236, %add3A_77 : vector<16xi32>
        %parallel_loop3A_328 = tpu.vector_load_idx %arg10[%parallel_loop3A_327] : memref<16896xf32, #tpu.memory_space<vmem>>[vector<16xi32>], vector<16xf32>,
        %parallel_loop3A_329 = arith.index_cast %parallel_loop3A_189 : i32 to index
        %parallel_loop3A_330 = arith.constant 288 : index
        %parallel_loop3A_331 = tpu.vector_load %arg13[%parallel_loop3A_329, %parallel_loop3A_330] {strides = array<i32>} : memref<32x512xf32, #tpu.memory_space<vmem>>, vector<16xf32>,
        tpu.vector_store %arg13[%parallel_loop3A_329, %parallel_loop3A_330], %parallel_loop3A_328 {strides = array<i32>} : memref<32x512xf32, #tpu.memory_space<vmem>>, vector<16xf32>,
        %parallel_loop3A_332 = arith.addi %parallel_loop3A_236, %add3A_81 : vector<16xi32>
        %parallel_loop3A_333 = tpu.vector_load_idx %arg10[%parallel_loop3A_332] : memref<16896xf32, #tpu.memory_space<vmem>>[vector<16xi32>], vector<16xf32>,
        %parallel_loop3A_334 = arith.index_cast %parallel_loop3A_189 : i32 to index
        %parallel_loop3A_335 = arith.constant 304 : index
        %parallel_loop3A_336 = tpu.vector_load %arg13[%parallel_loop3A_334, %parallel_loop3A_335] {strides = array<i32>} : memref<32x512xf32, #tpu.memory_space<vmem>>, vector<16xf32>,
        tpu.vector_store %arg13[%parallel_loop3A_334, %parallel_loop3A_335], %parallel_loop3A_333 {strides = array<i32>} : memref<32x512xf32, #tpu.memory_space<vmem>>, vector<16xf32>,
        %parallel_loop3A_337 = arith.addi %parallel_loop3A_236, %add3A_85 : vector<16xi32>
        %parallel_loop3A_338 = tpu.vector_load_idx %arg10[%parallel_loop3A_337] : memref<16896xf32, #tpu.memory_space<vmem>>[vector<16xi32>], vector<16xf32>,
        %parallel_loop3A_339 = arith.index_cast %parallel_loop3A_189 : i32 to index
        %parallel_loop3A_340 = arith.constant 320 : index
        %parallel_loop3A_341 = tpu.vector_load %arg13[%parallel_loop3A_339, %parallel_loop3A_340] {strides = array<i32>} : memref<32x512xf32, #tpu.memory_space<vmem>>, vector<16xf32>,
        tpu.vector_store %arg13[%parallel_loop3A_339, %parallel_loop3A_340], %parallel_loop3A_338 {strides = array<i32>} : memref<32x512xf32, #tpu.memory_space<vmem>>, vector<16xf32>,
        %parallel_loop3A_342 = arith.addi %parallel_loop3A_236, %add3A_89 : vector<16xi32>
        %parallel_loop3A_343 = tpu.vector_load_idx %arg10[%parallel_loop3A_342] : memref<16896xf32, #tpu.memory_space<vmem>>[vector<16xi32>], vector<16xf32>,
        %parallel_loop3A_344 = arith.index_cast %parallel_loop3A_189 : i32 to index
        %parallel_loop3A_345 = arith.constant 336 : index
        %parallel_loop3A_346 = tpu.vector_load %arg13[%parallel_loop3A_344, %parallel_loop3A_345] {strides = array<i32>} : memref<32x512xf32, #tpu.memory_space<vmem>>, vector<16xf32>,
        tpu.vector_store %arg13[%parallel_loop3A_344, %parallel_loop3A_345], %parallel_loop3A_343 {strides = array<i32>} : memref<32x512xf32, #tpu.memory_space<vmem>>, vector<16xf32>,
        %parallel_loop3A_347 = arith.addi %parallel_loop3A_236, %add3A_93 : vector<16xi32>
        %parallel_loop3A_348 = tpu.vector_load_idx %arg10[%parallel_loop3A_347] : memref<16896xf32, #tpu.memory_space<vmem>>[vector<16xi32>], vector<16xf32>,
        %parallel_loop3A_349 = arith.index_cast %parallel_loop3A_189 : i32 to index
        %parallel_loop3A_350 = arith.constant 352 : index
        %parallel_loop3A_351 = tpu.vector_load %arg13[%parallel_loop3A_349, %parallel_loop3A_350] {strides = array<i32>} : memref<32x512xf32, #tpu.memory_space<vmem>>, vector<16xf32>,
        tpu.vector_store %arg13[%parallel_loop3A_349, %parallel_loop3A_350], %parallel_loop3A_348 {strides = array<i32>} : memref<32x512xf32, #tpu.memory_space<vmem>>, vector<16xf32>,
        %parallel_loop3A_352 = arith.addi %parallel_loop3A_236, %add3A_97 : vector<16xi32>
        %parallel_loop3A_353 = tpu.vector_load_idx %arg10[%parallel_loop3A_352] : memref<16896xf32, #tpu.memory_space<vmem>>[vector<16xi32>], vector<16xf32>,
        %parallel_loop3A_354 = arith.index_cast %parallel_loop3A_189 : i32 to index
        %parallel_loop3A_355 = arith.constant 368 : index
        %parallel_loop3A_356 = tpu.vector_load %arg13[%parallel_loop3A_354, %parallel_loop3A_355] {strides = array<i32>} : memref<32x512xf32, #tpu.memory_space<vmem>>, vector<16xf32>,
        tpu.vector_store %arg13[%parallel_loop3A_354, %parallel_loop3A_355], %parallel_loop3A_353 {strides = array<i32>} : memref<32x512xf32, #tpu.memory_space<vmem>>, vector<16xf32>,
        %parallel_loop3A_357 = arith.addi %parallel_loop3A_236, %add3A_101 : vector<16xi32>
        %parallel_loop3A_358 = tpu.vector_load_idx %arg10[%parallel_loop3A_357] : memref<16896xf32, #tpu.memory_space<vmem>>[vector<16xi32>], vector<16xf32>,
        %parallel_loop3A_359 = arith.index_cast %parallel_loop3A_189 : i32 to index
        %parallel_loop3A_360 = arith.constant 384 : index
        %parallel_loop3A_361 = tpu.vector_load %arg13[%parallel_loop3A_359, %parallel_loop3A_360] {strides = array<i32>} : memref<32x512xf32, #tpu.memory_space<vmem>>, vector<16xf32>,
        tpu.vector_store %arg13[%parallel_loop3A_359, %parallel_loop3A_360], %parallel_loop3A_358 {strides = array<i32>} : memref<32x512xf32, #tpu.memory_space<vmem>>, vector<16xf32>,
        %parallel_loop3A_362 = arith.addi %parallel_loop3A_236, %add3A_105 : vector<16xi32>
        %parallel_loop3A_363 = tpu.vector_load_idx %arg10[%parallel_loop3A_362] : memref<16896xf32, #tpu.memory_space<vmem>>[vector<16xi32>], vector<16xf32>,
        %parallel_loop3A_364 = arith.index_cast %parallel_loop3A_189 : i32 to index
        %parallel_loop3A_365 = arith.constant 400 : index
        %parallel_loop3A_366 = tpu.vector_load %arg13[%parallel_loop3A_364, %parallel_loop3A_365] {strides = array<i32>} : memref<32x512xf32, #tpu.memory_space<vmem>>, vector<16xf32>,
        tpu.vector_store %arg13[%parallel_loop3A_364, %parallel_loop3A_365], %parallel_loop3A_363 {strides = array<i32>} : memref<32x512xf32, #tpu.memory_space<vmem>>, vector<16xf32>,
        %parallel_loop3A_367 = arith.addi %parallel_loop3A_236, %add3A_109 : vector<16xi32>
        %parallel_loop3A_368 = tpu.vector_load_idx %arg10[%parallel_loop3A_367] : memref<16896xf32, #tpu.memory_space<vmem>>[vector<16xi32>], vector<16xf32>,
        %parallel_loop3A_369 = arith.index_cast %parallel_loop3A_189 : i32 to index
        %parallel_loop3A_370 = arith.constant 416 : index
        %parallel_loop3A_371 = tpu.vector_load %arg13[%parallel_loop3A_369, %parallel_loop3A_370] {strides = array<i32>} : memref<32x512xf32, #tpu.memory_space<vmem>>, vector<16xf32>,
        tpu.vector_store %arg13[%parallel_loop3A_369, %parallel_loop3A_370], %parallel_loop3A_368 {strides = array<i32>} : memref<32x512xf32, #tpu.memory_space<vmem>>, vector<16xf32>,
        %parallel_loop3A_372 = arith.addi %parallel_loop3A_236, %add3A_113 : vector<16xi32>
        %parallel_loop3A_373 = tpu.vector_load_idx %arg10[%parallel_loop3A_372] : memref<16896xf32, #tpu.memory_space<vmem>>[vector<16xi32>], vector<16xf32>,
        %parallel_loop3A_374 = arith.index_cast %parallel_loop3A_189 : i32 to index
        %parallel_loop3A_375 = arith.constant 432 : index
        %parallel_loop3A_376 = tpu.vector_load %arg13[%parallel_loop3A_374, %parallel_loop3A_375] {strides = array<i32>} : memref<32x512xf32, #tpu.memory_space<vmem>>, vector<16xf32>,
        tpu.vector_store %arg13[%parallel_loop3A_374, %parallel_loop3A_375], %parallel_loop3A_373 {strides = array<i32>} : memref<32x512xf32, #tpu.memory_space<vmem>>, vector<16xf32>,
        %parallel_loop3A_377 = arith.addi %parallel_loop3A_236, %add3A_117 : vector<16xi32>
        %parallel_loop3A_378 = tpu.vector_load_idx %arg10[%parallel_loop3A_377] : memref<16896xf32, #tpu.memory_space<vmem>>[vector<16xi32>], vector<16xf32>,
        %parallel_loop3A_379 = arith.index_cast %parallel_loop3A_189 : i32 to index
        %parallel_loop3A_380 = arith.constant 448 : index
        %parallel_loop3A_381 = tpu.vector_load %arg13[%parallel_loop3A_379, %parallel_loop3A_380] {strides = array<i32>} : memref<32x512xf32, #tpu.memory_space<vmem>>, vector<16xf32>,
        tpu.vector_store %arg13[%parallel_loop3A_379, %parallel_loop3A_380], %parallel_loop3A_378 {strides = array<i32>} : memref<32x512xf32, #tpu.memory_space<vmem>>, vector<16xf32>,
        %parallel_loop3A_382 = arith.addi %parallel_loop3A_236, %add3A_121 : vector<16xi32>
        %parallel_loop3A_383 = tpu.vector_load_idx %arg10[%parallel_loop3A_382] : memref<16896xf32, #tpu.memory_space<vmem>>[vector<16xi32>], vector<16xf32>,
        %parallel_loop3A_384 = arith.index_cast %parallel_loop3A_189 : i32 to index
        %parallel_loop3A_385 = arith.constant 464 : index
        %parallel_loop3A_386 = tpu.vector_load %arg13[%parallel_loop3A_384, %parallel_loop3A_385] {strides = array<i32>} : memref<32x512xf32, #tpu.memory_space<vmem>>, vector<16xf32>,
        tpu.vector_store %arg13[%parallel_loop3A_384, %parallel_loop3A_385], %parallel_loop3A_383 {strides = array<i32>} : memref<32x512xf32, #tpu.memory_space<vmem>>, vector<16xf32>,
        %parallel_loop3A_387 = arith.addi %parallel_loop3A_236, %add3A_125 : vector<16xi32>
        %parallel_loop3A_388 = tpu.vector_load_idx %arg10[%parallel_loop3A_387] : memref<16896xf32, #tpu.memory_space<vmem>>[vector<16xi32>], vector<16xf32>,
        %parallel_loop3A_389 = arith.index_cast %parallel_loop3A_189 : i32 to index
        %parallel_loop3A_390 = arith.constant 480 : index
        %parallel_loop3A_391 = tpu.vector_load %arg13[%parallel_loop3A_389, %parallel_loop3A_390] {strides = array<i32>} : memref<32x512xf32, #tpu.memory_space<vmem>>, vector<16xf32>,
        tpu.vector_store %arg13[%parallel_loop3A_389, %parallel_loop3A_390], %parallel_loop3A_388 {strides = array<i32>} : memref<32x512xf32, #tpu.memory_space<vmem>>, vector<16xf32>,
        %parallel_loop3A_392 = arith.addi %parallel_loop3A_236, %add3A_129 : vector<16xi32>
        %parallel_loop3A_393 = tpu.vector_load_idx %arg10[%parallel_loop3A_392] : memref<16896xf32, #tpu.memory_space<vmem>>[vector<16xi32>], vector<16xf32>,
        %parallel_loop3A_394 = arith.index_cast %parallel_loop3A_189 : i32 to index
        %parallel_loop3A_395 = arith.constant 496 : index
        %parallel_loop3A_396 = tpu.vector_load %arg13[%parallel_loop3A_394, %parallel_loop3A_395] {strides = array<i32>} : memref<32x512xf32, #tpu.memory_space<vmem>>, vector<16xf32>,
        tpu.vector_store %arg13[%parallel_loop3A_394, %parallel_loop3A_395], %parallel_loop3A_393 {strides = array<i32>} : memref<32x512xf32, #tpu.memory_space<vmem>>, vector<16xf32>,
      } {sc.loop_unroll_factor = 2 : i64, sc.parallel_access}
      %add3A_159 = arith.addi %mul3A_2, %mul3A_154 : i32
      %dma_start3A = arith.constant 0 : i32
      %dma_start3A_160 = tpu.memref_slice %arg6[%add3A_159, %dma_start3A] : memref<32768x512xf32, #tpu.memory_space<hbm>> -> memref<32x512xf32, #tpu.memory_space<hbm>>
      %dma_start3A_161 = arith.constant 0 : i32
      %dma_start3A_162 = tpu.memref_slice %arg6[%add3A_159, %dma_start3A_161] : memref<32768x512xf32, #tpu.memory_space<hbm>> -> memref<32x512xf32, #tpu.memory_space<hbm>>
      tpu.enqueue_dma source(%arg13 : memref<32x512xf32, #tpu.memory_space<vmem>>) target(%dma_start3A_162 : memref<32x512xf32, #tpu.memory_space<hbm>>) target_semaphore(%arg16 : memref<!tpu.dma_semaphore, #tpu.memory_space<semaphore_mem>>)
      %gt3A_163 = arith.constant 0 : i32
      %gt3A_164 = arith.cmpi sgt, %scan3A_152, %gt3A_163 : i32
      %convert_element_type3A_165 = arith.extui %gt3A_164 : i1 to i32
      %cond3A_166 = arith.constant 0 : i32
      %cond3A_167 = arith.cmpi ne, %convert_element_type3A_165, %cond3A_166 : i32
      scf.if %cond3A_167 {
        %dma_wait3A_189 = arith.constant 0 : i32
        %dma_wait3A_190 = arith.constant 0 : i32
        %dma_wait3A_191 = tpu.memref_slice %arg6[%dma_wait3A_189, %dma_wait3A_190] : memref<32768x512xf32, #tpu.memory_space<hbm>> -> memref<32x512xf32, #tpu.memory_space<hbm>>
        %dma_wait3A_192 = arith.constant 0 : i32
        %dma_wait3A_193 = arith.constant 0 : i32
        %dma_wait3A_194 = tpu.memref_slice %arg6[%dma_wait3A_192, %dma_wait3A_193] : memref<32768x512xf32, #tpu.memory_space<hbm>> -> memref<32x512xf32, #tpu.memory_space<hbm>>
        tpu.wait_dma2 semaphore(%arg16 : memref<!tpu.dma_semaphore, #tpu.memory_space<semaphore_mem>>) src(%arg13 : memref<32x512xf32, #tpu.memory_space<vmem>>) dst(%dma_wait3A_194 : memref<32x512xf32, #tpu.memory_space<hbm>>)
      } else {
      }
      %parallel_loop3A_168 = arith.constant 0 : i32
      %parallel_loop3A_169 = arith.constant 32 : i32
      %parallel_loop3A_170 = arith.constant 1 : i32
      scf.for %parallel_loop3A_189 = %parallel_loop3A_168 to %parallel_loop3A_169 step %parallel_loop3A_170  : i32 {
        %parallel_loop3A_190 = arith.addi %mul3A_154, %parallel_loop3A_189 : i32
        %parallel_loop3A_191 = arith.constant 128 : i32
        %parallel_loop3A_192 = arith.divsi %parallel_loop3A_190, %parallel_loop3A_191 : i32
        %parallel_loop3A_193 = arith.constant 0 : i32
        %parallel_loop3A_194 = arith.cmpi sgt, %parallel_loop3A_190, %parallel_loop3A_193 : i32
        %parallel_loop3A_195 = arith.extui %parallel_loop3A_194 : i1 to i32
        %parallel_loop3A_196 = arith.constant 0 : i32
        %parallel_loop3A_197 = arith.cmpi slt, %parallel_loop3A_190, %parallel_loop3A_196 : i32
        %parallel_loop3A_198 = arith.extui %parallel_loop3A_197 : i1 to i32
        %parallel_loop3A_199 = arith.subi %parallel_loop3A_195, %parallel_loop3A_198 : i32
        %parallel_loop3A_200 = arith.constant 0 : i32
        %parallel_loop3A_201 = arith.cmpi sgt, %parallel_loop3A_191, %parallel_loop3A_200 : i32
        %parallel_loop3A_202 = arith.extui %parallel_loop3A_201 : i1 to i32
        %parallel_loop3A_203 = arith.constant 0 : i32
        %parallel_loop3A_204 = arith.cmpi slt, %parallel_loop3A_191, %parallel_loop3A_203 : i32
        %parallel_loop3A_205 = arith.extui %parallel_loop3A_204 : i1 to i32
        %parallel_loop3A_206 = arith.subi %parallel_loop3A_202, %parallel_loop3A_205 : i32
        %parallel_loop3A_207 = arith.cmpi ne, %parallel_loop3A_199, %parallel_loop3A_206 : i32
        %parallel_loop3A_208 = arith.remsi %parallel_loop3A_190, %parallel_loop3A_191 : i32
        %parallel_loop3A_209 = arith.constant 0 : i32
        %parallel_loop3A_210 = arith.cmpi ne, %parallel_loop3A_208, %parallel_loop3A_209 : i32
        %parallel_loop3A_211 = arith.andi %parallel_loop3A_207, %parallel_loop3A_210 : i1
        %parallel_loop3A_212 = arith.constant 1 : i32
        %parallel_loop3A_213 = arith.subi %parallel_loop3A_192, %parallel_loop3A_212 : i32
        %parallel_loop3A_214 = arith.select %parallel_loop3A_211, %parallel_loop3A_213, %parallel_loop3A_192 : i32
        %parallel_loop3A_215 = vector.broadcast %parallel_loop3A_214 : i32 to vector<16xi32>
        %parallel_loop3A_216 = arith.constant 128 : i32
        %parallel_loop3A_217 = arith.constant 0 : i32
        %parallel_loop3A_218 = arith.cmpi eq, %parallel_loop3A_216, %parallel_loop3A_217 : i32
        %parallel_loop3A_219 = arith.constant 1 : i32
        %parallel_loop3A_220 = arith.select %parallel_loop3A_218, %parallel_loop3A_219, %parallel_loop3A_216 : i32
        %parallel_loop3A_221 = arith.remsi %parallel_loop3A_190, %parallel_loop3A_220 : i32
        %parallel_loop3A_222 = arith.constant 0 : i32
        %parallel_loop3A_223 = arith.cmpi ne, %parallel_loop3A_221, %parallel_loop3A_222 : i32
        %parallel_loop3A_224 = arith.constant 0 : i32
        %parallel_loop3A_225 = arith.cmpi slt, %parallel_loop3A_221, %parallel_loop3A_224 : i32
        %parallel_loop3A_226 = arith.constant 0 : i32
        %parallel_loop3A_227 = arith.cmpi slt, %parallel_loop3A_220, %parallel_loop3A_226 : i32
        %parallel_loop3A_228 = arith.xori %parallel_loop3A_225, %parallel_loop3A_227 : i1
        %parallel_loop3A_229 = arith.andi %parallel_loop3A_228, %parallel_loop3A_223 : i1
        %parallel_loop3A_230 = arith.addi %parallel_loop3A_221, %parallel_loop3A_220 : i32
        %parallel_loop3A_231 = arith.select %parallel_loop3A_229, %parallel_loop3A_230, %parallel_loop3A_221 : i32
        %parallel_loop3A_232 = vector.broadcast %parallel_loop3A_231 : i32 to vector<16xi32>
        %parallel_loop3A_233 = tpu.vector_load_idx %arg9[%parallel_loop3A_215, %parallel_loop3A_232] : memref<8x128xi32, #tpu.memory_space<vmem>>[vector<16xi32>, vector<16xi32>], vector<16xi32>,
        %parallel_loop3A_234 = arith.constant 512 : i32
        %parallel_loop3A_235 = vector.broadcast %parallel_loop3A_234 : i32 to vector<16xi32>
        %parallel_loop3A_236 = arith.muli %parallel_loop3A_233, %parallel_loop3A_235 : vector<16xi32>
        %parallel_loop3A_237 = arith.addi %parallel_loop3A_236, %add3A_5 : vector<16xi32>
        %parallel_loop3A_238 = tpu.vector_load_idx %arg11[%parallel_loop3A_237] : memref<16896xf32, #tpu.memory_space<vmem>>[vector<16xi32>], vector<16xf32>,
        %parallel_loop3A_239 = arith.index_cast %parallel_loop3A_189 : i32 to index
        %parallel_loop3A_240 = arith.constant 0 : index
        %parallel_loop3A_241 = tpu.vector_load %arg14[%parallel_loop3A_239, %parallel_loop3A_240] {strides = array<i32>} : memref<32x512xf32, #tpu.memory_space<vmem>>, vector<16xf32>,
        tpu.vector_store %arg14[%parallel_loop3A_239, %parallel_loop3A_240], %parallel_loop3A_238 {strides = array<i32>} : memref<32x512xf32, #tpu.memory_space<vmem>>, vector<16xf32>,
        %parallel_loop3A_242 = arith.addi %parallel_loop3A_236, %add3A_9 : vector<16xi32>
        %parallel_loop3A_243 = tpu.vector_load_idx %arg11[%parallel_loop3A_242] : memref<16896xf32, #tpu.memory_space<vmem>>[vector<16xi32>], vector<16xf32>,
        %parallel_loop3A_244 = arith.index_cast %parallel_loop3A_189 : i32 to index
        %parallel_loop3A_245 = arith.constant 16 : index
        %parallel_loop3A_246 = tpu.vector_load %arg14[%parallel_loop3A_244, %parallel_loop3A_245] {strides = array<i32>} : memref<32x512xf32, #tpu.memory_space<vmem>>, vector<16xf32>,
        tpu.vector_store %arg14[%parallel_loop3A_244, %parallel_loop3A_245], %parallel_loop3A_243 {strides = array<i32>} : memref<32x512xf32, #tpu.memory_space<vmem>>, vector<16xf32>,
        %parallel_loop3A_247 = arith.addi %parallel_loop3A_236, %add3A_13 : vector<16xi32>
        %parallel_loop3A_248 = tpu.vector_load_idx %arg11[%parallel_loop3A_247] : memref<16896xf32, #tpu.memory_space<vmem>>[vector<16xi32>], vector<16xf32>,
        %parallel_loop3A_249 = arith.index_cast %parallel_loop3A_189 : i32 to index
        %parallel_loop3A_250 = arith.constant 32 : index
        %parallel_loop3A_251 = tpu.vector_load %arg14[%parallel_loop3A_249, %parallel_loop3A_250] {strides = array<i32>} : memref<32x512xf32, #tpu.memory_space<vmem>>, vector<16xf32>,
        tpu.vector_store %arg14[%parallel_loop3A_249, %parallel_loop3A_250], %parallel_loop3A_248 {strides = array<i32>} : memref<32x512xf32, #tpu.memory_space<vmem>>, vector<16xf32>,
        %parallel_loop3A_252 = arith.addi %parallel_loop3A_236, %add3A_17 : vector<16xi32>
        %parallel_loop3A_253 = tpu.vector_load_idx %arg11[%parallel_loop3A_252] : memref<16896xf32, #tpu.memory_space<vmem>>[vector<16xi32>], vector<16xf32>,
        %parallel_loop3A_254 = arith.index_cast %parallel_loop3A_189 : i32 to index
        %parallel_loop3A_255 = arith.constant 48 : index
        %parallel_loop3A_256 = tpu.vector_load %arg14[%parallel_loop3A_254, %parallel_loop3A_255] {strides = array<i32>} : memref<32x512xf32, #tpu.memory_space<vmem>>, vector<16xf32>,
        tpu.vector_store %arg14[%parallel_loop3A_254, %parallel_loop3A_255], %parallel_loop3A_253 {strides = array<i32>} : memref<32x512xf32, #tpu.memory_space<vmem>>, vector<16xf32>,
        %parallel_loop3A_257 = arith.addi %parallel_loop3A_236, %add3A_21 : vector<16xi32>
        %parallel_loop3A_258 = tpu.vector_load_idx %arg11[%parallel_loop3A_257] : memref<16896xf32, #tpu.memory_space<vmem>>[vector<16xi32>], vector<16xf32>,
        %parallel_loop3A_259 = arith.index_cast %parallel_loop3A_189 : i32 to index
        %parallel_loop3A_260 = arith.constant 64 : index
        %parallel_loop3A_261 = tpu.vector_load %arg14[%parallel_loop3A_259, %parallel_loop3A_260] {strides = array<i32>} : memref<32x512xf32, #tpu.memory_space<vmem>>, vector<16xf32>,
        tpu.vector_store %arg14[%parallel_loop3A_259, %parallel_loop3A_260], %parallel_loop3A_258 {strides = array<i32>} : memref<32x512xf32, #tpu.memory_space<vmem>>, vector<16xf32>,
        %parallel_loop3A_262 = arith.addi %parallel_loop3A_236, %add3A_25 : vector<16xi32>
        %parallel_loop3A_263 = tpu.vector_load_idx %arg11[%parallel_loop3A_262] : memref<16896xf32, #tpu.memory_space<vmem>>[vector<16xi32>], vector<16xf32>,
        %parallel_loop3A_264 = arith.index_cast %parallel_loop3A_189 : i32 to index
        %parallel_loop3A_265 = arith.constant 80 : index
        %parallel_loop3A_266 = tpu.vector_load %arg14[%parallel_loop3A_264, %parallel_loop3A_265] {strides = array<i32>} : memref<32x512xf32, #tpu.memory_space<vmem>>, vector<16xf32>,
        tpu.vector_store %arg14[%parallel_loop3A_264, %parallel_loop3A_265], %parallel_loop3A_263 {strides = array<i32>} : memref<32x512xf32, #tpu.memory_space<vmem>>, vector<16xf32>,
        %parallel_loop3A_267 = arith.addi %parallel_loop3A_236, %add3A_29 : vector<16xi32>
        %parallel_loop3A_268 = tpu.vector_load_idx %arg11[%parallel_loop3A_267] : memref<16896xf32, #tpu.memory_space<vmem>>[vector<16xi32>], vector<16xf32>,
        %parallel_loop3A_269 = arith.index_cast %parallel_loop3A_189 : i32 to index
        %parallel_loop3A_270 = arith.constant 96 : index
        %parallel_loop3A_271 = tpu.vector_load %arg14[%parallel_loop3A_269, %parallel_loop3A_270] {strides = array<i32>} : memref<32x512xf32, #tpu.memory_space<vmem>>, vector<16xf32>,
        tpu.vector_store %arg14[%parallel_loop3A_269, %parallel_loop3A_270], %parallel_loop3A_268 {strides = array<i32>} : memref<32x512xf32, #tpu.memory_space<vmem>>, vector<16xf32>,
        %parallel_loop3A_272 = arith.addi %parallel_loop3A_236, %add3A_33 : vector<16xi32>
        %parallel_loop3A_273 = tpu.vector_load_idx %arg11[%parallel_loop3A_272] : memref<16896xf32, #tpu.memory_space<vmem>>[vector<16xi32>], vector<16xf32>,
        %parallel_loop3A_274 = arith.index_cast %parallel_loop3A_189 : i32 to index
        %parallel_loop3A_275 = arith.constant 112 : index
        %parallel_loop3A_276 = tpu.vector_load %arg14[%parallel_loop3A_274, %parallel_loop3A_275] {strides = array<i32>} : memref<32x512xf32, #tpu.memory_space<vmem>>, vector<16xf32>,
        tpu.vector_store %arg14[%parallel_loop3A_274, %parallel_loop3A_275], %parallel_loop3A_273 {strides = array<i32>} : memref<32x512xf32, #tpu.memory_space<vmem>>, vector<16xf32>,
        %parallel_loop3A_277 = arith.addi %parallel_loop3A_236, %add3A_37 : vector<16xi32>
        %parallel_loop3A_278 = tpu.vector_load_idx %arg11[%parallel_loop3A_277] : memref<16896xf32, #tpu.memory_space<vmem>>[vector<16xi32>], vector<16xf32>,
        %parallel_loop3A_279 = arith.index_cast %parallel_loop3A_189 : i32 to index
        %parallel_loop3A_280 = arith.constant 128 : index
        %parallel_loop3A_281 = tpu.vector_load %arg14[%parallel_loop3A_279, %parallel_loop3A_280] {strides = array<i32>} : memref<32x512xf32, #tpu.memory_space<vmem>>, vector<16xf32>,
        tpu.vector_store %arg14[%parallel_loop3A_279, %parallel_loop3A_280], %parallel_loop3A_278 {strides = array<i32>} : memref<32x512xf32, #tpu.memory_space<vmem>>, vector<16xf32>,
        %parallel_loop3A_282 = arith.addi %parallel_loop3A_236, %add3A_41 : vector<16xi32>
        %parallel_loop3A_283 = tpu.vector_load_idx %arg11[%parallel_loop3A_282] : memref<16896xf32, #tpu.memory_space<vmem>>[vector<16xi32>], vector<16xf32>,
        %parallel_loop3A_284 = arith.index_cast %parallel_loop3A_189 : i32 to index
        %parallel_loop3A_285 = arith.constant 144 : index
        %parallel_loop3A_286 = tpu.vector_load %arg14[%parallel_loop3A_284, %parallel_loop3A_285] {strides = array<i32>} : memref<32x512xf32, #tpu.memory_space<vmem>>, vector<16xf32>,
        tpu.vector_store %arg14[%parallel_loop3A_284, %parallel_loop3A_285], %parallel_loop3A_283 {strides = array<i32>} : memref<32x512xf32, #tpu.memory_space<vmem>>, vector<16xf32>,
        %parallel_loop3A_287 = arith.addi %parallel_loop3A_236, %add3A_45 : vector<16xi32>
        %parallel_loop3A_288 = tpu.vector_load_idx %arg11[%parallel_loop3A_287] : memref<16896xf32, #tpu.memory_space<vmem>>[vector<16xi32>], vector<16xf32>,
        %parallel_loop3A_289 = arith.index_cast %parallel_loop3A_189 : i32 to index
        %parallel_loop3A_290 = arith.constant 160 : index
        %parallel_loop3A_291 = tpu.vector_load %arg14[%parallel_loop3A_289, %parallel_loop3A_290] {strides = array<i32>} : memref<32x512xf32, #tpu.memory_space<vmem>>, vector<16xf32>,
        tpu.vector_store %arg14[%parallel_loop3A_289, %parallel_loop3A_290], %parallel_loop3A_288 {strides = array<i32>} : memref<32x512xf32, #tpu.memory_space<vmem>>, vector<16xf32>,
        %parallel_loop3A_292 = arith.addi %parallel_loop3A_236, %add3A_49 : vector<16xi32>
        %parallel_loop3A_293 = tpu.vector_load_idx %arg11[%parallel_loop3A_292] : memref<16896xf32, #tpu.memory_space<vmem>>[vector<16xi32>], vector<16xf32>,
        %parallel_loop3A_294 = arith.index_cast %parallel_loop3A_189 : i32 to index
        %parallel_loop3A_295 = arith.constant 176 : index
        %parallel_loop3A_296 = tpu.vector_load %arg14[%parallel_loop3A_294, %parallel_loop3A_295] {strides = array<i32>} : memref<32x512xf32, #tpu.memory_space<vmem>>, vector<16xf32>,
        tpu.vector_store %arg14[%parallel_loop3A_294, %parallel_loop3A_295], %parallel_loop3A_293 {strides = array<i32>} : memref<32x512xf32, #tpu.memory_space<vmem>>, vector<16xf32>,
        %parallel_loop3A_297 = arith.addi %parallel_loop3A_236, %add3A_53 : vector<16xi32>
        %parallel_loop3A_298 = tpu.vector_load_idx %arg11[%parallel_loop3A_297] : memref<16896xf32, #tpu.memory_space<vmem>>[vector<16xi32>], vector<16xf32>,
        %parallel_loop3A_299 = arith.index_cast %parallel_loop3A_189 : i32 to index
        %parallel_loop3A_300 = arith.constant 192 : index
        %parallel_loop3A_301 = tpu.vector_load %arg14[%parallel_loop3A_299, %parallel_loop3A_300] {strides = array<i32>} : memref<32x512xf32, #tpu.memory_space<vmem>>, vector<16xf32>,
        tpu.vector_store %arg14[%parallel_loop3A_299, %parallel_loop3A_300], %parallel_loop3A_298 {strides = array<i32>} : memref<32x512xf32, #tpu.memory_space<vmem>>, vector<16xf32>,
        %parallel_loop3A_302 = arith.addi %parallel_loop3A_236, %add3A_57 : vector<16xi32>
        %parallel_loop3A_303 = tpu.vector_load_idx %arg11[%parallel_loop3A_302] : memref<16896xf32, #tpu.memory_space<vmem>>[vector<16xi32>], vector<16xf32>,
        %parallel_loop3A_304 = arith.index_cast %parallel_loop3A_189 : i32 to index
        %parallel_loop3A_305 = arith.constant 208 : index
        %parallel_loop3A_306 = tpu.vector_load %arg14[%parallel_loop3A_304, %parallel_loop3A_305] {strides = array<i32>} : memref<32x512xf32, #tpu.memory_space<vmem>>, vector<16xf32>,
        tpu.vector_store %arg14[%parallel_loop3A_304, %parallel_loop3A_305], %parallel_loop3A_303 {strides = array<i32>} : memref<32x512xf32, #tpu.memory_space<vmem>>, vector<16xf32>,
        %parallel_loop3A_307 = arith.addi %parallel_loop3A_236, %add3A_61 : vector<16xi32>
        %parallel_loop3A_308 = tpu.vector_load_idx %arg11[%parallel_loop3A_307] : memref<16896xf32, #tpu.memory_space<vmem>>[vector<16xi32>], vector<16xf32>,
        %parallel_loop3A_309 = arith.index_cast %parallel_loop3A_189 : i32 to index
        %parallel_loop3A_310 = arith.constant 224 : index
        %parallel_loop3A_311 = tpu.vector_load %arg14[%parallel_loop3A_309, %parallel_loop3A_310] {strides = array<i32>} : memref<32x512xf32, #tpu.memory_space<vmem>>, vector<16xf32>,
        tpu.vector_store %arg14[%parallel_loop3A_309, %parallel_loop3A_310], %parallel_loop3A_308 {strides = array<i32>} : memref<32x512xf32, #tpu.memory_space<vmem>>, vector<16xf32>,
        %parallel_loop3A_312 = arith.addi %parallel_loop3A_236, %add3A_65 : vector<16xi32>
        %parallel_loop3A_313 = tpu.vector_load_idx %arg11[%parallel_loop3A_312] : memref<16896xf32, #tpu.memory_space<vmem>>[vector<16xi32>], vector<16xf32>,
        %parallel_loop3A_314 = arith.index_cast %parallel_loop3A_189 : i32 to index
        %parallel_loop3A_315 = arith.constant 240 : index
        %parallel_loop3A_316 = tpu.vector_load %arg14[%parallel_loop3A_314, %parallel_loop3A_315] {strides = array<i32>} : memref<32x512xf32, #tpu.memory_space<vmem>>, vector<16xf32>,
        tpu.vector_store %arg14[%parallel_loop3A_314, %parallel_loop3A_315], %parallel_loop3A_313 {strides = array<i32>} : memref<32x512xf32, #tpu.memory_space<vmem>>, vector<16xf32>,
        %parallel_loop3A_317 = arith.addi %parallel_loop3A_236, %add3A_69 : vector<16xi32>
        %parallel_loop3A_318 = tpu.vector_load_idx %arg11[%parallel_loop3A_317] : memref<16896xf32, #tpu.memory_space<vmem>>[vector<16xi32>], vector<16xf32>,
        %parallel_loop3A_319 = arith.index_cast %parallel_loop3A_189 : i32 to index
        %parallel_loop3A_320 = arith.constant 256 : index
        %parallel_loop3A_321 = tpu.vector_load %arg14[%parallel_loop3A_319, %parallel_loop3A_320] {strides = array<i32>} : memref<32x512xf32, #tpu.memory_space<vmem>>, vector<16xf32>,
        tpu.vector_store %arg14[%parallel_loop3A_319, %parallel_loop3A_320], %parallel_loop3A_318 {strides = array<i32>} : memref<32x512xf32, #tpu.memory_space<vmem>>, vector<16xf32>,
        %parallel_loop3A_322 = arith.addi %parallel_loop3A_236, %add3A_73 : vector<16xi32>
        %parallel_loop3A_323 = tpu.vector_load_idx %arg11[%parallel_loop3A_322] : memref<16896xf32, #tpu.memory_space<vmem>>[vector<16xi32>], vector<16xf32>,
        %parallel_loop3A_324 = arith.index_cast %parallel_loop3A_189 : i32 to index
        %parallel_loop3A_325 = arith.constant 272 : index
        %parallel_loop3A_326 = tpu.vector_load %arg14[%parallel_loop3A_324, %parallel_loop3A_325] {strides = array<i32>} : memref<32x512xf32, #tpu.memory_space<vmem>>, vector<16xf32>,
        tpu.vector_store %arg14[%parallel_loop3A_324, %parallel_loop3A_325], %parallel_loop3A_323 {strides = array<i32>} : memref<32x512xf32, #tpu.memory_space<vmem>>, vector<16xf32>,
        %parallel_loop3A_327 = arith.addi %parallel_loop3A_236, %add3A_77 : vector<16xi32>
        %parallel_loop3A_328 = tpu.vector_load_idx %arg11[%parallel_loop3A_327] : memref<16896xf32, #tpu.memory_space<vmem>>[vector<16xi32>], vector<16xf32>,
        %parallel_loop3A_329 = arith.index_cast %parallel_loop3A_189 : i32 to index
        %parallel_loop3A_330 = arith.constant 288 : index
        %parallel_loop3A_331 = tpu.vector_load %arg14[%parallel_loop3A_329, %parallel_loop3A_330] {strides = array<i32>} : memref<32x512xf32, #tpu.memory_space<vmem>>, vector<16xf32>,
        tpu.vector_store %arg14[%parallel_loop3A_329, %parallel_loop3A_330], %parallel_loop3A_328 {strides = array<i32>} : memref<32x512xf32, #tpu.memory_space<vmem>>, vector<16xf32>,
        %parallel_loop3A_332 = arith.addi %parallel_loop3A_236, %add3A_81 : vector<16xi32>
        %parallel_loop3A_333 = tpu.vector_load_idx %arg11[%parallel_loop3A_332] : memref<16896xf32, #tpu.memory_space<vmem>>[vector<16xi32>], vector<16xf32>,
        %parallel_loop3A_334 = arith.index_cast %parallel_loop3A_189 : i32 to index
        %parallel_loop3A_335 = arith.constant 304 : index
        %parallel_loop3A_336 = tpu.vector_load %arg14[%parallel_loop3A_334, %parallel_loop3A_335] {strides = array<i32>} : memref<32x512xf32, #tpu.memory_space<vmem>>, vector<16xf32>,
        tpu.vector_store %arg14[%parallel_loop3A_334, %parallel_loop3A_335], %parallel_loop3A_333 {strides = array<i32>} : memref<32x512xf32, #tpu.memory_space<vmem>>, vector<16xf32>,
        %parallel_loop3A_337 = arith.addi %parallel_loop3A_236, %add3A_85 : vector<16xi32>
        %parallel_loop3A_338 = tpu.vector_load_idx %arg11[%parallel_loop3A_337] : memref<16896xf32, #tpu.memory_space<vmem>>[vector<16xi32>], vector<16xf32>,
        %parallel_loop3A_339 = arith.index_cast %parallel_loop3A_189 : i32 to index
        %parallel_loop3A_340 = arith.constant 320 : index
        %parallel_loop3A_341 = tpu.vector_load %arg14[%parallel_loop3A_339, %parallel_loop3A_340] {strides = array<i32>} : memref<32x512xf32, #tpu.memory_space<vmem>>, vector<16xf32>,
        tpu.vector_store %arg14[%parallel_loop3A_339, %parallel_loop3A_340], %parallel_loop3A_338 {strides = array<i32>} : memref<32x512xf32, #tpu.memory_space<vmem>>, vector<16xf32>,
        %parallel_loop3A_342 = arith.addi %parallel_loop3A_236, %add3A_89 : vector<16xi32>
        %parallel_loop3A_343 = tpu.vector_load_idx %arg11[%parallel_loop3A_342] : memref<16896xf32, #tpu.memory_space<vmem>>[vector<16xi32>], vector<16xf32>,
        %parallel_loop3A_344 = arith.index_cast %parallel_loop3A_189 : i32 to index
        %parallel_loop3A_345 = arith.constant 336 : index
        %parallel_loop3A_346 = tpu.vector_load %arg14[%parallel_loop3A_344, %parallel_loop3A_345] {strides = array<i32>} : memref<32x512xf32, #tpu.memory_space<vmem>>, vector<16xf32>,
        tpu.vector_store %arg14[%parallel_loop3A_344, %parallel_loop3A_345], %parallel_loop3A_343 {strides = array<i32>} : memref<32x512xf32, #tpu.memory_space<vmem>>, vector<16xf32>,
        %parallel_loop3A_347 = arith.addi %parallel_loop3A_236, %add3A_93 : vector<16xi32>
        %parallel_loop3A_348 = tpu.vector_load_idx %arg11[%parallel_loop3A_347] : memref<16896xf32, #tpu.memory_space<vmem>>[vector<16xi32>], vector<16xf32>,
        %parallel_loop3A_349 = arith.index_cast %parallel_loop3A_189 : i32 to index
        %parallel_loop3A_350 = arith.constant 352 : index
        %parallel_loop3A_351 = tpu.vector_load %arg14[%parallel_loop3A_349, %parallel_loop3A_350] {strides = array<i32>} : memref<32x512xf32, #tpu.memory_space<vmem>>, vector<16xf32>,
        tpu.vector_store %arg14[%parallel_loop3A_349, %parallel_loop3A_350], %parallel_loop3A_348 {strides = array<i32>} : memref<32x512xf32, #tpu.memory_space<vmem>>, vector<16xf32>,
        %parallel_loop3A_352 = arith.addi %parallel_loop3A_236, %add3A_97 : vector<16xi32>
        %parallel_loop3A_353 = tpu.vector_load_idx %arg11[%parallel_loop3A_352] : memref<16896xf32, #tpu.memory_space<vmem>>[vector<16xi32>], vector<16xf32>,
        %parallel_loop3A_354 = arith.index_cast %parallel_loop3A_189 : i32 to index
        %parallel_loop3A_355 = arith.constant 368 : index
        %parallel_loop3A_356 = tpu.vector_load %arg14[%parallel_loop3A_354, %parallel_loop3A_355] {strides = array<i32>} : memref<32x512xf32, #tpu.memory_space<vmem>>, vector<16xf32>,
        tpu.vector_store %arg14[%parallel_loop3A_354, %parallel_loop3A_355], %parallel_loop3A_353 {strides = array<i32>} : memref<32x512xf32, #tpu.memory_space<vmem>>, vector<16xf32>,
        %parallel_loop3A_357 = arith.addi %parallel_loop3A_236, %add3A_101 : vector<16xi32>
        %parallel_loop3A_358 = tpu.vector_load_idx %arg11[%parallel_loop3A_357] : memref<16896xf32, #tpu.memory_space<vmem>>[vector<16xi32>], vector<16xf32>,
        %parallel_loop3A_359 = arith.index_cast %parallel_loop3A_189 : i32 to index
        %parallel_loop3A_360 = arith.constant 384 : index
        %parallel_loop3A_361 = tpu.vector_load %arg14[%parallel_loop3A_359, %parallel_loop3A_360] {strides = array<i32>} : memref<32x512xf32, #tpu.memory_space<vmem>>, vector<16xf32>,
        tpu.vector_store %arg14[%parallel_loop3A_359, %parallel_loop3A_360], %parallel_loop3A_358 {strides = array<i32>} : memref<32x512xf32, #tpu.memory_space<vmem>>, vector<16xf32>,
        %parallel_loop3A_362 = arith.addi %parallel_loop3A_236, %add3A_105 : vector<16xi32>
        %parallel_loop3A_363 = tpu.vector_load_idx %arg11[%parallel_loop3A_362] : memref<16896xf32, #tpu.memory_space<vmem>>[vector<16xi32>], vector<16xf32>,
        %parallel_loop3A_364 = arith.index_cast %parallel_loop3A_189 : i32 to index
        %parallel_loop3A_365 = arith.constant 400 : index
        %parallel_loop3A_366 = tpu.vector_load %arg14[%parallel_loop3A_364, %parallel_loop3A_365] {strides = array<i32>} : memref<32x512xf32, #tpu.memory_space<vmem>>, vector<16xf32>,
        tpu.vector_store %arg14[%parallel_loop3A_364, %parallel_loop3A_365], %parallel_loop3A_363 {strides = array<i32>} : memref<32x512xf32, #tpu.memory_space<vmem>>, vector<16xf32>,
        %parallel_loop3A_367 = arith.addi %parallel_loop3A_236, %add3A_109 : vector<16xi32>
        %parallel_loop3A_368 = tpu.vector_load_idx %arg11[%parallel_loop3A_367] : memref<16896xf32, #tpu.memory_space<vmem>>[vector<16xi32>], vector<16xf32>,
        %parallel_loop3A_369 = arith.index_cast %parallel_loop3A_189 : i32 to index
        %parallel_loop3A_370 = arith.constant 416 : index
        %parallel_loop3A_371 = tpu.vector_load %arg14[%parallel_loop3A_369, %parallel_loop3A_370] {strides = array<i32>} : memref<32x512xf32, #tpu.memory_space<vmem>>, vector<16xf32>,
        tpu.vector_store %arg14[%parallel_loop3A_369, %parallel_loop3A_370], %parallel_loop3A_368 {strides = array<i32>} : memref<32x512xf32, #tpu.memory_space<vmem>>, vector<16xf32>,
        %parallel_loop3A_372 = arith.addi %parallel_loop3A_236, %add3A_113 : vector<16xi32>
        %parallel_loop3A_373 = tpu.vector_load_idx %arg11[%parallel_loop3A_372] : memref<16896xf32, #tpu.memory_space<vmem>>[vector<16xi32>], vector<16xf32>,
        %parallel_loop3A_374 = arith.index_cast %parallel_loop3A_189 : i32 to index
        %parallel_loop3A_375 = arith.constant 432 : index
        %parallel_loop3A_376 = tpu.vector_load %arg14[%parallel_loop3A_374, %parallel_loop3A_375] {strides = array<i32>} : memref<32x512xf32, #tpu.memory_space<vmem>>, vector<16xf32>,
        tpu.vector_store %arg14[%parallel_loop3A_374, %parallel_loop3A_375], %parallel_loop3A_373 {strides = array<i32>} : memref<32x512xf32, #tpu.memory_space<vmem>>, vector<16xf32>,
        %parallel_loop3A_377 = arith.addi %parallel_loop3A_236, %add3A_117 : vector<16xi32>
        %parallel_loop3A_378 = tpu.vector_load_idx %arg11[%parallel_loop3A_377] : memref<16896xf32, #tpu.memory_space<vmem>>[vector<16xi32>], vector<16xf32>,
        %parallel_loop3A_379 = arith.index_cast %parallel_loop3A_189 : i32 to index
        %parallel_loop3A_380 = arith.constant 448 : index
        %parallel_loop3A_381 = tpu.vector_load %arg14[%parallel_loop3A_379, %parallel_loop3A_380] {strides = array<i32>} : memref<32x512xf32, #tpu.memory_space<vmem>>, vector<16xf32>,
        tpu.vector_store %arg14[%parallel_loop3A_379, %parallel_loop3A_380], %parallel_loop3A_378 {strides = array<i32>} : memref<32x512xf32, #tpu.memory_space<vmem>>, vector<16xf32>,
        %parallel_loop3A_382 = arith.addi %parallel_loop3A_236, %add3A_121 : vector<16xi32>
        %parallel_loop3A_383 = tpu.vector_load_idx %arg11[%parallel_loop3A_382] : memref<16896xf32, #tpu.memory_space<vmem>>[vector<16xi32>], vector<16xf32>,
        %parallel_loop3A_384 = arith.index_cast %parallel_loop3A_189 : i32 to index
        %parallel_loop3A_385 = arith.constant 464 : index
        %parallel_loop3A_386 = tpu.vector_load %arg14[%parallel_loop3A_384, %parallel_loop3A_385] {strides = array<i32>} : memref<32x512xf32, #tpu.memory_space<vmem>>, vector<16xf32>,
        tpu.vector_store %arg14[%parallel_loop3A_384, %parallel_loop3A_385], %parallel_loop3A_383 {strides = array<i32>} : memref<32x512xf32, #tpu.memory_space<vmem>>, vector<16xf32>,
        %parallel_loop3A_387 = arith.addi %parallel_loop3A_236, %add3A_125 : vector<16xi32>
        %parallel_loop3A_388 = tpu.vector_load_idx %arg11[%parallel_loop3A_387] : memref<16896xf32, #tpu.memory_space<vmem>>[vector<16xi32>], vector<16xf32>,
        %parallel_loop3A_389 = arith.index_cast %parallel_loop3A_189 : i32 to index
        %parallel_loop3A_390 = arith.constant 480 : index
        %parallel_loop3A_391 = tpu.vector_load %arg14[%parallel_loop3A_389, %parallel_loop3A_390] {strides = array<i32>} : memref<32x512xf32, #tpu.memory_space<vmem>>, vector<16xf32>,
        tpu.vector_store %arg14[%parallel_loop3A_389, %parallel_loop3A_390], %parallel_loop3A_388 {strides = array<i32>} : memref<32x512xf32, #tpu.memory_space<vmem>>, vector<16xf32>,
        %parallel_loop3A_392 = arith.addi %parallel_loop3A_236, %add3A_129 : vector<16xi32>
        %parallel_loop3A_393 = tpu.vector_load_idx %arg11[%parallel_loop3A_392] : memref<16896xf32, #tpu.memory_space<vmem>>[vector<16xi32>], vector<16xf32>,
        %parallel_loop3A_394 = arith.index_cast %parallel_loop3A_189 : i32 to index
        %parallel_loop3A_395 = arith.constant 496 : index
        %parallel_loop3A_396 = tpu.vector_load %arg14[%parallel_loop3A_394, %parallel_loop3A_395] {strides = array<i32>} : memref<32x512xf32, #tpu.memory_space<vmem>>, vector<16xf32>,
        tpu.vector_store %arg14[%parallel_loop3A_394, %parallel_loop3A_395], %parallel_loop3A_393 {strides = array<i32>} : memref<32x512xf32, #tpu.memory_space<vmem>>, vector<16xf32>,
      } {sc.loop_unroll_factor = 2 : i64, sc.parallel_access}
      %add3A_171 = arith.addi %mul3A_2, %mul3A_154 : i32
      %dma_start3A_172 = arith.constant 0 : i32
      %dma_start3A_173 = tpu.memref_slice %arg7[%add3A_171, %dma_start3A_172] : memref<32768x512xf32, #tpu.memory_space<hbm>> -> memref<32x512xf32, #tpu.memory_space<hbm>>
      %dma_start3A_174 = arith.constant 0 : i32
      %dma_start3A_175 = tpu.memref_slice %arg7[%add3A_171, %dma_start3A_174] : memref<32768x512xf32, #tpu.memory_space<hbm>> -> memref<32x512xf32, #tpu.memory_space<hbm>>
      tpu.enqueue_dma source(%arg14 : memref<32x512xf32, #tpu.memory_space<vmem>>) target(%dma_start3A_175 : memref<32x512xf32, #tpu.memory_space<hbm>>) target_semaphore(%arg16 : memref<!tpu.dma_semaphore, #tpu.memory_space<semaphore_mem>>)
      %gt3A_176 = arith.constant 0 : i32
      %gt3A_177 = arith.cmpi sgt, %scan3A_152, %gt3A_176 : i32
      %convert_element_type3A_178 = arith.extui %gt3A_177 : i1 to i32
      %cond3A_179 = arith.constant 0 : i32
      %cond3A_180 = arith.cmpi ne, %convert_element_type3A_178, %cond3A_179 : i32
      scf.if %cond3A_180 {
        %dma_wait3A_189 = arith.constant 0 : i32
        %dma_wait3A_190 = arith.constant 0 : i32
        %dma_wait3A_191 = tpu.memref_slice %arg6[%dma_wait3A_189, %dma_wait3A_190] : memref<32768x512xf32, #tpu.memory_space<hbm>> -> memref<32x512xf32, #tpu.memory_space<hbm>>
        %dma_wait3A_192 = arith.constant 0 : i32
        %dma_wait3A_193 = arith.constant 0 : i32
        %dma_wait3A_194 = tpu.memref_slice %arg6[%dma_wait3A_192, %dma_wait3A_193] : memref<32768x512xf32, #tpu.memory_space<hbm>> -> memref<32x512xf32, #tpu.memory_space<hbm>>
        tpu.wait_dma2 semaphore(%arg16 : memref<!tpu.dma_semaphore, #tpu.memory_space<semaphore_mem>>) src(%arg13 : memref<32x512xf32, #tpu.memory_space<vmem>>) dst(%dma_wait3A_194 : memref<32x512xf32, #tpu.memory_space<hbm>>)
      } else {
      }
      %parallel_loop3A_181 = arith.constant 0 : i32
      %parallel_loop3A_182 = arith.constant 32 : i32
      %parallel_loop3A_183 = arith.constant 1 : i32
      scf.for %parallel_loop3A_189 = %parallel_loop3A_181 to %parallel_loop3A_182 step %parallel_loop3A_183  : i32 {
        %parallel_loop3A_190 = arith.addi %mul3A_154, %parallel_loop3A_189 : i32
        %parallel_loop3A_191 = arith.constant 128 : i32
        %parallel_loop3A_192 = arith.divsi %parallel_loop3A_190, %parallel_loop3A_191 : i32
        %parallel_loop3A_193 = arith.constant 0 : i32
        %parallel_loop3A_194 = arith.cmpi sgt, %parallel_loop3A_190, %parallel_loop3A_193 : i32
        %parallel_loop3A_195 = arith.extui %parallel_loop3A_194 : i1 to i32
        %parallel_loop3A_196 = arith.constant 0 : i32
        %parallel_loop3A_197 = arith.cmpi slt, %parallel_loop3A_190, %parallel_loop3A_196 : i32
        %parallel_loop3A_198 = arith.extui %parallel_loop3A_197 : i1 to i32
        %parallel_loop3A_199 = arith.subi %parallel_loop3A_195, %parallel_loop3A_198 : i32
        %parallel_loop3A_200 = arith.constant 0 : i32
        %parallel_loop3A_201 = arith.cmpi sgt, %parallel_loop3A_191, %parallel_loop3A_200 : i32
        %parallel_loop3A_202 = arith.extui %parallel_loop3A_201 : i1 to i32
        %parallel_loop3A_203 = arith.constant 0 : i32
        %parallel_loop3A_204 = arith.cmpi slt, %parallel_loop3A_191, %parallel_loop3A_203 : i32
        %parallel_loop3A_205 = arith.extui %parallel_loop3A_204 : i1 to i32
        %parallel_loop3A_206 = arith.subi %parallel_loop3A_202, %parallel_loop3A_205 : i32
        %parallel_loop3A_207 = arith.cmpi ne, %parallel_loop3A_199, %parallel_loop3A_206 : i32
        %parallel_loop3A_208 = arith.remsi %parallel_loop3A_190, %parallel_loop3A_191 : i32
        %parallel_loop3A_209 = arith.constant 0 : i32
        %parallel_loop3A_210 = arith.cmpi ne, %parallel_loop3A_208, %parallel_loop3A_209 : i32
        %parallel_loop3A_211 = arith.andi %parallel_loop3A_207, %parallel_loop3A_210 : i1
        %parallel_loop3A_212 = arith.constant 1 : i32
        %parallel_loop3A_213 = arith.subi %parallel_loop3A_192, %parallel_loop3A_212 : i32
        %parallel_loop3A_214 = arith.select %parallel_loop3A_211, %parallel_loop3A_213, %parallel_loop3A_192 : i32
        %parallel_loop3A_215 = vector.broadcast %parallel_loop3A_214 : i32 to vector<16xi32>
        %parallel_loop3A_216 = arith.constant 128 : i32
        %parallel_loop3A_217 = arith.constant 0 : i32
        %parallel_loop3A_218 = arith.cmpi eq, %parallel_loop3A_216, %parallel_loop3A_217 : i32
        %parallel_loop3A_219 = arith.constant 1 : i32
        %parallel_loop3A_220 = arith.select %parallel_loop3A_218, %parallel_loop3A_219, %parallel_loop3A_216 : i32
        %parallel_loop3A_221 = arith.remsi %parallel_loop3A_190, %parallel_loop3A_220 : i32
        %parallel_loop3A_222 = arith.constant 0 : i32
        %parallel_loop3A_223 = arith.cmpi ne, %parallel_loop3A_221, %parallel_loop3A_222 : i32
        %parallel_loop3A_224 = arith.constant 0 : i32
        %parallel_loop3A_225 = arith.cmpi slt, %parallel_loop3A_221, %parallel_loop3A_224 : i32
        %parallel_loop3A_226 = arith.constant 0 : i32
        %parallel_loop3A_227 = arith.cmpi slt, %parallel_loop3A_220, %parallel_loop3A_226 : i32
        %parallel_loop3A_228 = arith.xori %parallel_loop3A_225, %parallel_loop3A_227 : i1
        %parallel_loop3A_229 = arith.andi %parallel_loop3A_228, %parallel_loop3A_223 : i1
        %parallel_loop3A_230 = arith.addi %parallel_loop3A_221, %parallel_loop3A_220 : i32
        %parallel_loop3A_231 = arith.select %parallel_loop3A_229, %parallel_loop3A_230, %parallel_loop3A_221 : i32
        %parallel_loop3A_232 = vector.broadcast %parallel_loop3A_231 : i32 to vector<16xi32>
        %parallel_loop3A_233 = tpu.vector_load_idx %arg9[%parallel_loop3A_215, %parallel_loop3A_232] : memref<8x128xi32, #tpu.memory_space<vmem>>[vector<16xi32>, vector<16xi32>], vector<16xi32>,
        %parallel_loop3A_234 = arith.constant 512 : i32
        %parallel_loop3A_235 = vector.broadcast %parallel_loop3A_234 : i32 to vector<16xi32>
        %parallel_loop3A_236 = arith.muli %parallel_loop3A_233, %parallel_loop3A_235 : vector<16xi32>
        %parallel_loop3A_237 = arith.addi %parallel_loop3A_236, %add3A_5 : vector<16xi32>
        %parallel_loop3A_238 = tpu.vector_load_idx %arg12[%parallel_loop3A_237] : memref<16896xf32, #tpu.memory_space<vmem>>[vector<16xi32>], vector<16xf32>,
        %parallel_loop3A_239 = arith.index_cast %parallel_loop3A_189 : i32 to index
        %parallel_loop3A_240 = arith.constant 0 : index
        %parallel_loop3A_241 = tpu.vector_load %arg15[%parallel_loop3A_239, %parallel_loop3A_240] {strides = array<i32>} : memref<32x512xf32, #tpu.memory_space<vmem>>, vector<16xf32>,
        tpu.vector_store %arg15[%parallel_loop3A_239, %parallel_loop3A_240], %parallel_loop3A_238 {strides = array<i32>} : memref<32x512xf32, #tpu.memory_space<vmem>>, vector<16xf32>,
        %parallel_loop3A_242 = arith.addi %parallel_loop3A_236, %add3A_9 : vector<16xi32>
        %parallel_loop3A_243 = tpu.vector_load_idx %arg12[%parallel_loop3A_242] : memref<16896xf32, #tpu.memory_space<vmem>>[vector<16xi32>], vector<16xf32>,
        %parallel_loop3A_244 = arith.index_cast %parallel_loop3A_189 : i32 to index
        %parallel_loop3A_245 = arith.constant 16 : index
        %parallel_loop3A_246 = tpu.vector_load %arg15[%parallel_loop3A_244, %parallel_loop3A_245] {strides = array<i32>} : memref<32x512xf32, #tpu.memory_space<vmem>>, vector<16xf32>,
        tpu.vector_store %arg15[%parallel_loop3A_244, %parallel_loop3A_245], %parallel_loop3A_243 {strides = array<i32>} : memref<32x512xf32, #tpu.memory_space<vmem>>, vector<16xf32>,
        %parallel_loop3A_247 = arith.addi %parallel_loop3A_236, %add3A_13 : vector<16xi32>
        %parallel_loop3A_248 = tpu.vector_load_idx %arg12[%parallel_loop3A_247] : memref<16896xf32, #tpu.memory_space<vmem>>[vector<16xi32>], vector<16xf32>,
        %parallel_loop3A_249 = arith.index_cast %parallel_loop3A_189 : i32 to index
        %parallel_loop3A_250 = arith.constant 32 : index
        %parallel_loop3A_251 = tpu.vector_load %arg15[%parallel_loop3A_249, %parallel_loop3A_250] {strides = array<i32>} : memref<32x512xf32, #tpu.memory_space<vmem>>, vector<16xf32>,
        tpu.vector_store %arg15[%parallel_loop3A_249, %parallel_loop3A_250], %parallel_loop3A_248 {strides = array<i32>} : memref<32x512xf32, #tpu.memory_space<vmem>>, vector<16xf32>,
        %parallel_loop3A_252 = arith.addi %parallel_loop3A_236, %add3A_17 : vector<16xi32>
        %parallel_loop3A_253 = tpu.vector_load_idx %arg12[%parallel_loop3A_252] : memref<16896xf32, #tpu.memory_space<vmem>>[vector<16xi32>], vector<16xf32>,
        %parallel_loop3A_254 = arith.index_cast %parallel_loop3A_189 : i32 to index
        %parallel_loop3A_255 = arith.constant 48 : index
        %parallel_loop3A_256 = tpu.vector_load %arg15[%parallel_loop3A_254, %parallel_loop3A_255] {strides = array<i32>} : memref<32x512xf32, #tpu.memory_space<vmem>>, vector<16xf32>,
        tpu.vector_store %arg15[%parallel_loop3A_254, %parallel_loop3A_255], %parallel_loop3A_253 {strides = array<i32>} : memref<32x512xf32, #tpu.memory_space<vmem>>, vector<16xf32>,
        %parallel_loop3A_257 = arith.addi %parallel_loop3A_236, %add3A_21 : vector<16xi32>
        %parallel_loop3A_258 = tpu.vector_load_idx %arg12[%parallel_loop3A_257] : memref<16896xf32, #tpu.memory_space<vmem>>[vector<16xi32>], vector<16xf32>,
        %parallel_loop3A_259 = arith.index_cast %parallel_loop3A_189 : i32 to index
        %parallel_loop3A_260 = arith.constant 64 : index
        %parallel_loop3A_261 = tpu.vector_load %arg15[%parallel_loop3A_259, %parallel_loop3A_260] {strides = array<i32>} : memref<32x512xf32, #tpu.memory_space<vmem>>, vector<16xf32>,
        tpu.vector_store %arg15[%parallel_loop3A_259, %parallel_loop3A_260], %parallel_loop3A_258 {strides = array<i32>} : memref<32x512xf32, #tpu.memory_space<vmem>>, vector<16xf32>,
        %parallel_loop3A_262 = arith.addi %parallel_loop3A_236, %add3A_25 : vector<16xi32>
        %parallel_loop3A_263 = tpu.vector_load_idx %arg12[%parallel_loop3A_262] : memref<16896xf32, #tpu.memory_space<vmem>>[vector<16xi32>], vector<16xf32>,
        %parallel_loop3A_264 = arith.index_cast %parallel_loop3A_189 : i32 to index
        %parallel_loop3A_265 = arith.constant 80 : index
        %parallel_loop3A_266 = tpu.vector_load %arg15[%parallel_loop3A_264, %parallel_loop3A_265] {strides = array<i32>} : memref<32x512xf32, #tpu.memory_space<vmem>>, vector<16xf32>,
        tpu.vector_store %arg15[%parallel_loop3A_264, %parallel_loop3A_265], %parallel_loop3A_263 {strides = array<i32>} : memref<32x512xf32, #tpu.memory_space<vmem>>, vector<16xf32>,
        %parallel_loop3A_267 = arith.addi %parallel_loop3A_236, %add3A_29 : vector<16xi32>
        %parallel_loop3A_268 = tpu.vector_load_idx %arg12[%parallel_loop3A_267] : memref<16896xf32, #tpu.memory_space<vmem>>[vector<16xi32>], vector<16xf32>,
        %parallel_loop3A_269 = arith.index_cast %parallel_loop3A_189 : i32 to index
        %parallel_loop3A_270 = arith.constant 96 : index
        %parallel_loop3A_271 = tpu.vector_load %arg15[%parallel_loop3A_269, %parallel_loop3A_270] {strides = array<i32>} : memref<32x512xf32, #tpu.memory_space<vmem>>, vector<16xf32>,
        tpu.vector_store %arg15[%parallel_loop3A_269, %parallel_loop3A_270], %parallel_loop3A_268 {strides = array<i32>} : memref<32x512xf32, #tpu.memory_space<vmem>>, vector<16xf32>,
        %parallel_loop3A_272 = arith.addi %parallel_loop3A_236, %add3A_33 : vector<16xi32>
        %parallel_loop3A_273 = tpu.vector_load_idx %arg12[%parallel_loop3A_272] : memref<16896xf32, #tpu.memory_space<vmem>>[vector<16xi32>], vector<16xf32>,
        %parallel_loop3A_274 = arith.index_cast %parallel_loop3A_189 : i32 to index
        %parallel_loop3A_275 = arith.constant 112 : index
        %parallel_loop3A_276 = tpu.vector_load %arg15[%parallel_loop3A_274, %parallel_loop3A_275] {strides = array<i32>} : memref<32x512xf32, #tpu.memory_space<vmem>>, vector<16xf32>,
        tpu.vector_store %arg15[%parallel_loop3A_274, %parallel_loop3A_275], %parallel_loop3A_273 {strides = array<i32>} : memref<32x512xf32, #tpu.memory_space<vmem>>, vector<16xf32>,
        %parallel_loop3A_277 = arith.addi %parallel_loop3A_236, %add3A_37 : vector<16xi32>
        %parallel_loop3A_278 = tpu.vector_load_idx %arg12[%parallel_loop3A_277] : memref<16896xf32, #tpu.memory_space<vmem>>[vector<16xi32>], vector<16xf32>,
        %parallel_loop3A_279 = arith.index_cast %parallel_loop3A_189 : i32 to index
        %parallel_loop3A_280 = arith.constant 128 : index
        %parallel_loop3A_281 = tpu.vector_load %arg15[%parallel_loop3A_279, %parallel_loop3A_280] {strides = array<i32>} : memref<32x512xf32, #tpu.memory_space<vmem>>, vector<16xf32>,
        tpu.vector_store %arg15[%parallel_loop3A_279, %parallel_loop3A_280], %parallel_loop3A_278 {strides = array<i32>} : memref<32x512xf32, #tpu.memory_space<vmem>>, vector<16xf32>,
        %parallel_loop3A_282 = arith.addi %parallel_loop3A_236, %add3A_41 : vector<16xi32>
        %parallel_loop3A_283 = tpu.vector_load_idx %arg12[%parallel_loop3A_282] : memref<16896xf32, #tpu.memory_space<vmem>>[vector<16xi32>], vector<16xf32>,
        %parallel_loop3A_284 = arith.index_cast %parallel_loop3A_189 : i32 to index
        %parallel_loop3A_285 = arith.constant 144 : index
        %parallel_loop3A_286 = tpu.vector_load %arg15[%parallel_loop3A_284, %parallel_loop3A_285] {strides = array<i32>} : memref<32x512xf32, #tpu.memory_space<vmem>>, vector<16xf32>,
        tpu.vector_store %arg15[%parallel_loop3A_284, %parallel_loop3A_285], %parallel_loop3A_283 {strides = array<i32>} : memref<32x512xf32, #tpu.memory_space<vmem>>, vector<16xf32>,
        %parallel_loop3A_287 = arith.addi %parallel_loop3A_236, %add3A_45 : vector<16xi32>
        %parallel_loop3A_288 = tpu.vector_load_idx %arg12[%parallel_loop3A_287] : memref<16896xf32, #tpu.memory_space<vmem>>[vector<16xi32>], vector<16xf32>,
        %parallel_loop3A_289 = arith.index_cast %parallel_loop3A_189 : i32 to index
        %parallel_loop3A_290 = arith.constant 160 : index
        %parallel_loop3A_291 = tpu.vector_load %arg15[%parallel_loop3A_289, %parallel_loop3A_290] {strides = array<i32>} : memref<32x512xf32, #tpu.memory_space<vmem>>, vector<16xf32>,
        tpu.vector_store %arg15[%parallel_loop3A_289, %parallel_loop3A_290], %parallel_loop3A_288 {strides = array<i32>} : memref<32x512xf32, #tpu.memory_space<vmem>>, vector<16xf32>,
        %parallel_loop3A_292 = arith.addi %parallel_loop3A_236, %add3A_49 : vector<16xi32>
        %parallel_loop3A_293 = tpu.vector_load_idx %arg12[%parallel_loop3A_292] : memref<16896xf32, #tpu.memory_space<vmem>>[vector<16xi32>], vector<16xf32>,
        %parallel_loop3A_294 = arith.index_cast %parallel_loop3A_189 : i32 to index
        %parallel_loop3A_295 = arith.constant 176 : index
        %parallel_loop3A_296 = tpu.vector_load %arg15[%parallel_loop3A_294, %parallel_loop3A_295] {strides = array<i32>} : memref<32x512xf32, #tpu.memory_space<vmem>>, vector<16xf32>,
        tpu.vector_store %arg15[%parallel_loop3A_294, %parallel_loop3A_295], %parallel_loop3A_293 {strides = array<i32>} : memref<32x512xf32, #tpu.memory_space<vmem>>, vector<16xf32>,
        %parallel_loop3A_297 = arith.addi %parallel_loop3A_236, %add3A_53 : vector<16xi32>
        %parallel_loop3A_298 = tpu.vector_load_idx %arg12[%parallel_loop3A_297] : memref<16896xf32, #tpu.memory_space<vmem>>[vector<16xi32>], vector<16xf32>,
        %parallel_loop3A_299 = arith.index_cast %parallel_loop3A_189 : i32 to index
        %parallel_loop3A_300 = arith.constant 192 : index
        %parallel_loop3A_301 = tpu.vector_load %arg15[%parallel_loop3A_299, %parallel_loop3A_300] {strides = array<i32>} : memref<32x512xf32, #tpu.memory_space<vmem>>, vector<16xf32>,
        tpu.vector_store %arg15[%parallel_loop3A_299, %parallel_loop3A_300], %parallel_loop3A_298 {strides = array<i32>} : memref<32x512xf32, #tpu.memory_space<vmem>>, vector<16xf32>,
        %parallel_loop3A_302 = arith.addi %parallel_loop3A_236, %add3A_57 : vector<16xi32>
        %parallel_loop3A_303 = tpu.vector_load_idx %arg12[%parallel_loop3A_302] : memref<16896xf32, #tpu.memory_space<vmem>>[vector<16xi32>], vector<16xf32>,
        %parallel_loop3A_304 = arith.index_cast %parallel_loop3A_189 : i32 to index
        %parallel_loop3A_305 = arith.constant 208 : index
        %parallel_loop3A_306 = tpu.vector_load %arg15[%parallel_loop3A_304, %parallel_loop3A_305] {strides = array<i32>} : memref<32x512xf32, #tpu.memory_space<vmem>>, vector<16xf32>,
        tpu.vector_store %arg15[%parallel_loop3A_304, %parallel_loop3A_305], %parallel_loop3A_303 {strides = array<i32>} : memref<32x512xf32, #tpu.memory_space<vmem>>, vector<16xf32>,
        %parallel_loop3A_307 = arith.addi %parallel_loop3A_236, %add3A_61 : vector<16xi32>
        %parallel_loop3A_308 = tpu.vector_load_idx %arg12[%parallel_loop3A_307] : memref<16896xf32, #tpu.memory_space<vmem>>[vector<16xi32>], vector<16xf32>,
        %parallel_loop3A_309 = arith.index_cast %parallel_loop3A_189 : i32 to index
        %parallel_loop3A_310 = arith.constant 224 : index
        %parallel_loop3A_311 = tpu.vector_load %arg15[%parallel_loop3A_309, %parallel_loop3A_310] {strides = array<i32>} : memref<32x512xf32, #tpu.memory_space<vmem>>, vector<16xf32>,
        tpu.vector_store %arg15[%parallel_loop3A_309, %parallel_loop3A_310], %parallel_loop3A_308 {strides = array<i32>} : memref<32x512xf32, #tpu.memory_space<vmem>>, vector<16xf32>,
        %parallel_loop3A_312 = arith.addi %parallel_loop3A_236, %add3A_65 : vector<16xi32>
        %parallel_loop3A_313 = tpu.vector_load_idx %arg12[%parallel_loop3A_312] : memref<16896xf32, #tpu.memory_space<vmem>>[vector<16xi32>], vector<16xf32>,
        %parallel_loop3A_314 = arith.index_cast %parallel_loop3A_189 : i32 to index
        %parallel_loop3A_315 = arith.constant 240 : index
        %parallel_loop3A_316 = tpu.vector_load %arg15[%parallel_loop3A_314, %parallel_loop3A_315] {strides = array<i32>} : memref<32x512xf32, #tpu.memory_space<vmem>>, vector<16xf32>,
        tpu.vector_store %arg15[%parallel_loop3A_314, %parallel_loop3A_315], %parallel_loop3A_313 {strides = array<i32>} : memref<32x512xf32, #tpu.memory_space<vmem>>, vector<16xf32>,
        %parallel_loop3A_317 = arith.addi %parallel_loop3A_236, %add3A_69 : vector<16xi32>
        %parallel_loop3A_318 = tpu.vector_load_idx %arg12[%parallel_loop3A_317] : memref<16896xf32, #tpu.memory_space<vmem>>[vector<16xi32>], vector<16xf32>,
        %parallel_loop3A_319 = arith.index_cast %parallel_loop3A_189 : i32 to index
        %parallel_loop3A_320 = arith.constant 256 : index
        %parallel_loop3A_321 = tpu.vector_load %arg15[%parallel_loop3A_319, %parallel_loop3A_320] {strides = array<i32>} : memref<32x512xf32, #tpu.memory_space<vmem>>, vector<16xf32>,
        tpu.vector_store %arg15[%parallel_loop3A_319, %parallel_loop3A_320], %parallel_loop3A_318 {strides = array<i32>} : memref<32x512xf32, #tpu.memory_space<vmem>>, vector<16xf32>,
        %parallel_loop3A_322 = arith.addi %parallel_loop3A_236, %add3A_73 : vector<16xi32>
        %parallel_loop3A_323 = tpu.vector_load_idx %arg12[%parallel_loop3A_322] : memref<16896xf32, #tpu.memory_space<vmem>>[vector<16xi32>], vector<16xf32>,
        %parallel_loop3A_324 = arith.index_cast %parallel_loop3A_189 : i32 to index
        %parallel_loop3A_325 = arith.constant 272 : index
        %parallel_loop3A_326 = tpu.vector_load %arg15[%parallel_loop3A_324, %parallel_loop3A_325] {strides = array<i32>} : memref<32x512xf32, #tpu.memory_space<vmem>>, vector<16xf32>,
        tpu.vector_store %arg15[%parallel_loop3A_324, %parallel_loop3A_325], %parallel_loop3A_323 {strides = array<i32>} : memref<32x512xf32, #tpu.memory_space<vmem>>, vector<16xf32>,
        %parallel_loop3A_327 = arith.addi %parallel_loop3A_236, %add3A_77 : vector<16xi32>
        %parallel_loop3A_328 = tpu.vector_load_idx %arg12[%parallel_loop3A_327] : memref<16896xf32, #tpu.memory_space<vmem>>[vector<16xi32>], vector<16xf32>,
        %parallel_loop3A_329 = arith.index_cast %parallel_loop3A_189 : i32 to index
        %parallel_loop3A_330 = arith.constant 288 : index
        %parallel_loop3A_331 = tpu.vector_load %arg15[%parallel_loop3A_329, %parallel_loop3A_330] {strides = array<i32>} : memref<32x512xf32, #tpu.memory_space<vmem>>, vector<16xf32>,
        tpu.vector_store %arg15[%parallel_loop3A_329, %parallel_loop3A_330], %parallel_loop3A_328 {strides = array<i32>} : memref<32x512xf32, #tpu.memory_space<vmem>>, vector<16xf32>,
        %parallel_loop3A_332 = arith.addi %parallel_loop3A_236, %add3A_81 : vector<16xi32>
        %parallel_loop3A_333 = tpu.vector_load_idx %arg12[%parallel_loop3A_332] : memref<16896xf32, #tpu.memory_space<vmem>>[vector<16xi32>], vector<16xf32>,
        %parallel_loop3A_334 = arith.index_cast %parallel_loop3A_189 : i32 to index
        %parallel_loop3A_335 = arith.constant 304 : index
        %parallel_loop3A_336 = tpu.vector_load %arg15[%parallel_loop3A_334, %parallel_loop3A_335] {strides = array<i32>} : memref<32x512xf32, #tpu.memory_space<vmem>>, vector<16xf32>,
        tpu.vector_store %arg15[%parallel_loop3A_334, %parallel_loop3A_335], %parallel_loop3A_333 {strides = array<i32>} : memref<32x512xf32, #tpu.memory_space<vmem>>, vector<16xf32>,
        %parallel_loop3A_337 = arith.addi %parallel_loop3A_236, %add3A_85 : vector<16xi32>
        %parallel_loop3A_338 = tpu.vector_load_idx %arg12[%parallel_loop3A_337] : memref<16896xf32, #tpu.memory_space<vmem>>[vector<16xi32>], vector<16xf32>,
        %parallel_loop3A_339 = arith.index_cast %parallel_loop3A_189 : i32 to index
        %parallel_loop3A_340 = arith.constant 320 : index
        %parallel_loop3A_341 = tpu.vector_load %arg15[%parallel_loop3A_339, %parallel_loop3A_340] {strides = array<i32>} : memref<32x512xf32, #tpu.memory_space<vmem>>, vector<16xf32>,
        tpu.vector_store %arg15[%parallel_loop3A_339, %parallel_loop3A_340], %parallel_loop3A_338 {strides = array<i32>} : memref<32x512xf32, #tpu.memory_space<vmem>>, vector<16xf32>,
        %parallel_loop3A_342 = arith.addi %parallel_loop3A_236, %add3A_89 : vector<16xi32>
        %parallel_loop3A_343 = tpu.vector_load_idx %arg12[%parallel_loop3A_342] : memref<16896xf32, #tpu.memory_space<vmem>>[vector<16xi32>], vector<16xf32>,
        %parallel_loop3A_344 = arith.index_cast %parallel_loop3A_189 : i32 to index
        %parallel_loop3A_345 = arith.constant 336 : index
        %parallel_loop3A_346 = tpu.vector_load %arg15[%parallel_loop3A_344, %parallel_loop3A_345] {strides = array<i32>} : memref<32x512xf32, #tpu.memory_space<vmem>>, vector<16xf32>,
        tpu.vector_store %arg15[%parallel_loop3A_344, %parallel_loop3A_345], %parallel_loop3A_343 {strides = array<i32>} : memref<32x512xf32, #tpu.memory_space<vmem>>, vector<16xf32>,
        %parallel_loop3A_347 = arith.addi %parallel_loop3A_236, %add3A_93 : vector<16xi32>
        %parallel_loop3A_348 = tpu.vector_load_idx %arg12[%parallel_loop3A_347] : memref<16896xf32, #tpu.memory_space<vmem>>[vector<16xi32>], vector<16xf32>,
        %parallel_loop3A_349 = arith.index_cast %parallel_loop3A_189 : i32 to index
        %parallel_loop3A_350 = arith.constant 352 : index
        %parallel_loop3A_351 = tpu.vector_load %arg15[%parallel_loop3A_349, %parallel_loop3A_350] {strides = array<i32>} : memref<32x512xf32, #tpu.memory_space<vmem>>, vector<16xf32>,
        tpu.vector_store %arg15[%parallel_loop3A_349, %parallel_loop3A_350], %parallel_loop3A_348 {strides = array<i32>} : memref<32x512xf32, #tpu.memory_space<vmem>>, vector<16xf32>,
        %parallel_loop3A_352 = arith.addi %parallel_loop3A_236, %add3A_97 : vector<16xi32>
        %parallel_loop3A_353 = tpu.vector_load_idx %arg12[%parallel_loop3A_352] : memref<16896xf32, #tpu.memory_space<vmem>>[vector<16xi32>], vector<16xf32>,
        %parallel_loop3A_354 = arith.index_cast %parallel_loop3A_189 : i32 to index
        %parallel_loop3A_355 = arith.constant 368 : index
        %parallel_loop3A_356 = tpu.vector_load %arg15[%parallel_loop3A_354, %parallel_loop3A_355] {strides = array<i32>} : memref<32x512xf32, #tpu.memory_space<vmem>>, vector<16xf32>,
        tpu.vector_store %arg15[%parallel_loop3A_354, %parallel_loop3A_355], %parallel_loop3A_353 {strides = array<i32>} : memref<32x512xf32, #tpu.memory_space<vmem>>, vector<16xf32>,
        %parallel_loop3A_357 = arith.addi %parallel_loop3A_236, %add3A_101 : vector<16xi32>
        %parallel_loop3A_358 = tpu.vector_load_idx %arg12[%parallel_loop3A_357] : memref<16896xf32, #tpu.memory_space<vmem>>[vector<16xi32>], vector<16xf32>,
        %parallel_loop3A_359 = arith.index_cast %parallel_loop3A_189 : i32 to index
        %parallel_loop3A_360 = arith.constant 384 : index
        %parallel_loop3A_361 = tpu.vector_load %arg15[%parallel_loop3A_359, %parallel_loop3A_360] {strides = array<i32>} : memref<32x512xf32, #tpu.memory_space<vmem>>, vector<16xf32>,
        tpu.vector_store %arg15[%parallel_loop3A_359, %parallel_loop3A_360], %parallel_loop3A_358 {strides = array<i32>} : memref<32x512xf32, #tpu.memory_space<vmem>>, vector<16xf32>,
        %parallel_loop3A_362 = arith.addi %parallel_loop3A_236, %add3A_105 : vector<16xi32>
        %parallel_loop3A_363 = tpu.vector_load_idx %arg12[%parallel_loop3A_362] : memref<16896xf32, #tpu.memory_space<vmem>>[vector<16xi32>], vector<16xf32>,
        %parallel_loop3A_364 = arith.index_cast %parallel_loop3A_189 : i32 to index
        %parallel_loop3A_365 = arith.constant 400 : index
        %parallel_loop3A_366 = tpu.vector_load %arg15[%parallel_loop3A_364, %parallel_loop3A_365] {strides = array<i32>} : memref<32x512xf32, #tpu.memory_space<vmem>>, vector<16xf32>,
        tpu.vector_store %arg15[%parallel_loop3A_364, %parallel_loop3A_365], %parallel_loop3A_363 {strides = array<i32>} : memref<32x512xf32, #tpu.memory_space<vmem>>, vector<16xf32>,
        %parallel_loop3A_367 = arith.addi %parallel_loop3A_236, %add3A_109 : vector<16xi32>
        %parallel_loop3A_368 = tpu.vector_load_idx %arg12[%parallel_loop3A_367] : memref<16896xf32, #tpu.memory_space<vmem>>[vector<16xi32>], vector<16xf32>,
        %parallel_loop3A_369 = arith.index_cast %parallel_loop3A_189 : i32 to index
        %parallel_loop3A_370 = arith.constant 416 : index
        %parallel_loop3A_371 = tpu.vector_load %arg15[%parallel_loop3A_369, %parallel_loop3A_370] {strides = array<i32>} : memref<32x512xf32, #tpu.memory_space<vmem>>, vector<16xf32>,
        tpu.vector_store %arg15[%parallel_loop3A_369, %parallel_loop3A_370], %parallel_loop3A_368 {strides = array<i32>} : memref<32x512xf32, #tpu.memory_space<vmem>>, vector<16xf32>,
        %parallel_loop3A_372 = arith.addi %parallel_loop3A_236, %add3A_113 : vector<16xi32>
        %parallel_loop3A_373 = tpu.vector_load_idx %arg12[%parallel_loop3A_372] : memref<16896xf32, #tpu.memory_space<vmem>>[vector<16xi32>], vector<16xf32>,
        %parallel_loop3A_374 = arith.index_cast %parallel_loop3A_189 : i32 to index
        %parallel_loop3A_375 = arith.constant 432 : index
        %parallel_loop3A_376 = tpu.vector_load %arg15[%parallel_loop3A_374, %parallel_loop3A_375] {strides = array<i32>} : memref<32x512xf32, #tpu.memory_space<vmem>>, vector<16xf32>,
        tpu.vector_store %arg15[%parallel_loop3A_374, %parallel_loop3A_375], %parallel_loop3A_373 {strides = array<i32>} : memref<32x512xf32, #tpu.memory_space<vmem>>, vector<16xf32>,
        %parallel_loop3A_377 = arith.addi %parallel_loop3A_236, %add3A_117 : vector<16xi32>
        %parallel_loop3A_378 = tpu.vector_load_idx %arg12[%parallel_loop3A_377] : memref<16896xf32, #tpu.memory_space<vmem>>[vector<16xi32>], vector<16xf32>,
        %parallel_loop3A_379 = arith.index_cast %parallel_loop3A_189 : i32 to index
        %parallel_loop3A_380 = arith.constant 448 : index
        %parallel_loop3A_381 = tpu.vector_load %arg15[%parallel_loop3A_379, %parallel_loop3A_380] {strides = array<i32>} : memref<32x512xf32, #tpu.memory_space<vmem>>, vector<16xf32>,
        tpu.vector_store %arg15[%parallel_loop3A_379, %parallel_loop3A_380], %parallel_loop3A_378 {strides = array<i32>} : memref<32x512xf32, #tpu.memory_space<vmem>>, vector<16xf32>,
        %parallel_loop3A_382 = arith.addi %parallel_loop3A_236, %add3A_121 : vector<16xi32>
        %parallel_loop3A_383 = tpu.vector_load_idx %arg12[%parallel_loop3A_382] : memref<16896xf32, #tpu.memory_space<vmem>>[vector<16xi32>], vector<16xf32>,
        %parallel_loop3A_384 = arith.index_cast %parallel_loop3A_189 : i32 to index
        %parallel_loop3A_385 = arith.constant 464 : index
        %parallel_loop3A_386 = tpu.vector_load %arg15[%parallel_loop3A_384, %parallel_loop3A_385] {strides = array<i32>} : memref<32x512xf32, #tpu.memory_space<vmem>>, vector<16xf32>,
        tpu.vector_store %arg15[%parallel_loop3A_384, %parallel_loop3A_385], %parallel_loop3A_383 {strides = array<i32>} : memref<32x512xf32, #tpu.memory_space<vmem>>, vector<16xf32>,
        %parallel_loop3A_387 = arith.addi %parallel_loop3A_236, %add3A_125 : vector<16xi32>
        %parallel_loop3A_388 = tpu.vector_load_idx %arg12[%parallel_loop3A_387] : memref<16896xf32, #tpu.memory_space<vmem>>[vector<16xi32>], vector<16xf32>,
        %parallel_loop3A_389 = arith.index_cast %parallel_loop3A_189 : i32 to index
        %parallel_loop3A_390 = arith.constant 480 : index
        %parallel_loop3A_391 = tpu.vector_load %arg15[%parallel_loop3A_389, %parallel_loop3A_390] {strides = array<i32>} : memref<32x512xf32, #tpu.memory_space<vmem>>, vector<16xf32>,
        tpu.vector_store %arg15[%parallel_loop3A_389, %parallel_loop3A_390], %parallel_loop3A_388 {strides = array<i32>} : memref<32x512xf32, #tpu.memory_space<vmem>>, vector<16xf32>,
        %parallel_loop3A_392 = arith.addi %parallel_loop3A_236, %add3A_129 : vector<16xi32>
        %parallel_loop3A_393 = tpu.vector_load_idx %arg12[%parallel_loop3A_392] : memref<16896xf32, #tpu.memory_space<vmem>>[vector<16xi32>], vector<16xf32>,
        %parallel_loop3A_394 = arith.index_cast %parallel_loop3A_189 : i32 to index
        %parallel_loop3A_395 = arith.constant 496 : index
        %parallel_loop3A_396 = tpu.vector_load %arg15[%parallel_loop3A_394, %parallel_loop3A_395] {strides = array<i32>} : memref<32x512xf32, #tpu.memory_space<vmem>>, vector<16xf32>,
        tpu.vector_store %arg15[%parallel_loop3A_394, %parallel_loop3A_395], %parallel_loop3A_393 {strides = array<i32>} : memref<32x512xf32, #tpu.memory_space<vmem>>, vector<16xf32>,
      } {sc.loop_unroll_factor = 2 : i64, sc.parallel_access}
      %add3A_184 = arith.addi %mul3A_2, %mul3A_154 : i32
      %dma_start3A_185 = arith.constant 0 : i32
      %dma_start3A_186 = tpu.memref_slice %arg8[%add3A_184, %dma_start3A_185] : memref<32768x512xf32, #tpu.memory_space<hbm>> -> memref<32x512xf32, #tpu.memory_space<hbm>>
      %dma_start3A_187 = arith.constant 0 : i32
      %dma_start3A_188 = tpu.memref_slice %arg8[%add3A_184, %dma_start3A_187] : memref<32768x512xf32, #tpu.memory_space<hbm>> -> memref<32x512xf32, #tpu.memory_space<hbm>>
      tpu.enqueue_dma source(%arg15 : memref<32x512xf32, #tpu.memory_space<vmem>>) target(%dma_start3A_188 : memref<32x512xf32, #tpu.memory_space<hbm>>) target_semaphore(%arg16 : memref<!tpu.dma_semaphore, #tpu.memory_space<semaphore_mem>>)
    }
    %scan3A_134 = arith.constant 32 : i32
    %dma_wait3A = arith.constant 0 : i32
    %dma_wait3A_135 = arith.constant 0 : i32
    %dma_wait3A_136 = tpu.memref_slice %arg6[%dma_wait3A, %dma_wait3A_135] : memref<32768x512xf32, #tpu.memory_space<hbm>> -> memref<32x512xf32, #tpu.memory_space<hbm>>
    %dma_wait3A_137 = arith.constant 0 : i32
    %dma_wait3A_138 = arith.constant 0 : i32
    %dma_wait3A_139 = tpu.memref_slice %arg6[%dma_wait3A_137, %dma_wait3A_138] : memref<32768x512xf32, #tpu.memory_space<hbm>> -> memref<32x512xf32, #tpu.memory_space<hbm>>
    tpu.wait_dma2 semaphore(%arg16 : memref<!tpu.dma_semaphore, #tpu.memory_space<semaphore_mem>>) src(%arg13 : memref<32x512xf32, #tpu.memory_space<vmem>>) dst(%dma_wait3A_139 : memref<32x512xf32, #tpu.memory_space<hbm>>)
    %dma_wait3A_140 = arith.constant 0 : i32
    %dma_wait3A_141 = arith.constant 0 : i32
    %dma_wait3A_142 = tpu.memref_slice %arg6[%dma_wait3A_140, %dma_wait3A_141] : memref<32768x512xf32, #tpu.memory_space<hbm>> -> memref<32x512xf32, #tpu.memory_space<hbm>>
    %dma_wait3A_143 = arith.constant 0 : i32
    %dma_wait3A_144 = arith.constant 0 : i32
    %dma_wait3A_145 = tpu.memref_slice %arg6[%dma_wait3A_143, %dma_wait3A_144] : memref<32768x512xf32, #tpu.memory_space<hbm>> -> memref<32x512xf32, #tpu.memory_space<hbm>>
    tpu.wait_dma2 semaphore(%arg16 : memref<!tpu.dma_semaphore, #tpu.memory_space<semaphore_mem>>) src(%arg13 : memref<32x512xf32, #tpu.memory_space<vmem>>) dst(%dma_wait3A_145 : memref<32x512xf32, #tpu.memory_space<hbm>>)
    %dma_wait3A_146 = arith.constant 0 : i32
    %dma_wait3A_147 = arith.constant 0 : i32
    %dma_wait3A_148 = tpu.memref_slice %arg6[%dma_wait3A_146, %dma_wait3A_147] : memref<32768x512xf32, #tpu.memory_space<hbm>> -> memref<32x512xf32, #tpu.memory_space<hbm>>
    %dma_wait3A_149 = arith.constant 0 : i32
    %dma_wait3A_150 = arith.constant 0 : i32
    %dma_wait3A_151 = tpu.memref_slice %arg6[%dma_wait3A_149, %dma_wait3A_150] : memref<32768x512xf32, #tpu.memory_space<hbm>> -> memref<32x512xf32, #tpu.memory_space<hbm>>
    tpu.wait_dma2 semaphore(%arg16 : memref<!tpu.dma_semaphore, #tpu.memory_space<semaphore_mem>>) src(%arg13 : memref<32x512xf32, #tpu.memory_space<vmem>>) dst(%dma_wait3A_151 : memref<32x512xf32, #tpu.memory_space<hbm>>)
    return
  }
}

module attributes {stable_mosaic.version = 14 : i64} {
  func.func @_tc_body(%arg0: i32, %arg1: memref<1x1x512xi32, #tpu.memory_space<vmem>>, %arg2: memref<3x33x512xf32, #tpu.memory_space<vmem>>, %arg3: memref<512x512xf32, #tpu.memory_space<vmem>>, %arg4: memref<512x512xf32, #tpu.memory_space<vmem>>, %arg5: memref<512x512xf32, #tpu.memory_space<vmem>>) attributes {dimension_semantics = [#tpu.dimension_semantics<arbitrary>], iteration_bounds = array<i64: 64>, scalar_prefetch = 0 : i64, scratch_operands = 0 : i64, tpu.core_type = #tpu.core_type<tc>, window_params = [{transform_indices = @transform_0, window_bounds = array<i64: 1, 1, 512>}, {pipeline_mode = #tpu.pipeline_mode<synchronous>, transform_indices = @transform_1, window_bounds = array<i64: 3, 33, 512>}, {transform_indices = @transform_2, window_bounds = array<i64: 512, 512>}, {transform_indices = @transform_3, window_bounds = array<i64: 512, 512>}, {transform_indices = @transform_4, window_bounds = array<i64: 512, 512>}]} {
    %get3A = arith.constant 0 : index
    %get3A_0 = arith.constant 0 : index
    %get3A_1 = arith.constant 0 : index
    %get3A_2 = vector.load %arg1[%get3A, %get3A_0, %get3A_1] : memref<1x1x512xi32, #tpu.memory_space<vmem>>, vector<1x1x512xi32>
    %get3A_3 = vector.shape_cast %get3A_2 : vector<1x1x512xi32> to vector<512xi32>
    %broadcast_in_dim3A = vector.shape_cast %get3A_3 : vector<512xi32> to vector<512x1xi32>
    %iota3A = tpu.iota {dimensions = array<i32: 1>} : vector<512x33xi32>
    %eq3A = vector.broadcast %broadcast_in_dim3A : vector<512x1xi32> to vector<512x33xi32>
    %eq3A_4 = arith.cmpi eq, %eq3A, %iota3A : vector<512x33xi32>
    %convert_element_type3A = arith.extui %eq3A_4 : vector<512x33xi1> to vector<512x33xi32>
    %convert_element_type3A_5 = arith.sitofp %convert_element_type3A : vector<512x33xi32> to vector<512x33xf32>
    %get3A_6 = arith.constant 0 : index
    %get3A_7 = arith.constant 0 : index
    %get3A_8 = arith.constant 0 : index
    %get3A_9 = vector.load %arg2[%get3A_6, %get3A_7, %get3A_8] : memref<3x33x512xf32, #tpu.memory_space<vmem>>, vector<1x33x512xf32>
    %get3A_10 = vector.shape_cast %get3A_9 : vector<1x33x512xf32> to vector<33x512xf32>
    %dot_general3A = arith.constant dense<0.000000e+00> : vector<512x512xf32>
    %dot_general3A_11 = tpu.matmul %convert_element_type3A_5, %get3A_10, %dot_general3A {dimension_numbers = #tpu.dot_dimension_numbers<[1], [0], [0], [1], [0, 0, 1, 1], [], []>, transpose_lhs_hint = false} : vector<512x33xf32>, vector<33x512xf32>, vector<512x512xf32> -> vector<512x512xf32>
    %swap3A = arith.constant 0 : index
    %swap3A_12 = arith.constant 0 : index
    %swap3A_13 = vector.load %arg3[%swap3A, %swap3A_12] : memref<512x512xf32, #tpu.memory_space<vmem>>, vector<512x512xf32>
    tpu.vector_store %arg3[%swap3A, %swap3A_12], %dot_general3A_11 {strides = array<i32>} : memref<512x512xf32, #tpu.memory_space<vmem>>, vector<512x512xf32>,
    %get3A_14 = arith.constant 1 : index
    %get3A_15 = arith.constant 0 : index
    %get3A_16 = arith.constant 0 : index
    %get3A_17 = vector.load %arg2[%get3A_14, %get3A_15, %get3A_16] : memref<3x33x512xf32, #tpu.memory_space<vmem>>, vector<1x33x512xf32>
    %get3A_18 = vector.shape_cast %get3A_17 : vector<1x33x512xf32> to vector<33x512xf32>
    %dot_general3A_19 = arith.constant dense<0.000000e+00> : vector<512x512xf32>
    %dot_general3A_20 = tpu.matmul %convert_element_type3A_5, %get3A_18, %dot_general3A_19 {dimension_numbers = #tpu.dot_dimension_numbers<[1], [0], [0], [1], [0, 0, 1, 1], [], []>, transpose_lhs_hint = false} : vector<512x33xf32>, vector<33x512xf32>, vector<512x512xf32> -> vector<512x512xf32>
    %swap3A_21 = arith.constant 0 : index
    %swap3A_22 = arith.constant 0 : index
    %swap3A_23 = vector.load %arg4[%swap3A_21, %swap3A_22] : memref<512x512xf32, #tpu.memory_space<vmem>>, vector<512x512xf32>
    tpu.vector_store %arg4[%swap3A_21, %swap3A_22], %dot_general3A_20 {strides = array<i32>} : memref<512x512xf32, #tpu.memory_space<vmem>>, vector<512x512xf32>,
    %get3A_24 = arith.constant 2 : index
    %get3A_25 = arith.constant 0 : index
    %get3A_26 = arith.constant 0 : index
    %get3A_27 = vector.load %arg2[%get3A_24, %get3A_25, %get3A_26] : memref<3x33x512xf32, #tpu.memory_space<vmem>>, vector<1x33x512xf32>
    %get3A_28 = vector.shape_cast %get3A_27 : vector<1x33x512xf32> to vector<33x512xf32>
    %dot_general3A_29 = arith.constant dense<0.000000e+00> : vector<512x512xf32>
    %dot_general3A_30 = tpu.matmul %convert_element_type3A_5, %get3A_28, %dot_general3A_29 {dimension_numbers = #tpu.dot_dimension_numbers<[1], [0], [0], [1], [0, 0, 1, 1], [], []>, transpose_lhs_hint = false} : vector<512x33xf32>, vector<33x512xf32>, vector<512x512xf32> -> vector<512x512xf32>
    %swap3A_31 = arith.constant 0 : index
    %swap3A_32 = arith.constant 0 : index
    %swap3A_33 = vector.load %arg5[%swap3A_31, %swap3A_32] : memref<512x512xf32, #tpu.memory_space<vmem>>, vector<512x512xf32>
    tpu.vector_store %arg5[%swap3A_31, %swap3A_32], %dot_general3A_30 {strides = array<i32>} : memref<512x512xf32, #tpu.memory_space<vmem>>, vector<512x512xf32>,
    return
  }
  func.func @transform_0(%arg0: i32) -> (i32, i32, i32) {
    %c0_i32 = arith.constant 0 : i32
    %c0_i32_0 = arith.constant 0 : i32
    %c0_i32_1 = arith.constant 0 : i32
    return %arg0, %c0_i32, %c0_i32_0 : i32, i32, i32
  }
  func.func @transform_1(%arg0: i32) -> (i32, i32, i32) {
    %c0_i32 = arith.constant 0 : i32
    %c0_i32_0 = arith.constant 0 : i32
    %c0_i32_1 = arith.constant 0 : i32
    %c0_i32_2 = arith.constant 0 : i32
    return %c0_i32, %c0_i32_0, %c0_i32_1 : i32, i32, i32
  }
  func.func @transform_2(%arg0: i32) -> (i32, i32) {
    %c0_i32 = arith.constant 0 : i32
    %c0_i32_0 = arith.constant 0 : i32
    return %arg0, %c0_i32 : i32, i32
  }
  func.func @transform_3(%arg0: i32) -> (i32, i32) {
    %c0_i32 = arith.constant 0 : i32
    %c0_i32_0 = arith.constant 0 : i32
    return %arg0, %c0_i32 : i32, i32
  }
  func.func @transform_4(%arg0: i32) -> (i32, i32) {
    %c0_i32 = arith.constant 0 : i32
    %c0_i32_0 = arith.constant 0 : i32
    return %arg0, %c0_i32 : i32, i32
  }
}

</mosaic_0001>

<sc_bundles>
// kernel: kernel.4.cloned.1.call-start
scs
__scs_entry_jumppad:
0x0: {  	(pc) =	sbr.rel $0x88, $3  }
0x1: {  	(tag) =	ssettag $0x0;
	lr =	simm.s32 $0x1  }
0x2: {  	[smem:$0x3F9F] =	sst lr;
	_ =	strace $0xD0000000  }
0x3: {  	_ = 	snop  }
0x4: {  	_ = 	snop  }
0x5: {  	_ = 	snop  }
0x6: {  	_ = 	snop  }
0x7: {  	_ = 	snop  }
__scs_overlays_trampoline_lowered:
0x8: {  	[smem:$0x3FAE] =	sst s0  }
0x9: {  	[smem:$0x3FAF] =	sst s1  }
0xa: {  	[smem:$0x3FB0] =	sst s2  }
0xb: {  	[smem:$0x3FB1] =	sst s3  }
0xc: {  	[smem:$0x3FB2] =	sst s4  }
0xd: {  	[smem:$0x3FB3] =	sst s5  }
0xe: {  	[smem:$0x3FB4] =	sst s6  }
0xf: {  	[smem:$0x3FB5] =	sst s7  }
0x10: {  	[smem:$0x3FB6] =	sst s8  }
0x11: {  	[smem:$0x3FB7] =	sst s9;
	s0 =	simm.s32 @!p0 $0x0  }
0x12: {  	s1 =	sld [smem:$0x3F9D];
	s0 =	simm.s32 @p0 $0x1  }
0x13: {  	[smem:$0x3FB8] =	sst s0;
	s0 =	simm.s32 @!p1 $0x0  }
0x14: {  	s2 =	sld [smem:$0x3F9C];
	s0 =	simm.s32 @p1 $0x1  }
0x15: {  	[smem:$0x3FB9] =	sst s0;
	s0 =	simm.s32 @!p2 $0x0  }
0x16: {  	s3 =	sld [smem:$0x3FDB];
	s0 =	simm.s32 @p2 $0x1  }
0x17: {  	s4 =	simm.s32 $0x1BF5;
	[smem:$0x3FBB] =	sst s0  }
0x18: {  	s0 =	sld [smem:$0x3F9E];
	_ =	swait.ge [sflag:s4], $0x0  }
0x19: {  	s7 =	sld [smem:$0x3F9F]  }
0x1a: {  	s8 =	sadd.s32 $0xFFFFE003, lr  }
0x1b: {  	s9 =	sadd.s32 $0xFFFFFEF7, lr;
	s5 =	simm.s32 $0xFFFFFFFF;
	p2 =	slt.u32 s8, $0xFFFFF086  }
0x1c: {  	p1 =	slt.u32 s9, $0xF7A;
	s5 =	simm.s32 @!p2 $0x0  }
0x1d: {  	s5 =	simm.s32 @p1 $0x1;
	p0 =	seq.s32 s7, s2  }
0x1e: {  	s7 =	smul.u32 @!p0 $0xF7A, s2;
	p2 =	seq.s32 @!p0 s5, $0x0  }
0x1f: {  	s9 =	smul.u32 $0xF7A, s1;
	s8 =	simm.s32 @!p0 $0x1BF5;
	p2 =	por !p2, p0  }
0x20: {  	[sflag:s8] =	ssyncset.s32 @!p0 $0xFFFFF086;
	s6 =	sadd.s32 @!p0 s3, s7;
	s7 =	simm.s32 @!p0 $0x108  }
0x21: {  	s3 =	sadd.s32 s3, s9;
	s6 =	sadd.s32 @!p0 $0x88, s6;
	s7 =	simm.s32 @p2 $0x1082  }
0x22: {  	[simem:s7], [sflag:s8] =	dma.local @!p0 [hbm:s6], $0xF7A  }
0x23: {  	s9 =	sor.u32 $0xD0000000, s2;
	s6 =	simm.s32 $0x108;
	_ =	swait.ge @!p0 [sflag:s8], $0x0  }
0x24: {  	s3 =	sadd.s32 $0x88, s3;
	s6 =	simm.s32 @!p1 $0x1082;
	[sflag:s4] =	ssyncset.s32 $0xFFFFF086  }
0x25: {  	[simem:s6], [sflag:s4] =	dma.local [hbm:s3], $0xF7A  }
0x26: {  	[smem:$0x3F9F] =	sst s1;
	(tag) =	ssettag s2;
	_ =	strace s9  }
0x27: {  	s1 =	sld [smem:$0x3FAF]  }
0x28: {  	s2 =	sld [smem:$0x3FB0]  }
0x29: {  	s4 =	sld [smem:$0x3FB2]  }
0x2a: {  	p0 =	seq.s32 s5, $0x0;
	s5 =	sld [smem:$0x3FB3]  }
0x2b: {  	s6 =	sld [smem:$0x3FB4]  }
0x2c: {  	s7 =	sld [smem:$0x3FB5]  }
0x2d: {  	s3 =	simm.s32 $0x108;
	s8 =	sld [smem:$0x3FB6]  }
0x2e: {  	s3 =	simm.s32 @!p0 $0x1082;
	s9 =	sld [smem:$0x3FB7]  }
0x2f: {  	lr =	sadd.s32 s0, s3;
	s0 =	sld [smem:$0x3FAE]  }
0x30: {  	s3 =	sld [smem:$0x3FB1]  }
0x31: {  	[smem:$0x3FBA] =	sst s10  }
0x32: {  	s10 =	sld [smem:$0x3FB8];
	_ =	sdelay $0x3  }
0x33: {  	p0 =	seq.s32 s10, $0x1;
	s10 =	sld [smem:$0x3FBA];
	_ =	sdelay $0x3  }
0x34: {  	[smem:$0x3FBA] =	sst s10  }
0x35: {  	s10 =	sld [smem:$0x3FB9];
	_ =	sdelay $0x3  }
0x36: {  	p1 =	seq.s32 s10, $0x1;
	s10 =	sld [smem:$0x3FBA];
	_ =	sdelay $0x3  }
0x37: {  	[smem:$0x3FBA] =	sst s10  }
0x38: {  	s10 =	sld [smem:$0x3FBB]  }
0x39: {  	_ = 	snop;
	(pc) =	sbr.ind lr, $3  }
0x3a: {  	_ = 	snop  }
0x3b: {  	_ = 	snop  }
0x3c: {  	p2 =	seq.s32 s10, $0x1;
	s10 =	sld [smem:$0x3FBA]  }
0x3d: {  	_ =	shalt  }
0x3e: {  	_ =	shalt  }
0x3f: {  	_ =	shalt  }
0x40: {  	_ =	shalt  }
0x41: {  	_ =	shalt  }
0x42: {  	_ =	shalt  }
0x43: {  	_ =	shalt  }
0x44: {  	_ =	shalt  }
0x45: {  	_ =	shalt  }
0x46: {  	_ =	shalt  }
0x47: {  	_ =	shalt  }
0x48: {  	_ =	shalt  }
0x49: {  	_ =	shalt  }
0x4a: {  	_ =	shalt  }
0x4b: {  	_ =	shalt  }
0x4c: {  	_ =	shalt  }
0x4d: {  	_ =	shalt  }
0x4e: {  	_ =	shalt  }
0x4f: {  	_ =	shalt  }
0x50: {  	_ =	shalt  }
0x51: {  	_ =	shalt  }
0x52: {  	_ =	shalt  }
0x53: {  	_ =	shalt  }
0x54: {  	_ =	shalt  }
0x55: {  	_ =	shalt  }
0x56: {  	_ =	shalt  }
0x57: {  	_ =	shalt  }
0x58: {  	_ =	shalt  }
0x59: {  	_ =	shalt  }
0x5a: {  	_ =	shalt  }
0x5b: {  	_ =	shalt  }
0x5c: {  	_ =	shalt  }
0x5d: {  	_ =	shalt  }
0x5e: {  	_ =	shalt  }
0x5f: {  	_ =	shalt  }
0x60: {  	_ =	shalt  }
0x61: {  	_ =	shalt  }
0x62: {  	_ =	shalt  }
0x63: {  	_ =	shalt  }
0x64: {  	_ =	shalt  }
0x65: {  	_ =	shalt  }
0x66: {  	_ =	shalt  }
0x67: {  	_ =	shalt  }
0x68: {  	_ =	shalt  }
0x69: {  	_ =	shalt  }
0x6a: {  	_ =	shalt  }
0x6b: {  	_ =	shalt  }
0x6c: {  	_ =	shalt  }
0x6d: {  	_ =	shalt  }
0x6e: {  	_ =	shalt  }
0x6f: {  	_ =	shalt  }
0x70: {  	_ =	shalt  }
0x71: {  	_ =	shalt  }
0x72: {  	_ =	shalt  }
0x73: {  	_ =	shalt  }
0x74: {  	_ =	shalt  }
0x75: {  	_ =	shalt  }
0x76: {  	_ =	shalt  }
0x77: {  	_ =	shalt  }
0x78: {  	_ =	shalt  }
0x79: {  	_ =	shalt  }
0x7a: {  	_ =	shalt  }
0x7b: {  	_ =	shalt  }
0x7c: {  	_ =	shalt  }
0x7d: {  	_ =	shalt  }
0x7e: {  	_ =	shalt  }
0x7f: {  	_ =	shalt  }
0x80: {  	_ =	shalt  }
0x81: {  	_ =	shalt  }
0x82: {  	_ =	shalt  }
0x83: {  	_ =	shalt  }
0x84: {  	_ =	shalt  }
0x85: {  	_ =	shalt  }
0x86: {  	_ =	shalt  }
0x87: {  	_ =	shalt  }
.Lfunc_end0:
.L_simem_size_0:
called_computation_lowered:
.L_overlay_start_0:
0x88: {  	s2 =	sld [smem:$0x3FD9]  }
0x89: {  	s3 =	sld [smem:$0x3FFE];
	_ =	sdelay $0x1  }
0x8a: {  	s1 =	srdreg.scid  }
0x8b: {  	s0 =	sand.u32 $0x1, s1  }
0x8c: {  	s14 =	sshll.u32 s0, $0xA;
	s2 =	sadd.s32 s3, s2  }
0x8d: {  	s2 =	sadd.s32 s2, s14  }
0x8e: {  	[smem:$0x3FC6] =	sst s2  }
0x8f: {  	_ = 	snop  }
0x90: {  	s2 =	sld [smem:$0x3FD0];
	_ =	sdelay $0x3  }
0x91: {  	s4 =	simm.s32 $0xA;
	s5 =	simm.s32 $0x10;
	s15 =	sadd.s32 $0x1, s2  }
0x92: {  	[smem:s5], [sflag:s4] =	dma.local [hbm:s15], $0x1  }
0x93: {  	_ =	swait.eq [sflag:s4], $0x1  }
0x94: {  	s16 =	sld [smem:$0x10]  }
0x95: {  	s6 =	sld [smem:$0x11];
	[sflag:s4] =	ssyncset.done $0x0  }
0x96: {  	s7 =	sld [smem:$0x12];
	[sflag:s4] =	ssyncadd.s32 $0xFFFFFFFF  }
0x97: {  	s8 =	sld [smem:$0x13]  }
0x98: {  	[smem:s5], [sflag:s4] =	dma.local [hbm:s2], $0x1  }
0x99: {  	_ =	swait.eq [sflag:s4], $0x1  }
0x9a: {  	s17 =	sld [smem:$0x13];
	[sflag:s4] =	ssyncset.done $0x0  }
0x9b: {  	s18 =	sld [smem:$0x14];
	[sflag:s4] =	ssyncadd.s32 $0xFFFFFFFF  }
0x9c: {  	s19 =	sld [smem:$0x15];
	(tm) =	ssettm $0x1  }
0x9d: {  	s9 =	sld [smem:$0x3FFB];
	_ =	sdelay $0x3  }
0x9e: {  	_ =	strace s9  }
0x9f: {  	s9 =	sld [smem:$0x3FFC];
	_ =	sdelay $0x3  }
0xa0: {  	_ =	strace s9  }
0xa1: {  	s9 =	sld [smem:$0x3FFD];
	_ =	sdelay $0x3  }
0xa2: {  	_ =	strace s9  }
0xa3: {  	_ =	strace $0x8FFFFFFF  }
0xa4: {  	s20 =	sld [smem:$0x3FDB];
	_ =	sdelay $0x1  }
0xa5: {  	s10 =	simm.s32 $_scs_section_size  }
0xa6: {  	s11 =	simm.s32 $_size__tile_overlayer_lowered;
	s12 =	simm.s32 $_tile_overlayer_lowered  }
0xa7: {  	s23 =	simm.s32 $0x1BFF;
	s22 =	sshll.u32 s12, $0x1;
	s9 =	sadd.s32 s10, s20  }
0xa8: {  	s13 =	simm.s32 $0x0;
	s21 =	sshll.u32 s11, $0x1;
	s11 =	sadd.s32 s22, s9  }
0xa9: {  	[timem:s13], [sflag:s23] =	dma.local [hbm:s11], s21  }
0xaa: {  	_ =	swait.ge [sflag:s23], s21  }
0xab: {  	s10 =	ssub.s32 $0x0, s21;
	[sflag:s23] =	ssyncset.done $0x0  }
0xac: {  	[sflag:s23] =	ssyncadd.s32 s10;
	_ =	sdelay $0x1  }
0xad: {  	s24 =	simm.s32 $0x1B8B  }
0xae: {  	_ =	swait.ge [sflag:s24], $0x1  }
0xaf: {  	[sflag:s24] =	ssyncset.done $0x0  }
0xb0: {  	s25 =	simm.s32 $0x1B8E;
	[sflag:s24] =	ssyncadd.s32 $0xFFFFFFFF  }
0xb1: {  	s26 =	simm.s32 $execute0_lowered;
	[smem:$0x3FD2] =	sst s25  }
0xb2: {  	s10 =	sshll.u32 s26, $0x1;
	_ =	strace $0x80000046;
	[dreg:$0x1] =	wrdreg $0xFFFFFFFF  }
0xb3: {  	s28 =	simm.s32 $_size_execute0_lowered;
	s9 =	sadd.s32 s9, s10;
	[dreg:$0x0] =	wrdreg $0x0  }
0xb4: {  	s10 =	sshll.u32 s28, $0x1;
	[dreg:$0x2] =	wrdreg s9  }
0xb5: {  	[dreg:$0x3] =	wrdreg s10  }
0xb6: {  	[dreg:$0x4] =	wrdreg $0xC0  }
0xb7: {  	_ =	task [dreg:s13], $0x5FFFF  }
0xb8: {  	[dreg:$0x1] =	wrdreg $0xFFFFFFFF  }
0xb9: {  	[dreg:$0x0] =	wrdreg $0x60  }
0xba: {  	[dreg:$0x2] =	wrdreg s8  }
0xbb: {  	[dreg:$0x3] =	wrdreg s7  }
0xbc: {  	[dreg:$0x4] =	wrdreg s6  }
0xbd: {  	[dreg:$0x5] =	wrdreg s16  }
0xbe: {  	[dreg:$0x6] =	wrdreg s17  }
0xbf: {  	[dreg:$0x7] =	wrdreg s18  }
0xc0: {  	[dreg:$0x8] =	wrdreg s19  }
0xc1: {  	[dreg:$0x9] =	wrdreg $0x9  }
0xc2: {  	_ =	task.clear_ibuf [dreg:s13], $0xAFFFF;
	_ =	strace $0x90000046  }
0xc3: {  	s29 =	simm.s32 $0x9;
	_ =	strace $0x80000048  }
0xc4: {  	_ =	swait.ge [sflag:s29], $0x1  }
0xc5: {  	[sflag:s29] =	ssyncadd.s32 $0xFFFFFFFF  }
0xc6: {  	_ =	strace $0x90000048  }
0xc7: {  	_ =	sfence  }
0xc8: {  	s30 =	sld [smem:$0x0];
	_ =	sdelay $0x2  }
0xc9: {  	s31 =	sshll.u32 s1, $0xD;
	s1 =	sshrl.u32 s1, $0x2  }
0xca: {  	s3 =	sand.u32 $0x4000, s31;
	s1 =	sadd.s32 s1, s30  }
0xcb: {  	s0 =	sor.u32 s3, s0;
	s1 =	sshll.u32 s1, $0x11  }
0xcc: {  	s0 =	sor.u32 s1, s0  }
0xcd: {  	s0 =	sadd.s32 $0x8F2B, s0  }
0xce: {  	[sflag:s0] =	ssyncadd.remote.s32 $0x1  }
0xcf: {  	_ =	sfence.sel $0xFFFF  }
0xd0: {  	[dreg:$0x0] =	wrdreg $0xFFFFFFFF;
	(pc) =	sbr.abs _section_cstart, $3  }
0xd1: {  	[dreg:$0x1] =	wrdreg $0xFFFFFFFF  }
0xd2: {  	_ =	task.clear_ibuf [dreg:s13], $0x2FFFF;
	_ =	strace $0x9FFFFFFF  }
0xd3: {  	(tm) =	ssettm $0x7FFFFFFF  }
tec
execute0_lowered:
.L_overlay_start_1:
0x0: {  	(tag) =	ssettag $0x1  }
0x1: {  	v0 =	vlaneseq.u32  }
0x2: {  	v1 =	vor.u32 $0x10, v0  }
0x3: {  	v2 =	vor.u32 $0x20, v0;
	v3 =	vor.u32 $0x30, v0;
	v4 =	vor.u32 $0x40, v0  }
0x4: {  	s0 =	rddreg [dreg:$0x0];
	v5 =	vor.u32 $0x50, v0;
	v6 =	vor.u32 $0x60, v0;
	v7 =	vor.u32 $0x70, v0  }
0x5: {  	s1 =	srdreg.scid;
	s3 =	stileid.u32;
	v8 =	vor.u32 $0x80, v0;
	v9 =	vor.u32 $0x90, v0;
	v10 =	vor.u32 $0xA0, v0  }
0x6: {  	s8 =	simm.s32 $0x0;
	s13 =	simm.s32 $0x400;
	s1 =	sand.u32 $0x1, s1;
	v11 =	vor.u32 $0xB0, v0;
	v12 =	vor.u32 $0xC0, v0;
	v13 =	vor.u32 $0xD0, v0  }
0x7: {  	s3 =	sshll.u32 s3, $0xB;
	v14 =	vor.u32 $0xE0, v0;
	v15 =	vor.u32 $0xF0, v0;
	v16 =	vor.u32 $0x100, v0;
	s2 =	ssub.s32 $0x2, s1;
	s1 =	sshll.u32 s1, $0xA  }
0x8: {  	s14 =	simm.s32 $0x4600;
	s15 =	simm.s32 $0x8800;
	v17 =	vor.u32 $0x110, v0;
	v18 =	vor.u32 $0x120, v0;
	v19 =	vor.u32 $0x130, v0;
	s9 =	sor.u32 s1, s3  }
0x9: {  	s17 =	simm.s32 $0x10A00;
	v20 =	vor.u32 $0x140, v0;
	v21 =	vor.u32 $0x150, v0;
	v22 =	vor.u32 $0x160, v0;
	s4 =	sshrl.u32 s2, $0x1;
	s30 =	sshrl.u32 s9, $0x3  }
0xa: {  	[smem:$0x7FF] =	sst s8;
	v23 =	vor.u32 $0x170, v0;
	v24 =	vor.u32 $0x180, v0;
	v25 =	vor.u32 $0x190, v0;
	s29 =	ssub.s32 s2, s4;
	s0 =	sadd.s32 s0, s30  }
0xb: {  	v26 =	vor.u32 $0x1A0, v0;
	v27 =	vor.u32 $0x1B0, v0;
	v28 =	vor.u32 $0x1C0, v0;
	_ =	strace $0x80000047;
	s31 =	smax.u32 s29, $0x1;
	[dreg:$0x8] =	wrdreg s0  }
0xc: {  	s18 =	simm.s32 $0x14A00;
	v29 =	vor.u32 $0x1D0, v0;
	v30 =	vor.u32 $0x1E0, v0;
	v31 =	vor.u32 $0x1F0, v0;
	s2 =	simm.s32 $0x0;
	[dreg:$0x9] =	wrdreg s31  }
.LBB2_1:
0xd: {  	[dreg:$0xa] =	wrdreg s2  }
0xe: {  	s0 =	rddreg [dreg:$0x8];
	s1 =	simm.s32 $0x2  }
0xf: {  	[tilespmem:s8], [sflag:$0x2] =	stream.linear.gather [hbm4b:s0+s8], $0x400, $0x38;
	[tilespmem:$0x18A00] =	vst v63  }
0x10: {  	_ =	swait.ge [sflag:s1], $0x400  }
0x11: {  	[sflag:s1] =	ssyncset.done $0x0  }
0x12: {  	[sflag:s1] =	ssyncadd.s32 $0xFFFFFC00  }
0x13: {  	s29 =	rddreg [dreg:$0x1]  }
0x14: {  	[tilespmem:s13], [sflag:$0x2] =	stream.linear.gather [hbm4b:s29+s8], $0x4200, $0x38;
	[tilespmem:$0x18A00] =	vst v63  }
0x15: {  	_ =	swait.ge [sflag:s1], $0x4200  }
0x16: {  	[sflag:s1] =	ssyncset.done $0x0  }
0x17: {  	[sflag:s1] =	ssyncadd.s32 $0xFFFFBE00  }
0x18: {  	s30 =	rddreg [dreg:$0x2]  }
0x19: {  	[tilespmem:s14], [sflag:$0x2] =	stream.linear.gather [hbm4b:s30+s8], $0x4200, $0x38;
	[tilespmem:$0x18A00] =	vst v63  }
0x1a: {  	_ =	swait.ge [sflag:s1], $0x4200  }
0x1b: {  	[sflag:s1] =	ssyncset.done $0x0  }
0x1c: {  	[sflag:s1] =	ssyncadd.s32 $0xFFFFBE00  }
0x1d: {  	s31 =	rddreg [dreg:$0x3]  }
0x1e: {  	[tilespmem:s15], [sflag:$0x2] =	stream.linear.gather [hbm4b:s31+s8], $0x4200, $0x38;
	[tilespmem:$0x18A00] =	vst v63  }
0x1f: {  	_ =	swait.ge [sflag:s1], $0x4200  }
0x20: {  	[sflag:s1] =	ssyncset.done $0x0  }
0x21: {  	s21 =	simm.s32 $0x0;
	s22 =	simm.s32 $0x0;
	[sflag:s1] =	ssyncadd.s32 $0xFFFFBE00  }
.LBB2_2:
0x22: {  	s0 =	sshll.u32 s21, $0x5  }
0x23: {  	s25 =	sshll.u32 s22, $0x5;
	s23 =	sand.u32 $0x60, s0  }
0x24: {  	s24 =	sand.u32 $0xFFFFFF80, s25;
	s0 =	sadd.s32 $0xFFFFFFFE, s23  }
0x25: {  	s1 =	sadd.s32 s24, s0  }
0x26: {  	s0 =	sadd.s32 $0x2, s1  }
0x27: {  	p0 =	seq.s32 s22, $0x0;
	v32 =	vmov s0  }
0x28: {  	s0 =	simm.s32 @!p0 $0x1  }
0x29: {  	_ =	swait.ge @!p0 [sflag:s0], $0x4000  }
0x2a: {  	[sflag:s0] =	ssyncset.done @!p0 $0x0  }
0x2b: {  	[sflag:s0] =	ssyncadd.s32 @!p0 $0xFFFFC000  }
0x2c: {  	v32 =	vld.idx.msk [tilespmem:v32+s8+$0x0], $0xffff;
	_ =	sdelay $0x4  }
0x2d: {  	v35 =	vshll.u32 v32, $0x9  }
0x2e: {  	v32 =	vor.u32 v0, v35;
	_ =	sdelay $0x4  }
0x2f: {  	v32 =	vld.idx.msk [tilespmem:v32+s13+$0x0], $0xffff  }
0x30: {  	s0 =	simm.s32 $0x0;
	v33 =	vor.u32 v1, v35  }
0x31: {  	s3 =	simm.s32 $0x0;
	s2 =	sand.u32 $0x3000, s0  }
0x32: {  	s3 =	sand.u32 $0x300, s3;
	s4 =	sor.u32 $0xCA00, s2  }
0x33: {  	s2 =	sadd.s32 s3, s4  }
0x34: {  	s1 =	sadd.s32 $0x3, s1;
	[tilespmem:s2+$0x0] =	vst v32  }
0x35: {  	v34 =	vmov s1;
	v32 =	vld.idx.msk [tilespmem:v33+s13+$0x0], $0xffff  }
0x36: {  	v48 =	vor.u32 v2, v35;
	_ =	sdelay $0x3  }
0x37: {  	v34 =	vld.idx.msk [tilespmem:v34+s8+$0x0], $0xffff;
	[tilespmem:s2+$0x10] =	vst v32  }
0x38: {  	v32 =	vld.idx.msk [tilespmem:v48+s13+$0x0], $0xffff  }
0x39: {  	v49 =	vor.u32 v3, v35;
	_ =	sdelay $0x3  }
0x3a: {  	v34 =	vshll.u32 v34, $0x9;
	[tilespmem:s2+$0x20] =	vst v32  }
0x3b: {  	v36 =	vor.u32 v0, v34;
	v32 =	vld.idx.msk [tilespmem:v49+s13+$0x0], $0xffff  }
0x3c: {  	v50 =	vor.u32 v4, v35;
	_ =	sdelay $0x3  }
0x3d: {  	v36 =	vld.idx.msk [tilespmem:v36+s13+$0x0], $0xffff;
	[tilespmem:s2+$0x30] =	vst v32  }
0x3e: {  	v37 =	vor.u32 v1, v34;
	v32 =	vld.idx.msk [tilespmem:v50+s13+$0x0], $0xffff  }
0x3f: {  	s26 =	simm.s32 $0x80;
	v51 =	vor.u32 v5, v35  }
0x40: {  	s12 =	sand.u32 $0x380, s26;
	s16 =	sadd.s32 $0x0, s23  }
0x41: {  	s1 =	sadd.s32 s12, s4;
	s3 =	sadd.s32 s24, s16  }
0x42: {  	s19 =	sadd.s32 $0x2, s3;
	[tilespmem:s1+$0x0] =	vst v36  }
0x43: {  	v38 =	vmov s19;
	v36 =	vld.idx.msk [tilespmem:v37+s13+$0x0], $0xffff;
	[tilespmem:s2+$0x40] =	vst v32  }
0x44: {  	v53 =	vor.u32 v2, v34;
	v32 =	vld.idx.msk [tilespmem:v51+s13+$0x0], $0xffff  }
0x45: {  	v52 =	vor.u32 v6, v35;
	_ =	sdelay $0x2  }
0x46: {  	v55 =	vld.idx.msk [tilespmem:v38+s8+$0x0], $0xffff;
	[tilespmem:s1+$0x10] =	vst v36  }
0x47: {  	v36 =	vld.idx.msk [tilespmem:v53+s13+$0x0], $0xffff;
	[tilespmem:s2+$0x50] =	vst v32  }
0x48: {  	v32 =	vld.idx.msk [tilespmem:v52+s13+$0x0], $0xffff  }
0x49: {  	v56 =	vor.u32 v3, v34  }
0x4a: {  	v54 =	vor.u32 v7, v35;
	_ =	sdelay $0x1  }
0x4b: {  	[tilespmem:s1+$0x20] =	vst v36  }
0x4c: {  	[tilespmem:s2+$0x60] =	vst v32;
	v32 =	vshll.u32 v55, $0x9  }
0x4d: {  	v36 =	vld.idx.msk [tilespmem:v56+s13+$0x0], $0xffff;
	v37 =	vor.u32 v0, v32  }
0x4e: {  	v57 =	vor.u32 v4, v34;
	v33 =	vld.idx.msk [tilespmem:v54+s13+$0x0], $0xffff  }
0x4f: {  	v39 =	vor.u32 v8, v35;
	_ =	sdelay $0x2  }
0x50: {  	[tilespmem:s1+$0x30] =	vst v36;
	v59 =	vld.idx.msk [tilespmem:v37+s13+$0x0], $0xffff  }
0x51: {  	s20 =	simm.s32 $0x400;
	v60 =	vld.idx.msk [tilespmem:v57+s13+$0x0], $0xffff;
	v61 =	vor.u32 v1, v32;
	[tilespmem:s2+$0x70] =	vst v33  }
0x52: {  	s5 =	simm.s32 $0x100;
	s4 =	sand.u32 $0x3000, s20;
	v40 =	vor.u32 v5, v34;
	v33 =	vld.idx.msk [tilespmem:v39+s13+$0x0], $0xffff  }
0x53: {  	s5 =	sand.u32 $0x300, s5;
	s4 =	sor.u32 $0xCA00, s4;
	v58 =	vor.u32 v9, v35  }
0x54: {  	s31 =	sadd.s32 s5, s4  }
0x55: {  	s3 =	sadd.s32 $0x3, s3;
	[tilespmem:s31+$0x0] =	vst v59  }
0x56: {  	v62 =	vmov s3;
	[tilespmem:s1+$0x40] =	vst v60;
	v36 =	vld.idx.msk [tilespmem:v61+s13+$0x0], $0xffff  }
0x57: {  	v63 =	vor.u32 v2, v32;
	v37 =	vld.idx.msk [tilespmem:v40+s13+$0x0], $0xffff;
	[tilespmem:s2+$0x400] =	vst v33  }
0x58: {  	v44 =	vor.u32 v6, v34;
	v39 =	vld.idx.msk [tilespmem:v58+s13+$0x0], $0xffff  }
0x59: {  	v41 =	vor.u32 v10, v35;
	_ =	sdelay $0x1  }
0x5a: {  	v33 =	vld.idx.msk [tilespmem:v62+s8+$0x0], $0xffff;
	[tilespmem:s31+$0x10] =	vst v36  }
0x5b: {  	[tilespmem:s1+$0x50] =	vst v37;
	v36 =	vld.idx.msk [tilespmem:v63+s13+$0x0], $0xffff  }
0x5c: {  	v46 =	vor.u32 v3, v32;
	v37 =	vld.idx.msk [tilespmem:v44+s13+$0x0], $0xffff;
	[tilespmem:s2+$0x410] =	vst v39  }
0x5d: {  	v47 =	vor.u32 v7, v34;
	v39 =	vld.idx.msk [tilespmem:v41+s13+$0x0], $0xffff  }
0x5e: {  	v45 =	vor.u32 v11, v35;
	_ =	sdelay $0x1  }
0x5f: {  	v33 =	vshll.u32 v33, $0x9;
	[tilespmem:s31+$0x20] =	vst v36  }
0x60: {  	[tilespmem:s1+$0x60] =	vst v37;
	v48 =	vor.u32 v0, v33;
	v36 =	vld.idx.msk [tilespmem:v46+s13+$0x0], $0xffff  }
0x61: {  	v49 =	vor.u32 v4, v32;
	v37 =	vld.idx.msk [tilespmem:v47+s13+$0x0], $0xffff;
	[tilespmem:s2+$0x420] =	vst v39  }
0x62: {  	v50 =	vor.u32 v8, v34;
	v41 =	vld.idx.msk [tilespmem:v45+s13+$0x0], $0xffff  }
0x63: {  	v42 =	vor.u32 v12, v35;
	_ =	sdelay $0x1  }
0x64: {  	v39 =	vld.idx.msk [tilespmem:v48+s13+$0x0], $0xffff;
	[tilespmem:s31+$0x30] =	vst v36  }
0x65: {  	v51 =	vor.u32 v1, v33;
	[tilespmem:s1+$0x70] =	vst v37;
	v36 =	vld.idx.msk [tilespmem:v49+s13+$0x0], $0xffff  }
0x66: {  	s5 =	simm.s32 $0x180;
	v52 =	vor.u32 v5, v32;
	v37 =	vld.idx.msk [tilespmem:v50+s13+$0x0], $0xffff;
	[tilespmem:s2+$0x430] =	vst v41  }
0x67: {  	s3 =	sand.u32 $0x380, s5;
	v53 =	vor.u32 v9, v34;
	v42 =	vld.idx.msk [tilespmem:v42+s13+$0x0], $0xffff  }
0x68: {  	s28 =	sadd.s32 s3, s4;
	v43 =	vor.u32 v13, v35  }
0x69: {  	[tilespmem:s28+$0x0] =	vst v39  }
0x6a: {  	v39 =	vld.idx.msk [tilespmem:v51+s13+$0x0], $0xffff;
	[tilespmem:s31+$0x40] =	vst v36  }
0x6b: {  	v54 =	vor.u32 v2, v33;
	[tilespmem:s1+$0x400] =	vst v37;
	v36 =	vld.idx.msk [tilespmem:v52+s13+$0x0], $0xffff  }
0x6c: {  	v56 =	vor.u32 v6, v32;
	v37 =	vld.idx.msk [tilespmem:v53+s13+$0x0], $0xffff;
	[tilespmem:s2+$0x440] =	vst v42  }
0x6d: {  	v57 =	vor.u32 v10, v34;
	v42 =	vld.idx.msk [tilespmem:v43+s13+$0x0], $0xffff  }
0x6e: {  	v55 =	vor.u32 v14, v35  }
0x6f: {  	[tilespmem:s28+$0x10] =	vst v39  }
0x70: {  	v39 =	vld.idx.msk [tilespmem:v54+s13+$0x0], $0xffff;
	[tilespmem:s31+$0x50] =	vst v36  }
0x71: {  	v58 =	vor.u32 v3, v33;
	[tilespmem:s1+$0x410] =	vst v37;
	v36 =	vld.idx.msk [tilespmem:v56+s13+$0x0], $0xffff  }
0x72: {  	s6 =	sadd.s32 $0x2, s23;
	v60 =	vor.u32 v7, v32;
	v37 =	vld.idx.msk [tilespmem:v57+s13+$0x0], $0xffff;
	[tilespmem:s2+$0x450] =	vst v42  }
0x73: {  	s3 =	sadd.s32 s24, s6;
	v61 =	vor.u32 v11, v34;
	v42 =	vld.idx.msk [tilespmem:v55+s13+$0x0], $0xffff  }
0x74: {  	s7 =	sadd.s32 $0x2, s3;
	s3 =	sadd.s32 $0x3, s3;
	v59 =	vor.u32 v15, v35  }
0x75: {  	v48 =	vmov s3;
	[tilespmem:s28+$0x20] =	vst v39  }
0x76: {  	v62 =	vmov s7;
	v39 =	vld.idx.msk [tilespmem:v58+s13+$0x0], $0xffff;
	[tilespmem:s31+$0x60] =	vst v36  }
0x77: {  	v63 =	vor.u32 v4, v33;
	[tilespmem:s1+$0x420] =	vst v37;
	v49 =	vld.idx.msk [tilespmem:v60+s13+$0x0], $0xffff  }
0x78: {  	v51 =	vor.u32 v8, v32;
	v50 =	vld.idx.msk [tilespmem:v61+s13+$0x0], $0xffff;
	[tilespmem:s2+$0x460] =	vst v42  }
0x79: {  	v53 =	vor.u32 v12, v34;
	v43 =	vld.idx.msk [tilespmem:v59+s13+$0x0], $0xffff  }
0x7a: {  	v44 =	vor.u32 v16, v35;
	v45 =	vld.idx.msk [tilespmem:v48+s8+$0x0], $0xffff  }
0x7b: {  	v52 =	vld.idx.msk [tilespmem:v62+s8+$0x0], $0xffff;
	[tilespmem:s28+$0x30] =	vst v39  }
0x7c: {  	v42 =	vld.idx.msk [tilespmem:v63+s13+$0x0], $0xffff;
	[tilespmem:s31+$0x70] =	vst v49  }
0x7d: {  	v54 =	vor.u32 v5, v33;
	[tilespmem:s1+$0x430] =	vst v50;
	v40 =	vld.idx.msk [tilespmem:v51+s13+$0x0], $0xffff  }
0x7e: {  	v55 =	vor.u32 v9, v32;
	v56 =	vld.idx.msk [tilespmem:v53+s13+$0x0], $0xffff;
	[tilespmem:s2+$0x470] =	vst v43  }
0x7f: {  	v58 =	vor.u32 v13, v34;
	v44 =	vld.idx.msk [tilespmem:v44+s13+$0x0], $0xffff  }
0x80: {  	v46 =	vor.u32 v17, v35;
	v36 =	vshll.u32 v52, $0x9  }
0x81: {  	v37 =	vshll.u32 v45, $0x9;
	v57 =	vor.u32 v0, v36;
	[tilespmem:s28+$0x40] =	vst v42  }
0x82: {  	v61 =	vor.u32 v0, v37;
	v43 =	vld.idx.msk [tilespmem:v54+s13+$0x0], $0xffff;
	[tilespmem:s31+$0x400] =	vst v40  }
0x83: {  	v59 =	vor.u32 v6, v33;
	[tilespmem:s1+$0x440] =	vst v56;
	v38 =	vld.idx.msk [tilespmem:v55+s13+$0x0], $0xffff  }
0x84: {  	v63 =	vor.u32 v10, v32;
	v42 =	vld.idx.msk [tilespmem:v58+s13+$0x0], $0xffff;
	[tilespmem:s2+$0x800] =	vst v44  }
0x85: {  	v53 =	vor.u32 v14, v34;
	v46 =	vld.idx.msk [tilespmem:v46+s13+$0x0], $0xffff  }
0x86: {  	v60 =	vor.u32 v18, v35;
	v62 =	vld.idx.msk [tilespmem:v57+s13+$0x0], $0xffff  }
0x87: {  	s10 =	simm.s32 $0x800;
	v52 =	vor.u32 v1, v36;
	[tilespmem:s28+$0x50] =	vst v43;
	v40 =	vld.idx.msk [tilespmem:v61+s13+$0x0], $0xffff  }
0x88: {  	s11 =	simm.s32 $0x200;
	s3 =	sand.u32 $0x3000, s10;
	v48 =	vor.u32 v1, v37;
	v44 =	vld.idx.msk [tilespmem:v59+s13+$0x0], $0xffff;
	[tilespmem:s31+$0x410] =	vst v38  }
0x89: {  	s12 =	simm.s32 $0x280;
	s4 =	sand.u32 $0x300, s11;
	v47 =	vor.u32 v7, v33;
	s3 =	sor.u32 $0xCA00, s3;
	[tilespmem:s1+$0x450] =	vst v42;
	v55 =	vld.idx.msk [tilespmem:v63+s13+$0x0], $0xffff  }
0x8a: {  	s29 =	sadd.s32 s4, s3;
	s4 =	sand.u32 $0x380, s12;
	v57 =	vor.u32 v11, v32;
	v59 =	vld.idx.msk [tilespmem:v53+s13+$0x0], $0xffff;
	[tilespmem:s2+$0x810] =	vst v46  }
0x8b: {  	s30 =	sadd.s32 s4, s3;
	[tilespmem:s29+$0x0] =	vst v62;
	v61 =	vor.u32 v15, v34;
	v45 =	vld.idx.msk [tilespmem:v60+s13+$0x0], $0xffff  }
0x8c: {  	v54 =	vor.u32 v19, v35;
	v56 =	vld.idx.msk [tilespmem:v52+s13+$0x0], $0xffff;
	[tilespmem:s30+$0x0] =	vst v40  }
0x8d: {  	[tilespmem:s28+$0x60] =	vst v44;
	v40 =	vld.idx.msk [tilespmem:v48+s13+$0x0], $0xffff  }
0x8e: {  	v58 =	vor.u32 v2, v36;
	v60 =	vld.idx.msk [tilespmem:v47+s13+$0x0], $0xffff;
	[tilespmem:s31+$0x420] =	vst v55  }
0x8f: {  	v62 =	vor.u32 v8, v33;
	[tilespmem:s1+$0x460] =	vst v59;
	v53 =	vld.idx.msk [tilespmem:v57+s13+$0x0], $0xffff  }
0x90: {  	v52 =	vor.u32 v2, v37;
	[tilespmem:s2+$0x820] =	vst v45;
	v45 =	vld.idx.msk [tilespmem:v61+s13+$0x0], $0xffff  }
0x91: {  	v57 =	vor.u32 v16, v34;
	v38 =	vld.idx.msk [tilespmem:v54+s13+$0x0], $0xffff  }
0x92: {  	[tilespmem:s29+$0x10] =	vst v56;
	v63 =	vor.u32 v20, v35  }
0x93: {  	v55 =	vor.u32 v12, v32;
	[tilespmem:s28+$0x70] =	vst v60;
	v54 =	vld.idx.msk [tilespmem:v58+s13+$0x0], $0xffff  }
0x94: {  	v56 =	vor.u32 v3, v36;
	[tilespmem:s30+$0x10] =	vst v40;
	v46 =	vld.idx.msk [tilespmem:v62+s13+$0x0], $0xffff  }
0x95: {  	v40 =	vld.idx.msk [tilespmem:v52+s13+$0x0], $0xffff;
	v58 =	vor.u32 v9, v33;
	[tilespmem:s1+$0x470] =	vst v45  }
0x96: {  	v60 =	vor.u32 v3, v37;
	[tilespmem:s2+$0x830] =	vst v38;
	v38 =	vld.idx.msk [tilespmem:v57+s13+$0x0], $0xffff  }
0x97: {  	[tilespmem:s31+$0x430] =	vst v53;
	v53 =	vor.u32 v17, v34;
	v39 =	vld.idx.msk [tilespmem:v63+s13+$0x0], $0xffff  }
0x98: {  	v59 =	vor.u32 v21, v35;
	[tilespmem:s29+$0x20] =	vst v54;
	v61 =	vld.idx.msk [tilespmem:v55+s13+$0x0], $0xffff  }
0x99: {  	[tilespmem:s28+$0x400] =	vst v46;
	v62 =	vld.idx.msk [tilespmem:v56+s13+$0x0], $0xffff;
	v63 =	vor.u32 v13, v32  }
0x9a: {  	v52 =	vor.u32 v4, v36;
	[tilespmem:s30+$0x20] =	vst v40;
	v46 =	vld.idx.msk [tilespmem:v58+s13+$0x0], $0xffff  }
0x9b: {  	v54 =	vor.u32 v10, v33;
	v56 =	vld.idx.msk [tilespmem:v60+s13+$0x0], $0xffff;
	[tilespmem:s1+$0x800] =	vst v38  }
0x9c: {  	v58 =	vor.u32 v4, v37;
	[tilespmem:s2+$0x840] =	vst v39;
	v39 =	vld.idx.msk [tilespmem:v53+s13+$0x0], $0xffff  }
0x9d: {  	[tilespmem:s31+$0x440] =	vst v61;
	v55 =	vld.idx.msk [tilespmem:v59+s13+$0x0], $0xffff  }
0x9e: {  	[tilespmem:s29+$0x30] =	vst v62;
	v59 =	vld.idx.msk [tilespmem:v63+s13+$0x0], $0xffff  }
0x9f: {  	[tilespmem:s28+$0x410] =	vst v46;
	v60 =	vld.idx.msk [tilespmem:v52+s13+$0x0], $0xffff;
	v63 =	vor.u32 v18, v34  }
0xa0: {  	v57 =	vor.u32 v22, v35;
	[tilespmem:s30+$0x30] =	vst v56;
	v46 =	vld.idx.msk [tilespmem:v54+s13+$0x0], $0xffff  }
0xa1: {  	v62 =	vor.u32 v5, v36;
	v54 =	vld.idx.msk [tilespmem:v58+s13+$0x0], $0xffff  }
0xa2: {  	v56 =	vor.u32 v5, v37;
	[tilespmem:s1+$0x810] =	vst v39  }
0xa3: {  	[tilespmem:s2+$0x850] =	vst v55  }
0xa4: {  	s16 =	sadd.s32 $0x4, s23;
	v61 =	vor.u32 v14, v32;
	[tilespmem:s31+$0x450] =	vst v59;
	v40 =	vld.idx.msk [tilespmem:v63+s13+$0x0], $0xffff  }
0xa5: {  	s3 =	sadd.s32 s24, s16;
	v52 =	vor.u32 v11, v33;
	[tilespmem:s29+$0x40] =	vst v60;
	v53 =	vld.idx.msk [tilespmem:v57+s13+$0x0], $0xffff  }
0xa6: {  	s19 =	sadd.s32 $0x2, s3;
	v59 =	vor.u32 v19, v34;
	[tilespmem:s30+$0x40] =	vst v54;
	v44 =	vld.idx.msk [tilespmem:v62+s13+$0x0], $0xffff  }
0xa7: {  	v62 =	vld.idx.msk [tilespmem:v56+s13+$0x0], $0xffff;
	v56 =	vmov s19  }
0xa8: {  	v55 =	vor.u32 v23, v35  }
0xa9: {  	v58 =	vor.u32 v6, v36;
	[tilespmem:s28+$0x420] =	vst v46;
	v38 =	vld.idx.msk [tilespmem:v61+s13+$0x0], $0xffff  }
0xaa: {  	v57 =	vor.u32 v15, v32;
	v46 =	vld.idx.msk [tilespmem:v52+s13+$0x0], $0xffff;
	[tilespmem:s1+$0x820] =	vst v40  }
0xab: {  	v60 =	vor.u32 v12, v33;
	v41 =	vld.idx.msk [tilespmem:v59+s13+$0x0], $0xffff  }
0xac: {  	v52 =	vor.u32 v6, v37;
	[tilespmem:s2+$0x860] =	vst v53;
	v47 =	vld.idx.msk [tilespmem:v56+s8+$0x0], $0xffff  }
0xad: {  	s3 =	sadd.s32 $0x3, s3;
	[tilespmem:s29+$0x50] =	vst v44;
	v61 =	vld.idx.msk [tilespmem:v55+s13+$0x0], $0xffff;
	v55 =	vor.u32 v20, v34  }
0xae: {  	[tilespmem:s31+$0x460] =	vst v38;
	v44 =	vld.idx.msk [tilespmem:v58+s13+$0x0], $0xffff;
	v58 =	vmov s3  }
0xaf: {  	v63 =	vor.u32 v24, v35;
	[tilespmem:s28+$0x430] =	vst v46;
	v39 =	vld.idx.msk [tilespmem:v57+s13+$0x0], $0xffff  }
0xb0: {  	v54 =	vor.u32 v7, v36;
	[tilespmem:s30+$0x50] =	vst v62;
	v46 =	vld.idx.msk [tilespmem:v60+s13+$0x0], $0xffff  }
0xb1: {  	v53 =	vor.u32 v16, v32;
	v43 =	vld.idx.msk [tilespmem:v52+s13+$0x0], $0xffff;
	[tilespmem:s1+$0x830] =	vst v41  }
0xb2: {  	v59 =	vor.u32 v7, v37;
	v42 =	vld.idx.msk [tilespmem:v55+s13+$0x0], $0xffff  }
0xb3: {  	v49 =	vor.u32 v13, v33;
	[tilespmem:s2+$0x870] =	vst v61;
	v62 =	vld.idx.msk [tilespmem:v58+s8+$0x0], $0xffff  }
0xb4: {  	[tilespmem:s29+$0x60] =	vst v44;
	v61 =	vor.u32 v21, v34;
	v38 =	vld.idx.msk [tilespmem:v63+s13+$0x0], $0xffff  }
0xb5: {  	s20 =	sand.u32 $0x3, s0;
	v57 =	vor.u32 v25, v35;
	[tilespmem:s31+$0x470] =	vst v39;
	v44 =	vld.idx.msk [tilespmem:v54+s13+$0x0], $0xffff  }
0xb6: {  	v60 =	vor.u32 v8, v36;
	s2 =	sshll.u32 s20, $0x8;
	[tilespmem:s30+$0x60] =	vst v43;
	v40 =	vld.idx.msk [tilespmem:v53+s13+$0x0], $0xffff  }
0xb7: {  	[tilespmem:s28+$0x440] =	vst v46;
	s5 =	sadd.s32 $0x0, s2;
	v63 =	vor.u32 v17, v32;
	v41 =	vld.idx.msk [tilespmem:v59+s13+$0x0], $0xffff  }
0xb8: {  	v55 =	vor.u32 v8, v37;
	v39 =	vshll.u32 v47, $0x9;
	v49 =	vld.idx.msk [tilespmem:v49+s13+$0x0], $0xffff;
	s2 =	sor.u32 $0xC00, s5;
	[tilespmem:s1+$0x840] =	vst v42  }
0xb9: {  	v59 =	vor.u32 v0, v39;
	[tilespmem:s2+$0xCA00] =	vst v38;
	v56 =	vld.idx.msk [tilespmem:v61+s13+$0x0], $0xffff  }
0xba: {  	[tilespmem:s29+$0x70] =	vst v44;
	v38 =	vshll.u32 v62, $0x9;
	v50 =	vld.idx.msk [tilespmem:v57+s13+$0x0], $0xffff;
	v57 =	vor.u32 v22, v34  }
0xbb: {  	[tilespmem:s31+$0x800] =	vst v40;
	v45 =	vld.idx.msk [tilespmem:v60+s13+$0x0], $0xffff;
	v43 =	vor.u32 v0, v38  }
0xbc: {  	v54 =	vor.u32 v26, v35;
	[tilespmem:s30+$0x70] =	vst v41;
	v58 =	vld.idx.msk [tilespmem:v63+s13+$0x0], $0xffff  }
0xbd: {  	v51 =	vor.u32 v9, v36;
	v42 =	vld.idx.msk [tilespmem:v55+s13+$0x0], $0xffff  }
0xbe: {  	v60 =	vor.u32 v18, v32;
	v63 =	vld.idx.msk [tilespmem:v59+s13+$0x0], $0xffff;
	[tilespmem:s1+$0x850] =	vst v56  }
0xbf: {  	s4 =	sor.u32 $0xC10, s5;
	v62 =	vor.u32 v9, v37;
	[tilespmem:s28+$0x450] =	vst v49;
	v40 =	vld.idx.msk [tilespmem:v57+s13+$0x0], $0xffff  }
0xc0: {  	s12 =	simm.s32 $0xC00;
	[tilespmem:s4+$0xCA00] =	vst v50;
	v43 =	vld.idx.msk [tilespmem:v43+s13+$0x0], $0xffff;
	v57 =	vor.u32 v14, v33  }
0xc1: {  	s10 =	simm.s32 $0x300;
	s7 =	sand.u32 $0x3000, s12;
	[tilespmem:s29+$0x400] =	vst v45;
	v44 =	vld.idx.msk [tilespmem:v54+s13+$0x0], $0xffff;
	v54 =	vor.u32 v23, v34  }
0xc2: {  	s3 =	sand.u32 $0x300, s10;
	s2 =	sor.u32 $0xCA00, s7;
	v56 =	vor.u32 v1, v39;
	[tilespmem:s31+$0x810] =	vst v58;
	v45 =	vld.idx.msk [tilespmem:v51+s13+$0x0], $0xffff  }
0xc3: {  	s20 =	simm.s32 $0x380;
	s19 =	sadd.s32 s3, s2;
	[tilespmem:s30+$0x400] =	vst v42;
	v58 =	vor.u32 v1, v38;
	v41 =	vld.idx.msk [tilespmem:v60+s13+$0x0], $0xffff  }
0xc4: {  	s11 =	sand.u32 $0x380, s20;
	v61 =	vor.u32 v27, v35;
	[tilespmem:s19+$0x0] =	vst v63;
	v50 =	vld.idx.msk [tilespmem:v62+s13+$0x0], $0xffff  }
0xc5: {  	v55 =	vor.u32 v10, v36;
	s2 =	sadd.s32 s11, s2;
	[tilespmem:s1+$0x860] =	vst v40;
	v42 =	vld.idx.msk [tilespmem:v57+s13+$0x0], $0xffff  }
0xc6: {  	s6 =	sor.u32 $0xC20, s5;
	[tilespmem:s2+$0x0] =	vst v43;
	v60 =	vld.idx.msk [tilespmem:v54+s13+$0x0], $0xffff  }
0xc7: {  	v59 =	vor.u32 v19, v32;
	[tilespmem:s6+$0xCA00] =	vst v44;
	v44 =	vld.idx.msk [tilespmem:v56+s13+$0x0], $0xffff  }
0xc8: {  	v62 =	vor.u32 v10, v37;
	[tilespmem:s29+$0x410] =	vst v45;
	v51 =	vld.idx.msk [tilespmem:v58+s13+$0x0], $0xffff  }
0xc9: {  	v63 =	vor.u32 v24, v34;
	[tilespmem:s31+$0x820] =	vst v41;
	v46 =	vld.idx.msk [tilespmem:v61+s13+$0x0], $0xffff  }
0xca: {  	[tilespmem:s30+$0x410] =	vst v50;
	v61 =	vld.idx.msk [tilespmem:v55+s13+$0x0], $0xffff;
	v55 =	vor.u32 v2, v39  }
0xcb: {  	v56 =	vor.u32 v15, v33;
	[tilespmem:s28+$0x460] =	vst v42  }
0xcc: {  	v54 =	vor.u32 v11, v36;
	v40 =	vld.idx.msk [tilespmem:v59+s13+$0x0], $0xffff;
	[tilespmem:s1+$0x870] =	vst v60  }
0xcd: {  	v57 =	vor.u32 v2, v38;
	v48 =	vld.idx.msk [tilespmem:v62+s13+$0x0], $0xffff;
	[tilespmem:s19+$0x10] =	vst v44  }
0xce: {  	s16 =	sor.u32 $0xC30, s5;
	v58 =	vor.u32 v20, v32;
	[tilespmem:s2+$0x10] =	vst v51;
	v41 =	vld.idx.msk [tilespmem:v63+s13+$0x0], $0xffff  }
0xcf: {  	s0 =	sand.u32 $0x7, s0;
	v59 =	vor.u32 v11, v37;
	[tilespmem:s16+$0xCA00] =	vst v46;
	v60 =	vld.idx.msk [tilespmem:v55+s13+$0x0], $0xffff  }
0xd0: {  	s0 =	sshll.u32 s0, $0x7;
	[tilespmem:s29+$0x420] =	vst v61;
	v61 =	vor.u32 v25, v34;
	v46 =	vld.idx.msk [tilespmem:v56+s13+$0x0], $0xffff  }
0xd1: {  	s10 =	sadd.s32 $0x80, s0;
	v63 =	vor.u32 v3, v39;
	[tilespmem:s31+$0x830] =	vst v40;
	v43 =	vld.idx.msk [tilespmem:v54+s13+$0x0], $0xffff  }
0xd2: {  	s0 =	sor.u32 $0xC00, s10;
	v62 =	vor.u32 v12, v36;
	v50 =	vld.idx.msk [tilespmem:v57+s13+$0x0], $0xffff;
	[tilespmem:s30+$0x420] =	vst v48  }
0xd3: {  	v40 =	vld.idx.msk [tilespmem:v58+s13+$0x0], $0xffff;
	v54 =	vor.u32 v16, v33;
	[tilespmem:s0+$0xCA00] =	vst v41  }
0xd4: {  	v55 =	vor.u32 v3, v38;
	v44 =	vld.idx.msk [tilespmem:v59+s13+$0x0], $0xffff;
	[tilespmem:s19+$0x20] =	vst v60  }
0xd5: {  	v56 =	vor.u32 v21, v32;
	[tilespmem:s28+$0x470] =	vst v46;
	v42 =	vld.idx.msk [tilespmem:v61+s13+$0x0], $0xffff  }
0xd6: {  	v57 =	vor.u32 v12, v37;
	[tilespmem:s29+$0x430] =	vst v43;
	v58 =	vld.idx.msk [tilespmem:v63+s13+$0x0], $0xffff  }
0xd7: {  	v59 =	vor.u32 v26, v34;
	[tilespmem:s2+$0x20] =	vst v50;
	v43 =	vld.idx.msk [tilespmem:v62+s13+$0x0], $0xffff  }
0xd8: {  	v45 =	vld.idx.msk [tilespmem:v54+s13+$0x0], $0xffff;
	v61 =	vor.u32 v4, v39;
	[tilespmem:s31+$0x840] =	vst v40  }
0xd9: {  	s3 =	sor.u32 $0xC10, s10;
	v60 =	vor.u32 v13, v36;
	v48 =	vld.idx.msk [tilespmem:v55+s13+$0x0], $0xffff;
	[tilespmem:s30+$0x430] =	vst v44  }
0xda: {  	v55 =	vor.u32 v4, v38;
	v40 =	vld.idx.msk [tilespmem:v56+s13+$0x0], $0xffff;
	[tilespmem:s3+$0xCA00] =	vst v42  }
0xdb: {  	v54 =	vor.u32 v17, v33;
	v47 =	vld.idx.msk [tilespmem:v57+s13+$0x0], $0xffff;
	[tilespmem:s19+$0x30] =	vst v58  }
0xdc: {  	v62 =	vor.u32 v22, v32;
	[tilespmem:s29+$0x440] =	vst v43;
	v43 =	vld.idx.msk [tilespmem:v59+s13+$0x0], $0xffff  }
0xdd: {  	v56 =	vor.u32 v13, v37;
	[tilespmem:s28+$0x800] =	vst v45;
	v57 =	vld.idx.msk [tilespmem:v61+s13+$0x0], $0xffff  }
0xde: {  	v58 =	vor.u32 v27, v34;
	[tilespmem:s2+$0x30] =	vst v48;
	v63 =	vld.idx.msk [tilespmem:v60+s13+$0x0], $0xffff  }
0xdf: {  	v61 =	vor.u32 v5, v39;
	v44 =	vld.idx.msk [tilespmem:v55+s13+$0x0], $0xffff;
	[tilespmem:s31+$0x850] =	vst v40  }
0xe0: {  	s4 =	sor.u32 $0xC20, s10;
	v59 =	vor.u32 v14, v36;
	[tilespmem:s30+$0x440] =	vst v47;
	v60 =	vld.idx.msk [tilespmem:v54+s13+$0x0], $0xffff  }
0xe1: {  	v53 =	vor.u32 v5, v38;
	v52 =	vld.idx.msk [tilespmem:v62+s13+$0x0], $0xffff;
	[tilespmem:s4+$0xCA00] =	vst v43  }
0xe2: {  	v62 =	vor.u32 v18, v33;
	v49 =	vld.idx.msk [tilespmem:v56+s13+$0x0], $0xffff;
	[tilespmem:s19+$0x40] =	vst v57  }
0xe3: {  	s7 =	simm.s32 $0x2;
	[tilespmem:s29+$0x450] =	vst v63;
	v63 =	vor.u32 v23, v32;
	v42 =	vld.idx.msk [tilespmem:v58+s13+$0x0], $0xffff  }
0xe4: {  	s6 =	simm.s32 $0x1;
	s1 =	sand.u32 $0x3, s7;
	v51 =	vor.u32 v28, v35;
	v41 =	vld.idx.msk [tilespmem:v61+s13+$0x0], $0xffff  }
0xe5: {  	s11 =	sshll.u32 s1, $0x8;
	s0 =	sand.u32 $0x3, s6;
	v50 =	vor.u32 v28, v34;
	s3 =	simm.s32 $0x3;
	[tilespmem:s2+$0x40] =	vst v44;
	v43 =	vld.idx.msk [tilespmem:v59+s13+$0x0], $0xffff  }
0xe6: {  	s1 =	sadd.s32 $0x800, s11;
	s0 =	sshll.u32 s0, $0x8;
	s6 =	sand.u32 $0x3, s3;
	v47 =	vor.u32 v15, v36;
	[tilespmem:s28+$0x810] =	vst v60;
	v45 =	vld.idx.msk [tilespmem:v53+s13+$0x0], $0xffff  }
0xe7: {  	s11 =	simm.s32 $0x2;
	s7 =	sadd.s32 $0x400, s0;
	v48 =	vor.u32 v6, v39;
	s16 =	sshll.u32 s6, $0x8;
	[tilespmem:s31+$0x860] =	vst v52;
	v44 =	vld.idx.msk [tilespmem:v62+s13+$0x0], $0xffff  }
0xe8: {  	v40 =	vor.u32 v6, v38;
	s6 =	sor.u32 $0xC30, s10;
	s0 =	sadd.s32 $0xC00, s16;
	s4 =	simm.s32 $0x6;
	[tilespmem:s30+$0x450] =	vst v49;
	v49 =	vor.u32 v19, v33;
	v46 =	vld.idx.msk [tilespmem:v63+s13+$0x0], $0xffff  }
.LBB2_3:
0xe9: {  	s16 =	sadd.s32 s4, s23;
	s4 =	sadd.s32 $0x2, s4;
	v51 =	vld.idx.msk [tilespmem:v51+s13+$0x0], $0xffff;
	[tilespmem:s6+$0xCA00] =	vst v42;
	s26 =	sadd.s32 $0x400, s26  }
0xea: {  	v42 =	vor.u32 v24, v32;
	s6 =	sadd.s32 s24, s16;
	p1 =	slt.u32 s4, $0x1E;
	[tilespmem:s29+$0x460] =	vst v43;
	v43 =	vld.idx.msk [tilespmem:v50+s13+$0x0], $0xffff  }
0xeb: {  	s16 =	sadd.s32 $0x2, s6;
	s6 =	sadd.s32 $0x3, s6;
	[tilespmem:s19+$0x50] =	vst v41;
	v41 =	vld.idx.msk [tilespmem:v47+s13+$0x0], $0xffff;
	v47 =	vor.u32 v29, v35  }
0xec: {  	v50 =	vmov s16;
	v48 =	vld.idx.msk [tilespmem:v48+s13+$0x0], $0xffff;
	[tilespmem:s28+$0x820] =	vst v44;
	v44 =	vor.u32 v29, v34  }
0xed: {  	v52 =	vmov s6;
	[tilespmem:s2+$0x50] =	vst v45;
	v45 =	vor.u32 v16, v36;
	v49 =	vld.idx.msk [tilespmem:v49+s13+$0x0], $0xffff  }
0xee: {  	v53 =	vor.u32 v7, v39;
	s6 =	sor.u32 $0xC40, s5;
	v40 =	vld.idx.msk [tilespmem:v40+s13+$0x0], $0xffff;
	[tilespmem:s31+$0x870] =	vst v46;
	s31 =	smov.u32 s29;
	s29 =	smov.u32 s19  }
0xef: {  	v46 =	vor.u32 v20, v33;
	v42 =	vld.idx.msk [tilespmem:v42+s13+$0x0], $0xffff;
	[tilespmem:s6+$0xCA00] =	vst v51;
	s6 =	sor.u32 $0xC40, s10  }
0xf0: {  	v47 =	vld.idx.msk [tilespmem:v47+s13+$0x0], $0xffff;
	[tilespmem:s6+$0xCA00] =	vst v43  }
0xf1: {  	[tilespmem:s31+$0x470] =	vst v41;
	v41 =	vor.u32 v25, v32;
	v43 =	vld.idx.msk [tilespmem:v44+s13+$0x0], $0xffff  }
0xf2: {  	[tilespmem:s29+$0x60] =	vst v48;
	v44 =	vld.idx.msk [tilespmem:v45+s13+$0x0], $0xffff  }
0xf3: {  	v48 =	vor.u32 v30, v35;
	v45 =	vld.idx.msk [tilespmem:v53+s13+$0x0], $0xffff;
	[tilespmem:s28+$0x830] =	vst v49  }
0xf4: {  	s6 =	sor.u32 $0xC00, s7;
	[tilespmem:s2+$0x60] =	vst v40;
	v40 =	vor.u32 v7, v38;
	v46 =	vld.idx.msk [tilespmem:v46+s13+$0x0], $0xffff  }
0xf5: {  	v49 =	vld.idx.msk [tilespmem:v50+s8+$0x0], $0xffff;
	v50 =	vor.u32 v8, v39;
	[tilespmem:s6+$0xCA00] =	vst v42;
	s6 =	sor.u32 $0xC50, s5  }
0xf6: {  	v42 =	vor.u32 v21, v33;
	v41 =	vld.idx.msk [tilespmem:v41+s13+$0x0], $0xffff;
	[tilespmem:s6+$0xCA00] =	vst v47;
	s6 =	sor.u32 $0xC50, s10;
	v47 =	vor.u32 v30, v34  }
0xf7: {  	v51 =	vld.idx.msk [tilespmem:v52+s8+$0x0], $0xffff;
	[tilespmem:s6+$0xCA00] =	vst v43  }
0xf8: {  	v43 =	vor.u32 v17, v36;
	[tilespmem:s31+$0x800] =	vst v44;
	v44 =	vld.idx.msk [tilespmem:v48+s13+$0x0], $0xffff  }
0xf9: {  	[tilespmem:s29+$0x70] =	vst v45;
	v40 =	vld.idx.msk [tilespmem:v40+s13+$0x0], $0xffff;
	v45 =	vor.u32 v26, v32  }
0xfa: {  	v48 =	vld.idx.msk [tilespmem:v50+s13+$0x0], $0xffff;
	[tilespmem:s28+$0x840] =	vst v46;
	v46 =	vor.u32 v31, v35;
	v35 =	vmovc v32;
	v32 =	vmov v36;
	v36 =	vmov v39  }
0xfb: {  	s6 =	sor.u32 $0xC10, s7;
	v50 =	vor.u32 v8, v38;
	v42 =	vld.idx.msk [tilespmem:v42+s13+$0x0], $0xffff  }
0xfc: {  	v52 =	vor.u32 v9, v36;
	[tilespmem:s6+$0xCA00] =	vst v41;
	v41 =	vld.idx.msk [tilespmem:v47+s13+$0x0], $0xffff;
	v47 =	vor.u32 v31, v34;
	v34 =	vmov v33  }
0xfd: {  	s3 =	sadd.s32 $0x1, s3;
	v39 =	vshll.u32 v49, $0x9;
	s6 =	sor.u32 $0xC60, s5;
	v33 =	vmovc v37;
	v37 =	vmov v38;
	v43 =	vld.idx.msk [tilespmem:v43+s13+$0x0], $0xffff;
	v49 =	vor.u32 v22, v34  }
0xfe: {  	s16 =	sand.u32 $0x3, s3;
	v53 =	vor.u32 v0, v39;
	v45 =	vld.idx.msk [tilespmem:v45+s13+$0x0], $0xffff;
	[tilespmem:s6+$0xCA00] =	vst v44;
	s6 =	sor.u32 $0xC60, s10  }
0xff: {  	s20 =	sadd.s32 $0x100, s20;
	s12 =	sadd.s32 $0x400, s12;
	s16 =	sshll.u32 s16, $0x8;
	v38 =	vshll.u32 v51, $0x9;
	v44 =	vor.u32 v18, v32;
	[tilespmem:s2+$0x70] =	vst v40;
	v46 =	vld.idx.msk [tilespmem:v46+s13+$0x0], $0xffff  }
0x100: {  	s16 =	sadd.s32 s16, s12;
	v51 =	vor.u32 v0, v38;
	v40 =	vor.u32 v6, v38;
	[tilespmem:s29+$0x400] =	vst v48;
	v48 =	vld.idx.msk [tilespmem:v50+s13+$0x0], $0xffff  }
0x101: {  	v50 =	vld.idx.msk [tilespmem:v52+s13+$0x0], $0xffff;
	[tilespmem:s28+$0x850] =	vst v42  }
0x102: {  	v42 =	vor.u32 v27, v35;
	v49 =	vld.idx.msk [tilespmem:v49+s13+$0x0], $0xffff;
	[tilespmem:s6+$0xCA00] =	vst v41  }
0x103: {  	v41 =	vor.u32 v9, v37;
	s6 =	sor.u32 $0xC20, s7;
	[tilespmem:s31+$0x810] =	vst v43;
	v43 =	vld.idx.msk [tilespmem:v47+s13+$0x0], $0xffff  }
0x104: {  	v47 =	vld.idx.msk [tilespmem:v53+s13+$0x0], $0xffff;
	[tilespmem:s6+$0xCA00] =	vst v45;
	v45 =	vor.u32 v23, v34;
	s6 =	sor.u32 $0xC70, s5;
	s5 =	smov.u32 s7;
	s7 =	smov.u32 s1  }
0x105: {  	v52 =	vor.u32 v1, v39;
	v53 =	vor.u32 v10, v36;
	s1 =	smov.u32 s0;
	s0 =	smov.u32 s16;
	v44 =	vld.idx.msk [tilespmem:v44+s13+$0x0], $0xffff;
	[tilespmem:s6+$0xCA00] =	vst v46  }
0x106: {  	s6 =	sor.u32 $0xC70, s10;
	v46 =	vld.idx.msk [tilespmem:v51+s13+$0x0], $0xffff;
	[tilespmem:s2+$0x400] =	vst v48  }
0x107: {  	s16 =	sadd.s32 $0xFFFFFF80, s20;
	s10 =	sand.u32 $0x3000, s12;
	v48 =	vor.u32 v1, v38;
	[tilespmem:s29+$0x410] =	vst v50;
	v50 =	vor.u32 v14, v33;
	v42 =	vld.idx.msk [tilespmem:v42+s13+$0x0], $0xffff  }
0x108: {  	s16 =	sand.u32 $0x300, s16;
	s10 =	sor.u32 $0xCA00, s10;
	v41 =	vld.idx.msk [tilespmem:v41+s13+$0x0], $0xffff;
	[tilespmem:s28+$0x860] =	vst v49  }
0x109: {  	s19 =	sadd.s32 s16, s10;
	v49 =	vor.u32 v19, v32;
	v45 =	vld.idx.msk [tilespmem:v45+s13+$0x0], $0xffff;
	[tilespmem:s6+$0xCA00] =	vst v43  }
0x10a: {  	s6 =	sand.u32 $0x380, s20;
	[tilespmem:s19+$0x0] =	vst v47;
	v43 =	vld.idx.msk [tilespmem:v53+s13+$0x0], $0xffff;
	v47 =	vor.u32 v10, v37  }
0x10b: {  	s6 =	sadd.s32 s6, s10;
	v51 =	vld.idx.msk [tilespmem:v52+s13+$0x0], $0xffff;
	[tilespmem:s31+$0x820] =	vst v44;
	v44 =	vor.u32 v24, v34  }
0x10c: {  	s10 =	sor.u32 $0xC30, s5;
	v52 =	vor.u32 v2, v39;
	[tilespmem:s6+$0x0] =	vst v46;
	v46 =	vor.u32 v11, v36;
	v50 =	vld.idx.msk [tilespmem:v50+s13+$0x0], $0xffff  }
0x10d: {  	v48 =	vld.idx.msk [tilespmem:v48+s13+$0x0], $0xffff;
	[tilespmem:s10+$0xCA00] =	vst v42  }
0x10e: {  	v42 =	vor.u32 v2, v38;
	[tilespmem:s2+$0x410] =	vst v41;
	v41 =	vld.idx.msk [tilespmem:v49+s13+$0x0], $0xffff;
	v49 =	vor.u32 v15, v33  }
0x10f: {  	v47 =	vld.idx.msk [tilespmem:v47+s13+$0x0], $0xffff;
	[tilespmem:s28+$0x870] =	vst v45;
	s28 =	smov.u32 s30;
	s30 =	smov.u32 s2;
	s2 =	smov.u32 s6  }
0x110: {  	[tilespmem:s29+$0x420] =	vst v43;
	v43 =	vor.u32 v20, v32;
	v44 =	vld.idx.msk [tilespmem:v44+s13+$0x0], $0xffff  }
0x111: {  	[tilespmem:s19+$0x10] =	vst v51;
	v45 =	vld.idx.msk [tilespmem:v46+s13+$0x0], $0xffff;
	v46 =	vor.u32 v11, v37  }
0x112: {  	s6 =	sand.u32 $0x7, s11;
	v51 =	vld.idx.msk [tilespmem:v52+s13+$0x0], $0xffff;
	[tilespmem:s28+$0x460] =	vst v50;
	v50 =	vor.u32 v25, v34  }
0x113: {  	s6 =	sshll.u32 s6, $0x7;
	v52 =	vor.u32 v3, v39;
	[tilespmem:s2+$0x10] =	vst v48;
	v48 =	vor.u32 v12, v36;
	v49 =	vld.idx.msk [tilespmem:v49+s13+$0x0], $0xffff  }
0x114: {  	s10 =	sadd.s32 s6, s26;
	v42 =	vld.idx.msk [tilespmem:v42+s13+$0x0], $0xffff;
	[tilespmem:s31+$0x830] =	vst v41  }
0x115: {  	s6 =	sor.u32 $0xC00, s10;
	[tilespmem:s30+$0x420] =	vst v47;
	v41 =	vld.idx.msk [tilespmem:v43+s13+$0x0], $0xffff;
	v43 =	vor.u32 v16, v33  }
0x116: {  	v47 =	vor.u32 v3, v38;
	v46 =	vld.idx.msk [tilespmem:v46+s13+$0x0], $0xffff;
	[tilespmem:s6+$0xCA00] =	vst v44  }
0x117: {  	v44 =	vor.u32 v21, v32;
	[tilespmem:s29+$0x430] =	vst v45;
	v45 =	vld.idx.msk [tilespmem:v50+s13+$0x0], $0xffff  }
0x118: {  	v50 =	vor.u32 v12, v37;
	[tilespmem:s19+$0x20] =	vst v51;
	v48 =	vld.idx.msk [tilespmem:v48+s13+$0x0], $0xffff  }
0x119: {  	v51 =	vld.idx.msk [tilespmem:v52+s13+$0x0], $0xffff;
	[tilespmem:s28+$0x470] =	vst v49;
	v49 =	vor.u32 v26, v34  }
0x11a: {  	[tilespmem:s2+$0x20] =	vst v42;
	v42 =	vor.u32 v13, v36;
	v43 =	vld.idx.msk [tilespmem:v43+s13+$0x0], $0xffff  }
0x11b: {  	v52 =	vor.u32 v4, v39;
	v47 =	vld.idx.msk [tilespmem:v47+s13+$0x0], $0xffff;
	[tilespmem:s31+$0x840] =	vst v41  }
0x11c: {  	s6 =	sor.u32 $0xC10, s10;
	[tilespmem:s30+$0x430] =	vst v46;
	v41 =	vld.idx.msk [tilespmem:v44+s13+$0x0], $0xffff;
	v44 =	vor.u32 v17, v33  }
0x11d: {  	v46 =	vor.u32 v4, v38;
	v50 =	vld.idx.msk [tilespmem:v50+s13+$0x0], $0xffff;
	[tilespmem:s6+$0xCA00] =	vst v45  }
0x11e: {  	v45 =	vor.u32 v22, v32;
	[tilespmem:s29+$0x440] =	vst v48;
	v48 =	vld.idx.msk [tilespmem:v49+s13+$0x0], $0xffff  }
0x11f: {  	v49 =	vor.u32 v13, v37;
	[tilespmem:s19+$0x30] =	vst v51;
	v42 =	vld.idx.msk [tilespmem:v42+s13+$0x0], $0xffff  }
0x120: {  	v51 =	vld.idx.msk [tilespmem:v52+s13+$0x0], $0xffff;
	[tilespmem:s28+$0x800] =	vst v43;
	v43 =	vor.u32 v27, v34  }
0x121: {  	[tilespmem:s2+$0x30] =	vst v47;
	v47 =	vor.u32 v14, v36;
	v44 =	vld.idx.msk [tilespmem:v44+s13+$0x0], $0xffff  }
0x122: {  	v52 =	vor.u32 v5, v39;
	v46 =	vld.idx.msk [tilespmem:v46+s13+$0x0], $0xffff;
	[tilespmem:s31+$0x850] =	vst v41  }
0x123: {  	s6 =	sor.u32 $0xC20, s10;
	[tilespmem:s30+$0x440] =	vst v50;
	v53 =	vld.idx.msk [tilespmem:v45+s13+$0x0], $0xffff;
	v45 =	vor.u32 v18, v33  }
0x124: {  	v54 =	vor.u32 v5, v38;
	v49 =	vld.idx.msk [tilespmem:v49+s13+$0x0], $0xffff;
	[tilespmem:s6+$0xCA00] =	vst v48  }
0x125: {  	v55 =	vor.u32 v23, v32;
	[tilespmem:s29+$0x450] =	vst v42;
	v42 =	vld.idx.msk [tilespmem:v43+s13+$0x0], $0xffff  }
.Ltmp0:
0x126: {  	[tilespmem:s19+$0x40] =	vst v51;
	v43 =	vld.idx.msk [tilespmem:v47+s13+$0x0], $0xffff;
	v51 =	vor.u32 v28, v35;
	(pc) =	sbr.rel @p1 .LBB2_3-.Ltmp0, $4  }
0x127: {  	v50 =	vor.u32 v28, v34;
	v41 =	vld.idx.msk [tilespmem:v52+s13+$0x0], $0xffff;
	[tilespmem:s28+$0x810] =	vst v44  }
0x128: {  	v47 =	vor.u32 v15, v36;
	[tilespmem:s2+$0x40] =	vst v46;
	v44 =	vld.idx.msk [tilespmem:v45+s13+$0x0], $0xffff  }
0x129: {  	s11 =	sadd.s32 $0x2, s11;
	v48 =	vor.u32 v6, v39;
	v45 =	vld.idx.msk [tilespmem:v54+s13+$0x0], $0xffff;
	[tilespmem:s31+$0x860] =	vst v53  }
0x12a: {  	s6 =	sor.u32 $0xC30, s10;
	[tilespmem:s30+$0x450] =	vst v49;
	v46 =	vld.idx.msk [tilespmem:v55+s13+$0x0], $0xffff;
	v49 =	vor.u32 v19, v33  }
0x12b: {  	_ =	sdelay $0x3  }
0x12c: {  	[tilespmem:s6+$0xCA00] =	vst v42;
	v61 =	vld.idx.msk [tilespmem:v51+s13+$0x0], $0xffff  }
0x12d: {  	[tilespmem:s29+$0x460] =	vst v43;
	v62 =	vor.u32 v24, v32;
	v50 =	vld.idx.msk [tilespmem:v50+s13+$0x0], $0xffff  }
0x12e: {  	v52 =	vor.u32 v29, v35;
	[tilespmem:s19+$0x50] =	vst v41;
	v63 =	vld.idx.msk [tilespmem:v47+s13+$0x0], $0xffff  }
0x12f: {  	v54 =	vor.u32 v29, v34;
	[tilespmem:s28+$0x820] =	vst v44;
	v53 =	vld.idx.msk [tilespmem:v48+s13+$0x0], $0xffff  }
0x130: {  	v55 =	vor.u32 v16, v36;
	[tilespmem:s2+$0x50] =	vst v45;
	v49 =	vld.idx.msk [tilespmem:v49+s13+$0x0], $0xffff  }
0x131: {  	s3 =	sor.u32 $0xC40, s5;
	v56 =	vor.u32 v7, v39;
	[tilespmem:s31+$0x870] =	vst v46;
	v40 =	vld.idx.msk [tilespmem:v40+s13+$0x0], $0xffff  }
0x132: {  	s6 =	sor.u32 $0xC40, s10;
	v57 =	vor.u32 v20, v33;
	[tilespmem:s3+$0xCA00] =	vst v61;
	v42 =	vld.idx.msk [tilespmem:v62+s13+$0x0], $0xffff  }
0x133: {  	v58 =	vor.u32 v7, v38;
	[tilespmem:s6+$0xCA00] =	vst v50;
	v47 =	vld.idx.msk [tilespmem:v52+s13+$0x0], $0xffff  }
0x134: {  	[tilespmem:s29+$0x470] =	vst v63;
	v48 =	vld.idx.msk [tilespmem:v54+s13+$0x0], $0xffff  }
0x135: {  	[tilespmem:s19+$0x60] =	vst v53;
	v44 =	vld.idx.msk [tilespmem:v55+s13+$0x0], $0xffff  }
0x136: {  	[tilespmem:s28+$0x830] =	vst v49;
	v59 =	vld.idx.msk [tilespmem:v56+s13+$0x0], $0xffff  }
0x137: {  	[tilespmem:s2+$0x60] =	vst v40;
	v40 =	vld.idx.msk [tilespmem:v57+s13+$0x0], $0xffff  }
0x138: {  	v60 =	vor.u32 v8, v39;
	v41 =	vld.idx.msk [tilespmem:v58+s13+$0x0], $0xffff  }
0x139: {  	v61 =	vor.u32 v8, v38;
	_ =	sdelay $0x2  }
0x13a: {  	[tilespmem:s19+$0x70] =	vst v59  }
0x13b: {  	v43 =	vld.idx.msk [tilespmem:v60+s13+$0x0], $0xffff;
	[tilespmem:s2+$0x70] =	vst v41  }
0x13c: {  	v62 =	vor.u32 v9, v39;
	v63 =	vld.idx.msk [tilespmem:v61+s13+$0x0], $0xffff  }
0x13d: {  	v49 =	vor.u32 v9, v38;
	_ =	sdelay $0x2  }
0x13e: {  	[tilespmem:s19+$0x400] =	vst v43  }
0x13f: {  	v41 =	vld.idx.msk [tilespmem:v62+s13+$0x0], $0xffff;
	[tilespmem:s2+$0x400] =	vst v63  }
0x140: {  	v50 =	vor.u32 v10, v39;
	v45 =	vld.idx.msk [tilespmem:v49+s13+$0x0], $0xffff  }
0x141: {  	v51 =	vor.u32 v10, v38;
	_ =	sdelay $0x2  }
0x142: {  	[tilespmem:s19+$0x410] =	vst v41  }
0x143: {  	v41 =	vld.idx.msk [tilespmem:v50+s13+$0x0], $0xffff;
	[tilespmem:s2+$0x410] =	vst v45  }
0x144: {  	v52 =	vor.u32 v11, v39;
	v45 =	vld.idx.msk [tilespmem:v51+s13+$0x0], $0xffff  }
0x145: {  	v53 =	vor.u32 v11, v38;
	_ =	sdelay $0x2  }
0x146: {  	[tilespmem:s19+$0x420] =	vst v41  }
0x147: {  	v41 =	vld.idx.msk [tilespmem:v52+s13+$0x0], $0xffff;
	[tilespmem:s2+$0x420] =	vst v45  }
0x148: {  	v54 =	vor.u32 v12, v39;
	v45 =	vld.idx.msk [tilespmem:v53+s13+$0x0], $0xffff  }
0x149: {  	v55 =	vor.u32 v12, v38;
	_ =	sdelay $0x2  }
0x14a: {  	[tilespmem:s19+$0x430] =	vst v41  }
0x14b: {  	v41 =	vld.idx.msk [tilespmem:v54+s13+$0x0], $0xffff;
	[tilespmem:s2+$0x430] =	vst v45  }
0x14c: {  	v56 =	vor.u32 v13, v39;
	v45 =	vld.idx.msk [tilespmem:v55+s13+$0x0], $0xffff  }
0x14d: {  	v57 =	vor.u32 v13, v38;
	_ =	sdelay $0x2  }
0x14e: {  	[tilespmem:s19+$0x440] =	vst v41  }
0x14f: {  	v58 =	vor.u32 v14, v37;
	v43 =	vld.idx.msk [tilespmem:v56+s13+$0x0], $0xffff;
	[tilespmem:s2+$0x440] =	vst v45  }
0x150: {  	v59 =	vor.u32 v14, v39;
	v46 =	vld.idx.msk [tilespmem:v57+s13+$0x0], $0xffff  }
0x151: {  	v60 =	vor.u32 v14, v38;
	_ =	sdelay $0x2  }
0x152: {  	v41 =	vld.idx.msk [tilespmem:v58+s13+$0x0], $0xffff;
	[tilespmem:s19+$0x450] =	vst v43  }
0x153: {  	v61 =	vor.u32 v15, v37;
	v45 =	vld.idx.msk [tilespmem:v59+s13+$0x0], $0xffff;
	[tilespmem:s2+$0x450] =	vst v46  }
0x154: {  	v62 =	vor.u32 v15, v39;
	v49 =	vld.idx.msk [tilespmem:v60+s13+$0x0], $0xffff  }
0x155: {  	v63 =	vor.u32 v15, v38;
	_ =	sdelay $0x1  }
0x156: {  	[tilespmem:s30+$0x460] =	vst v41  }
0x157: {  	v41 =	vld.idx.msk [tilespmem:v61+s13+$0x0], $0xffff;
	[tilespmem:s19+$0x460] =	vst v45  }
0x158: {  	v52 =	vor.u32 v16, v37;
	v45 =	vld.idx.msk [tilespmem:v62+s13+$0x0], $0xffff;
	[tilespmem:s2+$0x460] =	vst v49  }
0x159: {  	v53 =	vor.u32 v16, v39;
	v49 =	vld.idx.msk [tilespmem:v63+s13+$0x0], $0xffff  }
0x15a: {  	v54 =	vor.u32 v16, v38;
	_ =	sdelay $0x1  }
0x15b: {  	[tilespmem:s30+$0x470] =	vst v41  }
0x15c: {  	v55 =	vor.u32 v17, v36;
	v43 =	vld.idx.msk [tilespmem:v52+s13+$0x0], $0xffff;
	[tilespmem:s19+$0x470] =	vst v45  }
0x15d: {  	v56 =	vor.u32 v17, v37;
	v46 =	vld.idx.msk [tilespmem:v53+s13+$0x0], $0xffff;
	[tilespmem:s2+$0x470] =	vst v49  }
0x15e: {  	v57 =	vor.u32 v17, v39;
	v50 =	vld.idx.msk [tilespmem:v54+s13+$0x0], $0xffff  }
0x15f: {  	v58 =	vor.u32 v17, v38  }
0x160: {  	[tilespmem:s29+$0x800] =	vst v44  }
0x161: {  	v41 =	vld.idx.msk [tilespmem:v55+s13+$0x0], $0xffff;
	[tilespmem:s30+$0x800] =	vst v43  }
0x162: {  	v59 =	vor.u32 v18, v36;
	v60 =	vld.idx.msk [tilespmem:v56+s13+$0x0], $0xffff;
	[tilespmem:s19+$0x800] =	vst v46  }
0x163: {  	v61 =	vor.u32 v18, v37;
	v46 =	vld.idx.msk [tilespmem:v57+s13+$0x0], $0xffff;
	[tilespmem:s2+$0x800] =	vst v50  }
0x164: {  	v62 =	vor.u32 v18, v39;
	v50 =	vld.idx.msk [tilespmem:v58+s13+$0x0], $0xffff  }
0x165: {  	v63 =	vor.u32 v18, v38  }
0x166: {  	[tilespmem:s29+$0x810] =	vst v41  }
0x167: {  	v41 =	vld.idx.msk [tilespmem:v59+s13+$0x0], $0xffff;
	[tilespmem:s30+$0x810] =	vst v60  }
0x168: {  	v54 =	vor.u32 v19, v36;
	v44 =	vld.idx.msk [tilespmem:v61+s13+$0x0], $0xffff;
	[tilespmem:s19+$0x810] =	vst v46  }
0x169: {  	v55 =	vor.u32 v19, v37;
	v46 =	vld.idx.msk [tilespmem:v62+s13+$0x0], $0xffff;
	[tilespmem:s2+$0x810] =	vst v50  }
0x16a: {  	v56 =	vor.u32 v19, v39;
	v50 =	vld.idx.msk [tilespmem:v63+s13+$0x0], $0xffff  }
0x16b: {  	v57 =	vor.u32 v19, v38  }
0x16c: {  	[tilespmem:s29+$0x820] =	vst v41  }
0x16d: {  	v41 =	vld.idx.msk [tilespmem:v54+s13+$0x0], $0xffff;
	[tilespmem:s30+$0x820] =	vst v44  }
0x16e: {  	v58 =	vor.u32 v20, v36;
	v44 =	vld.idx.msk [tilespmem:v55+s13+$0x0], $0xffff;
	[tilespmem:s19+$0x820] =	vst v46  }
0x16f: {  	s12 =	sor.u32 $0xC00, s7;
	v59 =	vor.u32 v20, v37;
	v46 =	vld.idx.msk [tilespmem:v56+s13+$0x0], $0xffff;
	[tilespmem:s2+$0x820] =	vst v50  }
0x170: {  	s16 =	sor.u32 $0xC50, s5;
	[tilespmem:s12+$0xCA00] =	vst v42;
	v60 =	vor.u32 v20, v39;
	v61 =	vld.idx.msk [tilespmem:v57+s13+$0x0], $0xffff  }
0x171: {  	[tilespmem:s16+$0xCA00] =	vst v47;
	v62 =	vor.u32 v20, v38  }
0x172: {  	v52 =	vor.u32 v21, v33;
	[tilespmem:s29+$0x830] =	vst v41  }
0x173: {  	v43 =	vld.idx.msk [tilespmem:v58+s13+$0x0], $0xffff;
	v63 =	vor.u32 v25, v32;
	[tilespmem:s30+$0x830] =	vst v44  }
0x174: {  	v53 =	vor.u32 v21, v36;
	v45 =	vld.idx.msk [tilespmem:v59+s13+$0x0], $0xffff;
	[tilespmem:s19+$0x830] =	vst v46  }
0x175: {  	v54 =	vor.u32 v21, v37;
	v42 =	vld.idx.msk [tilespmem:v60+s13+$0x0], $0xffff;
	[tilespmem:s2+$0x830] =	vst v61  }
0x176: {  	s20 =	sor.u32 $0xC50, s10;
	[tilespmem:s28+$0x840] =	vst v40;
	v55 =	vor.u32 v21, v39;
	v47 =	vld.idx.msk [tilespmem:v62+s13+$0x0], $0xffff  }
0x177: {  	[tilespmem:s20+$0xCA00] =	vst v48;
	v41 =	vld.idx.msk [tilespmem:v52+s13+$0x0], $0xffff;
	v57 =	vor.u32 v21, v38  }
0x178: {  	v58 =	vor.u32 v30, v35;
	[tilespmem:s29+$0x840] =	vst v43;
	v56 =	vld.idx.msk [tilespmem:v63+s13+$0x0], $0xffff  }
0x179: {  	v59 =	vor.u32 v22, v33;
	v44 =	vld.idx.msk [tilespmem:v53+s13+$0x0], $0xffff;
	[tilespmem:s30+$0x840] =	vst v45  }
0x17a: {  	v46 =	vld.idx.msk [tilespmem:v54+s13+$0x0], $0xffff;
	v60 =	vor.u32 v22, v36;
	[tilespmem:s19+$0x840] =	vst v42  }
0x17b: {  	v61 =	vor.u32 v22, v37;
	v48 =	vld.idx.msk [tilespmem:v55+s13+$0x0], $0xffff;
	[tilespmem:s2+$0x840] =	vst v47  }
0x17c: {  	s4 =	sor.u32 $0xC10, s7;
	[tilespmem:s28+$0x850] =	vst v41;
	v62 =	vor.u32 v22, v39;
	v40 =	vld.idx.msk [tilespmem:v57+s13+$0x0], $0xffff  }
0x17d: {  	v52 =	vor.u32 v22, v38;
	v63 =	vld.idx.msk [tilespmem:v58+s13+$0x0], $0xffff;
	[tilespmem:s4+$0xCA00] =	vst v56  }
0x17e: {  	v53 =	vor.u32 v30, v34;
	v43 =	vld.idx.msk [tilespmem:v59+s13+$0x0], $0xffff;
	[tilespmem:s29+$0x850] =	vst v44  }
0x17f: {  	v54 =	vor.u32 v23, v33;
	[tilespmem:s30+$0x850] =	vst v46;
	v45 =	vld.idx.msk [tilespmem:v60+s13+$0x0], $0xffff  }
0x180: {  	v55 =	vor.u32 v23, v36;
	v42 =	vld.idx.msk [tilespmem:v61+s13+$0x0], $0xffff;
	[tilespmem:s19+$0x850] =	vst v48  }
0x181: {  	s6 =	sor.u32 $0xC60, s5;
	v56 =	vor.u32 v23, v37;
	v47 =	vld.idx.msk [tilespmem:v62+s13+$0x0], $0xffff;
	[tilespmem:s2+$0x850] =	vst v40  }
0x182: {  	[tilespmem:s6+$0xCA00] =	vst v63;
	v57 =	vor.u32 v23, v39;
	v41 =	vld.idx.msk [tilespmem:v52+s13+$0x0], $0xffff  }
0x183: {  	v59 =	vor.u32 v23, v38;
	v58 =	vld.idx.msk [tilespmem:v53+s13+$0x0], $0xffff;
	[tilespmem:s28+$0x860] =	vst v43  }
0x184: {  	v44 =	vld.idx.msk [tilespmem:v54+s13+$0x0], $0xffff;
	v60 =	vor.u32 v26, v32;
	[tilespmem:s29+$0x860] =	vst v45  }
0x185: {  	v61 =	vor.u32 v24, v33;
	v46 =	vld.idx.msk [tilespmem:v55+s13+$0x0], $0xffff;
	[tilespmem:s30+$0x860] =	vst v42  }
0x186: {  	v62 =	vor.u32 v24, v36;
	v48 =	vld.idx.msk [tilespmem:v56+s13+$0x0], $0xffff;
	[tilespmem:s19+$0x860] =	vst v47  }
0x187: {  	s12 =	sor.u32 $0xC60, s10;
	v63 =	vor.u32 v24, v37;
	v40 =	vld.idx.msk [tilespmem:v57+s13+$0x0], $0xffff;
	[tilespmem:s2+$0x860] =	vst v41  }
0x188: {  	[tilespmem:s12+$0xCA00] =	vst v58;
	v52 =	vor.u32 v24, v39;
	v43 =	vld.idx.msk [tilespmem:v59+s13+$0x0], $0xffff  }
0x189: {  	v54 =	vor.u32 v24, v38;
	[tilespmem:s28+$0x870] =	vst v44;
	v53 =	vld.idx.msk [tilespmem:v60+s13+$0x0], $0xffff  }
0x18a: {  	v55 =	vor.u32 v31, v35;
	v45 =	vld.idx.msk [tilespmem:v61+s13+$0x0], $0xffff;
	[tilespmem:s29+$0x870] =	vst v46  }
0x18b: {  	s16 =	sand.u32 $0x7, s11;
	s20 =	sadd.s32 $0x2, s11;
	v56 =	vor.u32 v25, v33;
	v42 =	vld.idx.msk [tilespmem:v62+s13+$0x0], $0xffff;
	[tilespmem:s30+$0x870] =	vst v48  }
0x18c: {  	s3 =	sshll.u32 s16, $0x7;
	s16 =	sand.u32 $0x7, s20;
	s4 =	sadd.s32 $0x400, s26;
	v57 =	vor.u32 v25, v36;
	v47 =	vld.idx.msk [tilespmem:v63+s13+$0x0], $0xffff;
	[tilespmem:s19+$0x870] =	vst v40  }
0x18d: {  	s26 =	sor.u32 $0xC20, s7;
	s6 =	sadd.s32 $0x2, s20;
	s3 =	sadd.s32 s3, s4;
	v58 =	vor.u32 v25, v37;
	v41 =	vld.idx.msk [tilespmem:v52+s13+$0x0], $0xffff;
	[tilespmem:s2+$0x870] =	vst v43  }
0x18e: {  	s4 =	sadd.s32 $0x400, s4;
	s12 =	sor.u32 $0xC00, s3;
	[tilespmem:s26+$0xCA00] =	vst v53;
	v59 =	vor.u32 v25, v39;
	s19 =	sshll.u32 s16, $0x7;
	v44 =	vld.idx.msk [tilespmem:v54+s13+$0x0], $0xffff  }
0x18f: {  	s20 =	sor.u32 $0xC00, s1;
	s6 =	sand.u32 $0x7, s6;
	v60 =	vor.u32 v25, v38;
	v35 =	vld.idx.msk [tilespmem:v55+s13+$0x0], $0xffff;
	[tilespmem:s12+$0xCA00] =	vst v45;
	s2 =	sadd.s32 s19, s4  }
0x190: {  	s6 =	sshll.u32 s6, $0x7;
	v61 =	vor.u32 v31, v34;
	v46 =	vld.idx.msk [tilespmem:v56+s13+$0x0], $0xffff;
	[tilespmem:s20+$0xCA00] =	vst v42;
	s4 =	sadd.s32 $0x400, s4;
	s26 =	sor.u32 $0xC00, s2  }
0x191: {  	s12 =	sor.u32 $0xC00, s0;
	v62 =	vor.u32 v26, v33;
	v48 =	vld.idx.msk [tilespmem:v57+s13+$0x0], $0xffff;
	s4 =	sadd.s32 s6, s4;
	[tilespmem:s26+$0xCA00] =	vst v47  }
0x192: {  	v63 =	vor.u32 v26, v36;
	s6 =	sor.u32 $0xC00, s4;
	v40 =	vld.idx.msk [tilespmem:v58+s13+$0x0], $0xffff;
	[tilespmem:s12+$0xCA00] =	vst v41  }
0x193: {  	s16 =	sor.u32 $0xC70, s5;
	v52 =	vor.u32 v26, v37;
	v43 =	vld.idx.msk [tilespmem:v59+s13+$0x0], $0xffff;
	[tilespmem:s6+$0xCA00] =	vst v44  }
0x194: {  	v53 =	vor.u32 v26, v39;
	[tilespmem:s16+$0xCA00] =	vst v35;
	s19 =	sor.u32 $0xC10, s3;
	v44 =	vld.idx.msk [tilespmem:v60+s13+$0x0], $0xffff  }
0x195: {  	v34 =	vld.idx.msk [tilespmem:v61+s13+$0x0], $0xffff;
	s20 =	sor.u32 $0xC10, s1;
	[tilespmem:s19+$0xCA00] =	vst v46;
	v54 =	vor.u32 v26, v38  }
0x196: {  	v55 =	vor.u32 v27, v32;
	v42 =	vld.idx.msk [tilespmem:v62+s13+$0x0], $0xffff;
	s26 =	sor.u32 $0xC10, s2;
	[tilespmem:s20+$0xCA00] =	vst v48  }
0x197: {  	v56 =	vor.u32 v27, v33;
	v47 =	vld.idx.msk [tilespmem:v63+s13+$0x0], $0xffff;
	s6 =	sor.u32 $0xC10, s0;
	[tilespmem:s26+$0xCA00] =	vst v40  }
0x198: {  	v57 =	vor.u32 v27, v36;
	s11 =	sor.u32 $0xC10, s4;
	v41 =	vld.idx.msk [tilespmem:v52+s13+$0x0], $0xffff;
	[tilespmem:s6+$0xCA00] =	vst v43  }
0x199: {  	v58 =	vor.u32 v27, v37;
	s12 =	sor.u32 $0xC70, s10;
	v35 =	vld.idx.msk [tilespmem:v53+s13+$0x0], $0xffff;
	[tilespmem:s11+$0xCA00] =	vst v44  }
0x19a: {  	s16 =	sor.u32 $0xC20, s3;
	[tilespmem:s12+$0xCA00] =	vst v34;
	v59 =	vor.u32 v27, v39;
	v44 =	vld.idx.msk [tilespmem:v54+s13+$0x0], $0xffff  }
0x19b: {  	v61 =	vor.u32 v27, v38;
	s19 =	sor.u32 $0xC20, s1;
	v60 =	vld.idx.msk [tilespmem:v55+s13+$0x0], $0xffff;
	[tilespmem:s16+$0xCA00] =	vst v42  }
0x19c: {  	s20 =	sor.u32 $0xC20, s2;
	v63 =	vor.u32 v28, v32;
	v62 =	vld.idx.msk [tilespmem:v56+s13+$0x0], $0xffff;
	[tilespmem:s19+$0xCA00] =	vst v47  }
0x19d: {  	v51 =	vor.u32 v28, v33;
	s26 =	sor.u32 $0xC20, s0;
	v40 =	vld.idx.msk [tilespmem:v57+s13+$0x0], $0xffff;
	[tilespmem:s20+$0xCA00] =	vst v41  }
0x19e: {  	v52 =	vor.u32 v28, v36;
	s6 =	sor.u32 $0xC20, s4;
	v41 =	vld.idx.msk [tilespmem:v58+s13+$0x0], $0xffff;
	[tilespmem:s26+$0xCA00] =	vst v35  }
0x19f: {  	s10 =	sor.u32 $0xC30, s7;
	v53 =	vor.u32 v28, v37;
	v34 =	vld.idx.msk [tilespmem:v59+s13+$0x0], $0xffff;
	[tilespmem:s6+$0xCA00] =	vst v44  }
0x1a0: {  	[tilespmem:s10+$0xCA00] =	vst v60;
	s11 =	sor.u32 $0xC30, s3;
	v54 =	vor.u32 v28, v39;
	v42 =	vld.idx.msk [tilespmem:v61+s13+$0x0], $0xffff  }
0x1a1: {  	s12 =	sor.u32 $0xC30, s1;
	v55 =	vor.u32 v28, v38;
	v45 =	vld.idx.msk [tilespmem:v63+s13+$0x0], $0xffff;
	[tilespmem:s11+$0xCA00] =	vst v62  }
0x1a2: {  	s16 =	sor.u32 $0xC30, s2;
	v56 =	vor.u32 v29, v32;
	v47 =	vld.idx.msk [tilespmem:v51+s13+$0x0], $0xffff;
	[tilespmem:s12+$0xCA00] =	vst v40  }
0x1a3: {  	s19 =	sor.u32 $0xC30, s0;
	v57 =	vor.u32 v29, v33;
	v43 =	vld.idx.msk [tilespmem:v52+s13+$0x0], $0xffff;
	[tilespmem:s16+$0xCA00] =	vst v41  }
0x1a4: {  	s20 =	sor.u32 $0xC30, s4;
	v58 =	vor.u32 v29, v36;
	v35 =	vld.idx.msk [tilespmem:v53+s13+$0x0], $0xffff;
	[tilespmem:s19+$0xCA00] =	vst v34  }
0x1a5: {  	s26 =	sor.u32 $0xC40, s7;
	v59 =	vor.u32 v29, v37;
	v44 =	vld.idx.msk [tilespmem:v54+s13+$0x0], $0xffff;
	[tilespmem:s20+$0xCA00] =	vst v42  }
0x1a6: {  	v60 =	vor.u32 v29, v39;
	[tilespmem:s26+$0xCA00] =	vst v45;
	s6 =	sor.u32 $0xC40, s3;
	v42 =	vld.idx.msk [tilespmem:v55+s13+$0x0], $0xffff  }
0x1a7: {  	s10 =	sor.u32 $0xC40, s1;
	v62 =	vor.u32 v29, v38;
	v61 =	vld.idx.msk [tilespmem:v56+s13+$0x0], $0xffff;
	[tilespmem:s6+$0xCA00] =	vst v47  }
0x1a8: {  	v63 =	vor.u32 v30, v32;
	s11 =	sor.u32 $0xC40, s2;
	v40 =	vld.idx.msk [tilespmem:v57+s13+$0x0], $0xffff;
	[tilespmem:s10+$0xCA00] =	vst v43  }
0x1a9: {  	v51 =	vor.u32 v30, v33;
	s12 =	sor.u32 $0xC40, s0;
	v41 =	vld.idx.msk [tilespmem:v58+s13+$0x0], $0xffff;
	[tilespmem:s11+$0xCA00] =	vst v35  }
0x1aa: {  	v52 =	vor.u32 v30, v36;
	s16 =	sor.u32 $0xC40, s4;
	v34 =	vld.idx.msk [tilespmem:v59+s13+$0x0], $0xffff;
	[tilespmem:s12+$0xCA00] =	vst v44  }
0x1ab: {  	v53 =	vor.u32 v30, v37;
	s19 =	sor.u32 $0xC50, s7;
	v45 =	vld.idx.msk [tilespmem:v60+s13+$0x0], $0xffff;
	[tilespmem:s16+$0xCA00] =	vst v42  }
0x1ac: {  	v54 =	vor.u32 v30, v39;
	[tilespmem:s19+$0xCA00] =	vst v61;
	s20 =	sor.u32 $0xC50, s3;
	v42 =	vld.idx.msk [tilespmem:v62+s13+$0x0], $0xffff  }
0x1ad: {  	s26 =	sor.u32 $0xC50, s1;
	v56 =	vor.u32 v30, v38;
	[tilespmem:s20+$0xCA00] =	vst v40;
	v55 =	vld.idx.msk [tilespmem:v63+s13+$0x0], $0xffff  }
0x1ae: {  	s6 =	sor.u32 $0xC50, s2;
	v57 =	vor.u32 v31, v32;
	v43 =	vld.idx.msk [tilespmem:v51+s13+$0x0], $0xffff;
	[tilespmem:s26+$0xCA00] =	vst v41  }
0x1af: {  	s10 =	sor.u32 $0xC50, s0;
	v58 =	vor.u32 v31, v33;
	v59 =	vld.idx.msk [tilespmem:v52+s13+$0x0], $0xffff;
	[tilespmem:s6+$0xCA00] =	vst v34  }
0x1b0: {  	s11 =	sor.u32 $0xC50, s4;
	v60 =	vor.u32 v31, v36;
	v61 =	vld.idx.msk [tilespmem:v53+s13+$0x0], $0xffff;
	[tilespmem:s10+$0xCA00] =	vst v45  }
0x1b1: {  	s12 =	sor.u32 $0xC60, s7;
	v62 =	vor.u32 v31, v37;
	v63 =	vld.idx.msk [tilespmem:v54+s13+$0x0], $0xffff;
	[tilespmem:s11+$0xCA00] =	vst v42  }
0x1b2: {  	v44 =	vor.u32 v31, v39;
	[tilespmem:s12+$0xCA00] =	vst v55;
	s16 =	sor.u32 $0xC60, s3;
	v45 =	vld.idx.msk [tilespmem:v56+s13+$0x0], $0xffff  }
0x1b3: {  	v46 =	vor.u32 v31, v38;
	s19 =	sor.u32 $0xC60, s1;
	v32 =	vld.idx.msk [tilespmem:v57+s13+$0x0], $0xffff;
	[tilespmem:s16+$0xCA00] =	vst v43  }
0x1b4: {  	s20 =	sor.u32 $0xC60, s2;
	v33 =	vld.idx.msk [tilespmem:v58+s13+$0x0], $0xffff;
	[tilespmem:s19+$0xCA00] =	vst v59  }
0x1b5: {  	s26 =	sor.u32 $0xC60, s0;
	v34 =	vld.idx.msk [tilespmem:v60+s13+$0x0], $0xffff;
	[tilespmem:s20+$0xCA00] =	vst v61  }
0x1b6: {  	s6 =	sor.u32 $0xC60, s4;
	v47 =	vld.idx.msk [tilespmem:v62+s13+$0x0], $0xffff;
	[tilespmem:s26+$0xCA00] =	vst v63  }
0x1b7: {  	s7 =	sor.u32 $0xC70, s7;
	v48 =	vld.idx.msk [tilespmem:v44+s13+$0x0], $0xffff;
	[tilespmem:s6+$0xCA00] =	vst v45  }
0x1b8: {  	s3 =	sor.u32 $0xC70, s3;
	[tilespmem:s7+$0xCA00] =	vst v32;
	v49 =	vld.idx.msk [tilespmem:v46+s13+$0x0], $0xffff  }
0x1b9: {  	s10 =	sor.u32 $0xC70, s1;
	[tilespmem:s3+$0xCA00] =	vst v33  }
0x1ba: {  	s16 =	sor.u32 s9, s25;
	s11 =	sor.u32 $0xC70, s2;
	[tilespmem:s10+$0xCA00] =	vst v34  }
0x1bb: {  	s12 =	sor.u32 $0xC70, s0;
	s25 =	sshll.u32 s16, $0x6;
	s19 =	sadd.s32 $0xFFFFFFFE, s23;
	[tilespmem:s11+$0xCA00] =	vst v47  }
0x1bc: {  	s20 =	sor.u32 $0xC70, s4;
	s4 =	rddreg [dreg:$0x4];
	s26 =	sadd.s32 s24, s19;
	[tilespmem:s12+$0xCA00] =	vst v48  }
0x1bd: {  	s5 =	simm.s32 $0xCA00;
	s0 =	sadd.s32 s4, s25;
	s2 =	sadd.s32 $0x2, s26;
	[tilespmem:s20+$0xCA00] =	vst v49  }
0x1be: {  	v50 =	vmov s2;
	[hbm4b:s0+s8] =	stream.linear.scatter [tilespmem:s5], [sflag:$0x1], $0x4000, $0x38;
	[tilespmem:$0x18A00] =	vst v63  }
0x1bf: {  	s0 =	simm.s32 @!p0 $0x1  }
0x1c0: {  	_ =	swait.ge @!p0 [sflag:s0], $0x4000  }
0x1c1: {  	[sflag:s0] =	ssyncset.done @!p0 $0x0  }
0x1c2: {  	[sflag:s0] =	ssyncadd.s32 @!p0 $0xFFFFC000  }
0x1c3: {  	v32 =	vld.idx.msk [tilespmem:v50+s8+$0x0], $0xffff;
	_ =	sdelay $0x4  }
0x1c4: {  	v35 =	vshll.u32 v32, $0x9  }
0x1c5: {  	v32 =	vor.u32 v0, v35;
	_ =	sdelay $0x4  }
0x1c6: {  	v32 =	vld.idx.msk [tilespmem:v32+s14+$0x0], $0xffff  }
0x1c7: {  	s0 =	simm.s32 $0x0;
	v51 =	vor.u32 v1, v35  }
0x1c8: {  	s7 =	simm.s32 $0x0;
	s6 =	sand.u32 $0x3000, s0  }
0x1c9: {  	s3 =	sand.u32 $0x300, s7;
	s10 =	sor.u32 $0x10A00, s6  }
0x1ca: {  	s2 =	sadd.s32 s3, s10  }
0x1cb: {  	s1 =	sadd.s32 $0x3, s26;
	[tilespmem:s2+$0x0] =	vst v32  }
0x1cc: {  	v53 =	vmov s1;
	v32 =	vld.idx.msk [tilespmem:v51+s14+$0x0], $0xffff  }
0x1cd: {  	v52 =	vor.u32 v2, v35;
	_ =	sdelay $0x3  }
0x1ce: {  	v34 =	vld.idx.msk [tilespmem:v53+s8+$0x0], $0xffff;
	[tilespmem:s2+$0x10] =	vst v32  }
0x1cf: {  	v32 =	vld.idx.msk [tilespmem:v52+s14+$0x0], $0xffff  }
0x1d0: {  	v54 =	vor.u32 v3, v35;
	_ =	sdelay $0x2  }
0x1d1: {  	v34 =	vshll.u32 v34, $0x9  }
0x1d2: {  	v56 =	vor.u32 v0, v34;
	[tilespmem:s2+$0x20] =	vst v32  }
0x1d3: {  	v32 =	vld.idx.msk [tilespmem:v54+s14+$0x0], $0xffff  }
0x1d4: {  	v55 =	vor.u32 v4, v35;
	_ =	sdelay $0x2  }
0x1d5: {  	v36 =	vld.idx.msk [tilespmem:v56+s14+$0x0], $0xffff  }
0x1d6: {  	v58 =	vor.u32 v1, v34;
	[tilespmem:s2+$0x30] =	vst v32  }
0x1d7: {  	s26 =	simm.s32 $0x80;
	v32 =	vld.idx.msk [tilespmem:v55+s14+$0x0], $0xffff  }
0x1d8: {  	s11 =	sand.u32 $0x380, s26;
	v57 =	vor.u32 v5, v35  }
0x1d9: {  	s1 =	sadd.s32 s11, s10  }
0x1da: {  	[tilespmem:s1+$0x0] =	vst v36  }
0x1db: {  	v36 =	vld.idx.msk [tilespmem:v58+s14+$0x0], $0xffff  }
0x1dc: {  	v60 =	vor.u32 v2, v34;
	[tilespmem:s2+$0x40] =	vst v32  }
0x1dd: {  	s12 =	sadd.s32 $0x0, s23;
	v32 =	vld.idx.msk [tilespmem:v57+s14+$0x0], $0xffff  }
0x1de: {  	s3 =	sadd.s32 s24, s12;
	v59 =	vor.u32 v6, v35  }
0x1df: {  	s16 =	sadd.s32 $0x2, s3  }
0x1e0: {  	v61 =	vmov s16;
	[tilespmem:s1+$0x10] =	vst v36  }
0x1e1: {  	v36 =	vld.idx.msk [tilespmem:v60+s14+$0x0], $0xffff  }
0x1e2: {  	v42 =	vor.u32 v3, v34;
	[tilespmem:s2+$0x50] =	vst v32  }
0x1e3: {  	v32 =	vld.idx.msk [tilespmem:v59+s14+$0x0], $0xffff  }
0x1e4: {  	v62 =	vor.u32 v7, v35  }
0x1e5: {  	v63 =	vld.idx.msk [tilespmem:v61+s8+$0x0], $0xffff  }
0x1e6: {  	[tilespmem:s1+$0x20] =	vst v36  }
0x1e7: {  	v36 =	vld.idx.msk [tilespmem:v42+s14+$0x0], $0xffff  }
0x1e8: {  	v44 =	vor.u32 v4, v34;
	[tilespmem:s2+$0x60] =	vst v32  }
0x1e9: {  	v33 =	vld.idx.msk [tilespmem:v62+s14+$0x0], $0xffff  }
0x1ea: {  	v43 =	vor.u32 v8, v35;
	v32 =	vshll.u32 v63, $0x9  }
0x1eb: {  	v37 =	vor.u32 v0, v32  }
0x1ec: {  	[tilespmem:s1+$0x30] =	vst v36  }
0x1ed: {  	v47 =	vld.idx.msk [tilespmem:v44+s14+$0x0], $0xffff  }
0x1ee: {  	s3 =	sadd.s32 $0x3, s3;
	v49 =	vor.u32 v5, v34;
	[tilespmem:s2+$0x70] =	vst v33  }
0x1ef: {  	v50 =	vmov s3;
	v33 =	vld.idx.msk [tilespmem:v43+s14+$0x0], $0xffff  }
0x1f0: {  	v45 =	vor.u32 v9, v35;
	v46 =	vld.idx.msk [tilespmem:v37+s14+$0x0], $0xffff  }
0x1f1: {  	s19 =	simm.s32 $0x400;
	v48 =	vor.u32 v1, v32  }
0x1f2: {  	s4 =	sand.u32 $0x3000, s19;
	s20 =	simm.s32 $0x100;
	[tilespmem:s1+$0x40] =	vst v47  }
0x1f3: {  	s4 =	sor.u32 $0x10A00, s4;
	s5 =	sand.u32 $0x300, s20;
	v37 =	vld.idx.msk [tilespmem:v49+s14+$0x0], $0xffff  }
0x1f4: {  	s31 =	sadd.s32 s5, s4;
	v53 =	vor.u32 v6, v34;
	[tilespmem:s2+$0x400] =	vst v33;
	v33 =	vld.idx.msk [tilespmem:v50+s8+$0x0], $0xffff  }
0x1f5: {  	[tilespmem:s31+$0x0] =	vst v46;
	v39 =	vld.idx.msk [tilespmem:v45+s14+$0x0], $0xffff  }
0x1f6: {  	v51 =	vor.u32 v10, v35;
	v36 =	vld.idx.msk [tilespmem:v48+s14+$0x0], $0xffff  }
0x1f7: {  	v52 =	vor.u32 v2, v32  }
0x1f8: {  	[tilespmem:s1+$0x50] =	vst v37  }
0x1f9: {  	v37 =	vld.idx.msk [tilespmem:v53+s14+$0x0], $0xffff  }
0x1fa: {  	v56 =	vor.u32 v7, v34;
	v33 =	vshll.u32 v33, $0x9;
	[tilespmem:s2+$0x410] =	vst v39  }
0x1fb: {  	[tilespmem:s31+$0x10] =	vst v36;
	v57 =	vor.u32 v0, v33;
	v39 =	vld.idx.msk [tilespmem:v51+s14+$0x0], $0xffff  }
0x1fc: {  	v54 =	vor.u32 v11, v35;
	v36 =	vld.idx.msk [tilespmem:v52+s14+$0x0], $0xffff  }
0x1fd: {  	v55 =	vor.u32 v3, v32  }
0x1fe: {  	[tilespmem:s1+$0x60] =	vst v37  }
0x1ff: {  	v37 =	vld.idx.msk [tilespmem:v56+s14+$0x0], $0xffff  }
0x200: {  	v60 =	vor.u32 v8, v34;
	[tilespmem:s2+$0x420] =	vst v39;
	v39 =	vld.idx.msk [tilespmem:v57+s14+$0x0], $0xffff  }
0x201: {  	v61 =	vor.u32 v1, v33;
	[tilespmem:s31+$0x20] =	vst v36;
	v41 =	vld.idx.msk [tilespmem:v54+s14+$0x0], $0xffff  }
0x202: {  	s5 =	simm.s32 $0x180;
	v58 =	vor.u32 v12, v35;
	v36 =	vld.idx.msk [tilespmem:v55+s14+$0x0], $0xffff  }
0x203: {  	s3 =	sand.u32 $0x380, s5;
	v59 =	vor.u32 v4, v32  }
0x204: {  	s28 =	sadd.s32 s3, s4;
	[tilespmem:s1+$0x70] =	vst v37  }
0x205: {  	v37 =	vld.idx.msk [tilespmem:v60+s14+$0x0], $0xffff;
	[tilespmem:s28+$0x0] =	vst v39  }
0x206: {  	v45 =	vor.u32 v9, v34;
	[tilespmem:s2+$0x430] =	vst v41;
	v39 =	vld.idx.msk [tilespmem:v61+s14+$0x0], $0xffff  }
0x207: {  	v46 =	vor.u32 v2, v33;
	[tilespmem:s31+$0x30] =	vst v36;
	v42 =	vld.idx.msk [tilespmem:v58+s14+$0x0], $0xffff  }
0x208: {  	v62 =	vor.u32 v13, v35;
	v36 =	vld.idx.msk [tilespmem:v59+s14+$0x0], $0xffff  }
0x209: {  	v63 =	vor.u32 v5, v32  }
0x20a: {  	[tilespmem:s1+$0x400] =	vst v37  }
0x20b: {  	v37 =	vld.idx.msk [tilespmem:v45+s14+$0x0], $0xffff;
	[tilespmem:s28+$0x10] =	vst v39  }
0x20c: {  	v49 =	vor.u32 v10, v34;
	[tilespmem:s2+$0x440] =	vst v42;
	v39 =	vld.idx.msk [tilespmem:v46+s14+$0x0], $0xffff  }
0x20d: {  	v50 =	vor.u32 v3, v33;
	[tilespmem:s31+$0x40] =	vst v36;
	v42 =	vld.idx.msk [tilespmem:v62+s14+$0x0], $0xffff  }
0x20e: {  	s6 =	sadd.s32 $0x2, s23;
	v47 =	vor.u32 v14, v35;
	v36 =	vld.idx.msk [tilespmem:v63+s14+$0x0], $0xffff  }
0x20f: {  	s3 =	sadd.s32 s24, s6;
	v48 =	vor.u32 v6, v32  }
0x210: {  	s7 =	sadd.s32 $0x2, s3;
	[tilespmem:s1+$0x410] =	vst v37  }
0x211: {  	v54 =	vmov s7;
	v37 =	vld.idx.msk [tilespmem:v49+s14+$0x0], $0xffff;
	[tilespmem:s28+$0x20] =	vst v39  }
0x212: {  	v53 =	vor.u32 v11, v34;
	[tilespmem:s2+$0x450] =	vst v42;
	v39 =	vld.idx.msk [tilespmem:v50+s14+$0x0], $0xffff  }
0x213: {  	v55 =	vor.u32 v4, v33;
	[tilespmem:s31+$0x50] =	vst v36;
	v42 =	vld.idx.msk [tilespmem:v47+s14+$0x0], $0xffff  }
0x214: {  	v51 =	vor.u32 v15, v35;
	v36 =	vld.idx.msk [tilespmem:v48+s14+$0x0], $0xffff  }
0x215: {  	v52 =	vor.u32 v7, v32  }
0x216: {  	s3 =	sadd.s32 $0x3, s3;
	v61 =	vld.idx.msk [tilespmem:v54+s8+$0x0], $0xffff;
	[tilespmem:s1+$0x420] =	vst v37  }
0x217: {  	v57 =	vmov s3;
	v59 =	vld.idx.msk [tilespmem:v53+s14+$0x0], $0xffff;
	[tilespmem:s28+$0x30] =	vst v39  }
0x218: {  	v62 =	vor.u32 v12, v34;
	[tilespmem:s2+$0x460] =	vst v42;
	v42 =	vld.idx.msk [tilespmem:v55+s14+$0x0], $0xffff  }
0x219: {  	v63 =	vor.u32 v5, v33;
	[tilespmem:s31+$0x60] =	vst v36;
	v43 =	vld.idx.msk [tilespmem:v51+s14+$0x0], $0xffff  }
0x21a: {  	v56 =	vor.u32 v16, v35;
	v58 =	vld.idx.msk [tilespmem:v52+s14+$0x0], $0xffff  }
0x21b: {  	v60 =	vor.u32 v8, v32;
	v36 =	vshll.u32 v61, $0x9  }
0x21c: {  	v48 =	vld.idx.msk [tilespmem:v57+s8+$0x0], $0xffff;
	[tilespmem:s1+$0x430] =	vst v59;
	v52 =	vor.u32 v0, v36  }
0x21d: {  	v51 =	vld.idx.msk [tilespmem:v62+s14+$0x0], $0xffff;
	[tilespmem:s28+$0x40] =	vst v42  }
0x21e: {  	v53 =	vor.u32 v13, v34;
	[tilespmem:s2+$0x470] =	vst v43;
	v43 =	vld.idx.msk [tilespmem:v63+s14+$0x0], $0xffff  }
0x21f: {  	v54 =	vor.u32 v6, v33;
	[tilespmem:s31+$0x70] =	vst v58;
	v44 =	vld.idx.msk [tilespmem:v56+s14+$0x0], $0xffff  }
0x220: {  	v49 =	vor.u32 v17, v35;
	v40 =	vld.idx.msk [tilespmem:v60+s14+$0x0], $0xffff  }
0x221: {  	v50 =	vor.u32 v9, v32;
	v57 =	vld.idx.msk [tilespmem:v52+s14+$0x0], $0xffff  }
0x222: {  	s10 =	simm.s32 $0x800;
	v37 =	vshll.u32 v48, $0x9;
	v59 =	vor.u32 v1, v36;
	[tilespmem:s1+$0x440] =	vst v51  }
0x223: {  	s11 =	simm.s32 $0x200;
	s3 =	sand.u32 $0x3000, s10;
	v56 =	vor.u32 v0, v37;
	v42 =	vld.idx.msk [tilespmem:v53+s14+$0x0], $0xffff;
	[tilespmem:s28+$0x50] =	vst v43  }
0x224: {  	s4 =	sand.u32 $0x300, s11;
	s3 =	sor.u32 $0x10A00, s3;
	v60 =	vor.u32 v14, v34;
	[tilespmem:s2+$0x800] =	vst v44;
	v44 =	vld.idx.msk [tilespmem:v54+s14+$0x0], $0xffff  }
0x225: {  	s29 =	sadd.s32 s4, s3;
	v61 =	vor.u32 v7, v33;
	[tilespmem:s31+$0x400] =	vst v40;
	v46 =	vld.idx.msk [tilespmem:v49+s14+$0x0], $0xffff  }
0x226: {  	v55 =	vor.u32 v18, v35;
	[tilespmem:s29+$0x0] =	vst v57;
	v38 =	vld.idx.msk [tilespmem:v50+s14+$0x0], $0xffff  }
0x227: {  	v58 =	vor.u32 v10, v32;
	v53 =	vld.idx.msk [tilespmem:v59+s14+$0x0], $0xffff  }
0x228: {  	v40 =	vld.idx.msk [tilespmem:v56+s14+$0x0], $0xffff;
	[tilespmem:s1+$0x450] =	vst v42  }
0x229: {  	v56 =	vld.idx.msk [tilespmem:v60+s14+$0x0], $0xffff;
	[tilespmem:s28+$0x60] =	vst v44  }
0x22a: {  	v63 =	vor.u32 v1, v37;
	[tilespmem:s2+$0x810] =	vst v46;
	v57 =	vld.idx.msk [tilespmem:v61+s14+$0x0], $0xffff  }
0x22b: {  	s12 =	simm.s32 $0x280;
	[tilespmem:s31+$0x410] =	vst v38;
	v45 =	vld.idx.msk [tilespmem:v55+s14+$0x0], $0xffff;
	v55 =	vor.u32 v2, v36  }
0x22c: {  	s4 =	sand.u32 $0x380, s12;
	v52 =	vld.idx.msk [tilespmem:v58+s14+$0x0], $0xffff;
	v58 =	vor.u32 v15, v34  }
0x22d: {  	s30 =	sadd.s32 s4, s3;
	v59 =	vor.u32 v8, v33;
	[tilespmem:s29+$0x10] =	vst v53  }
0x22e: {  	v62 =	vor.u32 v19, v35;
	[tilespmem:s30+$0x0] =	vst v40  }
0x22f: {  	v54 =	vor.u32 v11, v32;
	v40 =	vld.idx.msk [tilespmem:v63+s14+$0x0], $0xffff;
	[tilespmem:s1+$0x460] =	vst v56  }
0x230: {  	v61 =	vor.u32 v2, v37;
	[tilespmem:s28+$0x70] =	vst v57;
	v63 =	vld.idx.msk [tilespmem:v55+s14+$0x0], $0xffff  }
0x231: {  	[tilespmem:s2+$0x820] =	vst v45;
	v45 =	vld.idx.msk [tilespmem:v58+s14+$0x0], $0xffff  }
0x232: {  	v46 =	vld.idx.msk [tilespmem:v59+s14+$0x0], $0xffff  }
0x233: {  	v53 =	vor.u32 v3, v36;
	[tilespmem:s31+$0x420] =	vst v52;
	v38 =	vld.idx.msk [tilespmem:v62+s14+$0x0], $0xffff  }
0x234: {  	[tilespmem:s30+$0x10] =	vst v40;
	v62 =	vld.idx.msk [tilespmem:v54+s14+$0x0], $0xffff;
	v54 =	vor.u32 v16, v34  }
0x235: {  	v55 =	vor.u32 v9, v33;
	v40 =	vld.idx.msk [tilespmem:v61+s14+$0x0], $0xffff  }
0x236: {  	v60 =	vor.u32 v20, v35;
	[tilespmem:s29+$0x20] =	vst v63  }
0x237: {  	v57 =	vor.u32 v3, v37;
	[tilespmem:s1+$0x470] =	vst v45  }
0x238: {  	[tilespmem:s28+$0x400] =	vst v46;
	v59 =	vld.idx.msk [tilespmem:v53+s14+$0x0], $0xffff  }
0x239: {  	v52 =	vor.u32 v12, v32;
	[tilespmem:s2+$0x830] =	vst v38;
	v38 =	vld.idx.msk [tilespmem:v54+s14+$0x0], $0xffff  }
0x23a: {  	v61 =	vor.u32 v4, v36;
	[tilespmem:s30+$0x20] =	vst v40;
	v46 =	vld.idx.msk [tilespmem:v55+s14+$0x0], $0xffff  }
0x23b: {  	[tilespmem:s31+$0x430] =	vst v62;
	v62 =	vor.u32 v17, v34;
	v39 =	vld.idx.msk [tilespmem:v60+s14+$0x0], $0xffff  }
0x23c: {  	v63 =	vor.u32 v10, v33;
	v53 =	vld.idx.msk [tilespmem:v57+s14+$0x0], $0xffff  }
0x23d: {  	v55 =	vor.u32 v4, v37;
	[tilespmem:s29+$0x30] =	vst v59  }
0x23e: {  	v56 =	vor.u32 v21, v35;
	v58 =	vld.idx.msk [tilespmem:v52+s14+$0x0], $0xffff;
	[tilespmem:s1+$0x800] =	vst v38  }
0x23f: {  	v60 =	vor.u32 v13, v32;
	[tilespmem:s28+$0x410] =	vst v46;
	v57 =	vld.idx.msk [tilespmem:v61+s14+$0x0], $0xffff  }
0x240: {  	[tilespmem:s2+$0x840] =	vst v39;
	v39 =	vld.idx.msk [tilespmem:v62+s14+$0x0], $0xffff  }
0x241: {  	[tilespmem:s30+$0x30] =	vst v53;
	v46 =	vld.idx.msk [tilespmem:v63+s14+$0x0], $0xffff  }
0x242: {  	v59 =	vor.u32 v5, v36;
	v63 =	vld.idx.msk [tilespmem:v55+s14+$0x0], $0xffff  }
0x243: {  	v53 =	vor.u32 v5, v37;
	[tilespmem:s31+$0x440] =	vst v58;
	v52 =	vld.idx.msk [tilespmem:v56+s14+$0x0], $0xffff  }
0x244: {  	v56 =	vld.idx.msk [tilespmem:v60+s14+$0x0], $0xffff;
	v60 =	vor.u32 v18, v34  }
0x245: {  	s16 =	sadd.s32 $0x4, s23;
	v54 =	vor.u32 v22, v35;
	[tilespmem:s29+$0x40] =	vst v57  }
0x246: {  	s3 =	sadd.s32 s24, s16;
	v61 =	vor.u32 v11, v33;
	[tilespmem:s1+$0x810] =	vst v39  }
0x247: {  	s19 =	sadd.s32 $0x2, s3;
	v58 =	vor.u32 v14, v32;
	[tilespmem:s30+$0x40] =	vst v63;
	v44 =	vld.idx.msk [tilespmem:v59+s14+$0x0], $0xffff  }
0x248: {  	[tilespmem:s28+$0x420] =	vst v46;
	v59 =	vld.idx.msk [tilespmem:v53+s14+$0x0], $0xffff;
	v53 =	vmov s19  }
0x249: {  	v55 =	vor.u32 v6, v36;
	[tilespmem:s2+$0x850] =	vst v52;
	v40 =	vld.idx.msk [tilespmem:v60+s14+$0x0], $0xffff  }
0x24a: {  	[tilespmem:s31+$0x450] =	vst v56;
	v56 =	vor.u32 v19, v34;
	v62 =	vld.idx.msk [tilespmem:v54+s14+$0x0], $0xffff  }
0x24b: {  	v52 =	vor.u32 v23, v35;
	v46 =	vld.idx.msk [tilespmem:v61+s14+$0x0], $0xffff  }
0x24c: {  	v57 =	vor.u32 v12, v33;
	v38 =	vld.idx.msk [tilespmem:v58+s14+$0x0], $0xffff  }
0x24d: {  	v61 =	vor.u32 v6, v37;
	[tilespmem:s29+$0x50] =	vst v44;
	v47 =	vld.idx.msk [tilespmem:v53+s8+$0x0], $0xffff  }
0x24e: {  	v54 =	vor.u32 v15, v32;
	[tilespmem:s1+$0x820] =	vst v40;
	v44 =	vld.idx.msk [tilespmem:v55+s14+$0x0], $0xffff  }
0x24f: {  	v63 =	vor.u32 v7, v36;
	[tilespmem:s2+$0x860] =	vst v62;
	v41 =	vld.idx.msk [tilespmem:v56+s14+$0x0], $0xffff  }
0x250: {  	[tilespmem:s28+$0x430] =	vst v46;
	v58 =	vld.idx.msk [tilespmem:v52+s14+$0x0], $0xffff;
	v52 =	vor.u32 v20, v34  }
0x251: {  	s3 =	sadd.s32 $0x3, s3;
	v60 =	vor.u32 v24, v35;
	[tilespmem:s30+$0x50] =	vst v59;
	v46 =	vld.idx.msk [tilespmem:v57+s14+$0x0], $0xffff  }
0x252: {  	[tilespmem:s31+$0x460] =	vst v38;
	v43 =	vld.idx.msk [tilespmem:v61+s14+$0x0], $0xffff;
	v55 =	vmov s3  }
0x253: {  	v56 =	vor.u32 v7, v37;
	v39 =	vld.idx.msk [tilespmem:v54+s14+$0x0], $0xffff;
	[tilespmem:s29+$0x60] =	vst v44  }
0x254: {  	v62 =	vor.u32 v16, v32;
	[tilespmem:s1+$0x830] =	vst v41;
	v44 =	vld.idx.msk [tilespmem:v63+s14+$0x0], $0xffff  }
0x255: {  	v57 =	vor.u32 v8, v36;
	[tilespmem:s2+$0x870] =	vst v58;
	v42 =	vld.idx.msk [tilespmem:v52+s14+$0x0], $0xffff  }
0x256: {  	v58 =	vor.u32 v21, v34;
	v38 =	vld.idx.msk [tilespmem:v60+s14+$0x0], $0xffff  }
0x257: {  	s20 =	sand.u32 $0x3, s0;
	v54 =	vor.u32 v25, v35;
	[tilespmem:s30+$0x60] =	vst v43;
	v61 =	vld.idx.msk [tilespmem:v55+s8+$0x0], $0xffff  }
0x258: {  	[tilespmem:s31+$0x470] =	vst v39;
	s2 =	sshll.u32 s20, $0x8;
	v41 =	vld.idx.msk [tilespmem:v56+s14+$0x0], $0xffff  }
0x259: {  	v40 =	vld.idx.msk [tilespmem:v62+s14+$0x0], $0xffff;
	s5 =	sadd.s32 $0x0, s2;
	[tilespmem:s29+$0x70] =	vst v44  }
0x25a: {  	v59 =	vor.u32 v13, v33;
	s2 =	sor.u32 $0xC00, s5;
	[tilespmem:s1+$0x840] =	vst v42;
	v45 =	vld.idx.msk [tilespmem:v57+s14+$0x0], $0xffff  }
0x25b: {  	v62 =	vor.u32 v17, v32;
	[tilespmem:s2+$0x10A00] =	vst v38;
	v55 =	vld.idx.msk [tilespmem:v58+s14+$0x0], $0xffff  }
0x25c: {  	v60 =	vld.idx.msk [tilespmem:v54+s14+$0x0], $0xffff;
	v54 =	vor.u32 v8, v37  }
0x25d: {  	[tilespmem:s28+$0x440] =	vst v46;
	v56 =	vor.u32 v9, v36  }
0x25e: {  	[tilespmem:s30+$0x70] =	vst v41;
	v57 =	vor.u32 v22, v34;
	v38 =	vshll.u32 v61, $0x9  }
0x25f: {  	v49 =	vld.idx.msk [tilespmem:v59+s14+$0x0], $0xffff;
	[tilespmem:s31+$0x800] =	vst v40;
	v43 =	vor.u32 v0, v38  }
0x260: {  	v63 =	vor.u32 v26, v35;
	v39 =	vshll.u32 v47, $0x9;
	v58 =	vld.idx.msk [tilespmem:v62+s14+$0x0], $0xffff;
	[tilespmem:s29+$0x400] =	vst v45  }
0x261: {  	v59 =	vor.u32 v0, v39;
	s3 =	sor.u32 $0xC10, s5;
	[tilespmem:s1+$0x850] =	vst v55;
	v42 =	vld.idx.msk [tilespmem:v54+s14+$0x0], $0xffff  }
0x262: {  	[tilespmem:s3+$0x10A00] =	vst v60;
	v60 =	vor.u32 v18, v32;
	v45 =	vld.idx.msk [tilespmem:v56+s14+$0x0], $0xffff  }
0x263: {  	v40 =	vld.idx.msk [tilespmem:v57+s14+$0x0], $0xffff;
	v57 =	vor.u32 v14, v33  }
0x264: {  	v62 =	vor.u32 v9, v37;
	v43 =	vld.idx.msk [tilespmem:v43+s14+$0x0], $0xffff  }
0x265: {  	[tilespmem:s28+$0x450] =	vst v49;
	v54 =	vor.u32 v23, v34;
	v44 =	vld.idx.msk [tilespmem:v63+s14+$0x0], $0xffff  }
0x266: {  	s12 =	simm.s32 $0xC00;
	[tilespmem:s31+$0x810] =	vst v58;
	v58 =	vor.u32 v1, v38;
	v63 =	vld.idx.msk [tilespmem:v59+s14+$0x0], $0xffff  }
0x267: {  	s7 =	simm.s32 $0x300;
	s6 =	sand.u32 $0x3000, s12;
	s20 =	simm.s32 $0x380;
	v61 =	vor.u32 v27, v35;
	v41 =	vld.idx.msk [tilespmem:v60+s14+$0x0], $0xffff;
	[tilespmem:s30+$0x400] =	vst v42  }
0x268: {  	s10 =	sand.u32 $0x380, s20;
	s2 =	sor.u32 $0x10A00, s6;
	v56 =	vor.u32 v1, v39;
	s3 =	sand.u32 $0x300, s7;
	[tilespmem:s1+$0x860] =	vst v40;
	v42 =	vld.idx.msk [tilespmem:v57+s14+$0x0], $0xffff  }
0x269: {  	v55 =	vor.u32 v10, v36;
	s19 =	sadd.s32 s3, s2;
	s2 =	sadd.s32 s10, s2;
	[tilespmem:s29+$0x410] =	vst v45;
	v50 =	vld.idx.msk [tilespmem:v62+s14+$0x0], $0xffff  }
0x26a: {  	s4 =	sor.u32 $0xC20, s5;
	v59 =	vor.u32 v19, v32;
	[tilespmem:s2+$0x0] =	vst v43;
	v60 =	vld.idx.msk [tilespmem:v54+s14+$0x0], $0xffff  }
0x26b: {  	[tilespmem:s4+$0x10A00] =	vst v44;
	v62 =	vor.u32 v10, v37;
	v51 =	vld.idx.msk [tilespmem:v58+s14+$0x0], $0xffff  }
0x26c: {  	[tilespmem:s19+$0x0] =	vst v63;
	v63 =	vor.u32 v24, v34;
	v46 =	vld.idx.msk [tilespmem:v61+s14+$0x0], $0xffff  }
0x26d: {  	v44 =	vld.idx.msk [tilespmem:v56+s14+$0x0], $0xffff;
	v56 =	vor.u32 v15, v33;
	[tilespmem:s31+$0x820] =	vst v41  }
0x26e: {  	v57 =	vor.u32 v2, v38;
	v61 =	vld.idx.msk [tilespmem:v55+s14+$0x0], $0xffff;
	[tilespmem:s28+$0x460] =	vst v42  }
0x26f: {  	v54 =	vor.u32 v11, v36;
	[tilespmem:s30+$0x410] =	vst v50;
	v40 =	vld.idx.msk [tilespmem:v59+s14+$0x0], $0xffff  }
0x270: {  	v55 =	vor.u32 v2, v39;
	[tilespmem:s1+$0x870] =	vst v60;
	v48 =	vld.idx.msk [tilespmem:v62+s14+$0x0], $0xffff  }
0x271: {  	s11 =	sor.u32 $0xC30, s5;
	[tilespmem:s2+$0x10] =	vst v51;
	v41 =	vld.idx.msk [tilespmem:v63+s14+$0x0], $0xffff  }
0x272: {  	v58 =	vor.u32 v20, v32;
	[tilespmem:s11+$0x10A00] =	vst v46;
	v46 =	vld.idx.msk [tilespmem:v56+s14+$0x0], $0xffff  }
0x273: {  	s0 =	sand.u32 $0x7, s0;
	v59 =	vor.u32 v11, v37;
	[tilespmem:s29+$0x420] =	vst v61;
	v50 =	vld.idx.msk [tilespmem:v57+s14+$0x0], $0xffff  }
0x274: {  	s0 =	sshll.u32 s0, $0x7;
	[tilespmem:s19+$0x10] =	vst v44;
	v61 =	vor.u32 v25, v34;
	v43 =	vld.idx.msk [tilespmem:v54+s14+$0x0], $0xffff  }
0x275: {  	s10 =	sadd.s32 $0x80, s0;
	v60 =	vld.idx.msk [tilespmem:v55+s14+$0x0], $0xffff;
	v55 =	vor.u32 v3, v38;
	[tilespmem:s31+$0x830] =	vst v40  }
0x276: {  	s0 =	sor.u32 $0xC00, s10;
	v62 =	vor.u32 v12, v36;
	[tilespmem:s30+$0x420] =	vst v48  }
0x277: {  	v54 =	vor.u32 v16, v33;
	v40 =	vld.idx.msk [tilespmem:v58+s14+$0x0], $0xffff;
	[tilespmem:s0+$0x10A00] =	vst v41  }
0x278: {  	v63 =	vor.u32 v3, v39;
	[tilespmem:s28+$0x470] =	vst v46;
	v44 =	vld.idx.msk [tilespmem:v59+s14+$0x0], $0xffff  }
0x279: {  	v56 =	vor.u32 v21, v32;
	[tilespmem:s2+$0x20] =	vst v50;
	v42 =	vld.idx.msk [tilespmem:v61+s14+$0x0], $0xffff  }
0x27a: {  	v57 =	vor.u32 v12, v37;
	[tilespmem:s29+$0x430] =	vst v43;
	v48 =	vld.idx.msk [tilespmem:v55+s14+$0x0], $0xffff  }
0x27b: {  	[tilespmem:s19+$0x20] =	vst v60;
	v59 =	vor.u32 v26, v34;
	v43 =	vld.idx.msk [tilespmem:v62+s14+$0x0], $0xffff  }
0x27c: {  	v45 =	vld.idx.msk [tilespmem:v54+s14+$0x0], $0xffff;
	v55 =	vor.u32 v4, v38;
	[tilespmem:s31+$0x840] =	vst v40  }
0x27d: {  	s16 =	sor.u32 $0xC10, s10;
	v60 =	vor.u32 v13, v36;
	v58 =	vld.idx.msk [tilespmem:v63+s14+$0x0], $0xffff;
	[tilespmem:s30+$0x430] =	vst v44  }
0x27e: {  	v61 =	vor.u32 v4, v39;
	v40 =	vld.idx.msk [tilespmem:v56+s14+$0x0], $0xffff;
	[tilespmem:s16+$0x10A00] =	vst v42  }
0x27f: {  	v54 =	vor.u32 v17, v33;
	[tilespmem:s2+$0x30] =	vst v48;
	v47 =	vld.idx.msk [tilespmem:v57+s14+$0x0], $0xffff  }
0x280: {  	v62 =	vor.u32 v22, v32;
	[tilespmem:s29+$0x440] =	vst v43;
	v43 =	vld.idx.msk [tilespmem:v59+s14+$0x0], $0xffff  }
0x281: {  	v56 =	vor.u32 v13, v37;
	[tilespmem:s28+$0x800] =	vst v45;
	v44 =	vld.idx.msk [tilespmem:v55+s14+$0x0], $0xffff  }
0x282: {  	[tilespmem:s19+$0x30] =	vst v58;
	v58 =	vor.u32 v27, v34;
	v63 =	vld.idx.msk [tilespmem:v60+s14+$0x0], $0xffff  }
0x283: {  	v53 =	vor.u32 v5, v38;
	v57 =	vld.idx.msk [tilespmem:v61+s14+$0x0], $0xffff;
	[tilespmem:s31+$0x850] =	vst v40  }
0x284: {  	s1 =	sor.u32 $0xC20, s10;
	v59 =	vor.u32 v14, v36;
	v60 =	vld.idx.msk [tilespmem:v54+s14+$0x0], $0xffff;
	[tilespmem:s30+$0x440] =	vst v47  }
0x285: {  	v61 =	vor.u32 v5, v39;
	v52 =	vld.idx.msk [tilespmem:v62+s14+$0x0], $0xffff;
	[tilespmem:s1+$0x10A00] =	vst v43  }
0x286: {  	v62 =	vor.u32 v18, v33;
	[tilespmem:s2+$0x40] =	vst v44;
	v49 =	vld.idx.msk [tilespmem:v56+s14+$0x0], $0xffff  }
0x287: {  	s3 =	simm.s32 $0x1;
	[tilespmem:s29+$0x450] =	vst v63;
	v63 =	vor.u32 v23, v32;
	v42 =	vld.idx.msk [tilespmem:v58+s14+$0x0], $0xffff  }
0x288: {  	v51 =	vor.u32 v28, v35;
	s0 =	sand.u32 $0x3, s3;
	s3 =	simm.s32 $0x3;
	v45 =	vld.idx.msk [tilespmem:v53+s14+$0x0], $0xffff  }
0x289: {  	s4 =	simm.s32 $0x2;
	v50 =	vor.u32 v28, v34;
	s0 =	sshll.u32 s0, $0x8;
	s11 =	sand.u32 $0x3, s3;
	[tilespmem:s19+$0x40] =	vst v57;
	v43 =	vld.idx.msk [tilespmem:v59+s14+$0x0], $0xffff  }
0x28a: {  	s7 =	sadd.s32 $0x400, s0;
	s16 =	sshll.u32 s11, $0x8;
	s1 =	sand.u32 $0x3, s4;
	v47 =	vor.u32 v15, v36;
	[tilespmem:s28+$0x810] =	vst v60;
	v41 =	vld.idx.msk [tilespmem:v61+s14+$0x0], $0xffff  }
0x28b: {  	v48 =	vor.u32 v6, v39;
	s11 =	simm.s32 $0x2;
	s0 =	sadd.s32 $0xC00, s16;
	s6 =	sshll.u32 s1, $0x8;
	v44 =	vld.idx.msk [tilespmem:v62+s14+$0x0], $0xffff;
	[tilespmem:s31+$0x860] =	vst v52  }
0x28c: {  	v40 =	vor.u32 v6, v38;
	s4 =	simm.s32 $0x6;
	s1 =	sadd.s32 $0x800, s6;
	s6 =	sor.u32 $0xC30, s10;
	[tilespmem:s30+$0x450] =	vst v49;
	v46 =	vld.idx.msk [tilespmem:v63+s14+$0x0], $0xffff;
	v49 =	vor.u32 v19, v33  }
.LBB2_5:
0x28d: {  	s16 =	sadd.s32 s4, s23;
	s4 =	sadd.s32 $0x2, s4;
	v51 =	vld.idx.msk [tilespmem:v51+s14+$0x0], $0xffff;
	[tilespmem:s6+$0x10A00] =	vst v42;
	s26 =	sadd.s32 $0x400, s26  }
0x28e: {  	v42 =	vor.u32 v24, v32;
	s6 =	sadd.s32 s24, s16;
	p1 =	slt.u32 s4, $0x1E;
	[tilespmem:s29+$0x460] =	vst v43;
	v43 =	vld.idx.msk [tilespmem:v50+s14+$0x0], $0xffff  }
0x28f: {  	s16 =	sadd.s32 $0x2, s6;
	s6 =	sadd.s32 $0x3, s6;
	[tilespmem:s19+$0x50] =	vst v41;
	v41 =	vld.idx.msk [tilespmem:v47+s14+$0x0], $0xffff;
	v47 =	vor.u32 v29, v35  }
0x290: {  	v50 =	vmov s16;
	v48 =	vld.idx.msk [tilespmem:v48+s14+$0x0], $0xffff;
	[tilespmem:s28+$0x820] =	vst v44;
	v44 =	vor.u32 v29, v34  }
0x291: {  	v52 =	vmov s6;
	[tilespmem:s2+$0x50] =	vst v45;
	v45 =	vor.u32 v16, v36;
	v49 =	vld.idx.msk [tilespmem:v49+s14+$0x0], $0xffff  }
0x292: {  	v53 =	vor.u32 v7, v39;
	s6 =	sor.u32 $0xC40, s5;
	v40 =	vld.idx.msk [tilespmem:v40+s14+$0x0], $0xffff;
	[tilespmem:s31+$0x870] =	vst v46;
	s31 =	smov.u32 s29;
	s29 =	smov.u32 s19  }
0x293: {  	v46 =	vor.u32 v20, v33;
	v42 =	vld.idx.msk [tilespmem:v42+s14+$0x0], $0xffff;
	[tilespmem:s6+$0x10A00] =	vst v51;
	s6 =	sor.u32 $0xC40, s10  }
0x294: {  	v47 =	vld.idx.msk [tilespmem:v47+s14+$0x0], $0xffff;
	[tilespmem:s6+$0x10A00] =	vst v43  }
0x295: {  	[tilespmem:s31+$0x470] =	vst v41;
	v41 =	vor.u32 v25, v32;
	v43 =	vld.idx.msk [tilespmem:v44+s14+$0x0], $0xffff  }
0x296: {  	[tilespmem:s29+$0x60] =	vst v48;
	v44 =	vld.idx.msk [tilespmem:v45+s14+$0x0], $0xffff  }
0x297: {  	v48 =	vor.u32 v30, v35;
	v45 =	vld.idx.msk [tilespmem:v53+s14+$0x0], $0xffff;
	[tilespmem:s28+$0x830] =	vst v49  }
0x298: {  	s6 =	sor.u32 $0xC00, s7;
	[tilespmem:s2+$0x60] =	vst v40;
	v40 =	vor.u32 v7, v38;
	v46 =	vld.idx.msk [tilespmem:v46+s14+$0x0], $0xffff  }
0x299: {  	v49 =	vld.idx.msk [tilespmem:v50+s8+$0x0], $0xffff;
	v50 =	vor.u32 v8, v39;
	[tilespmem:s6+$0x10A00] =	vst v42;
	s6 =	sor.u32 $0xC50, s5  }
0x29a: {  	v42 =	vor.u32 v21, v33;
	v41 =	vld.idx.msk [tilespmem:v41+s14+$0x0], $0xffff;
	[tilespmem:s6+$0x10A00] =	vst v47;
	s6 =	sor.u32 $0xC50, s10;
	v47 =	vor.u32 v30, v34  }
0x29b: {  	v51 =	vld.idx.msk [tilespmem:v52+s8+$0x0], $0xffff;
	[tilespmem:s6+$0x10A00] =	vst v43  }
0x29c: {  	v43 =	vor.u32 v17, v36;
	[tilespmem:s31+$0x800] =	vst v44;
	v44 =	vld.idx.msk [tilespmem:v48+s14+$0x0], $0xffff  }
0x29d: {  	[tilespmem:s29+$0x70] =	vst v45;
	v40 =	vld.idx.msk [tilespmem:v40+s14+$0x0], $0xffff;
	v45 =	vor.u32 v26, v32  }
0x29e: {  	v48 =	vld.idx.msk [tilespmem:v50+s14+$0x0], $0xffff;
	[tilespmem:s28+$0x840] =	vst v46;
	v46 =	vor.u32 v31, v35;
	v35 =	vmovc v32;
	v32 =	vmov v36;
	v36 =	vmov v39  }
0x29f: {  	s6 =	sor.u32 $0xC10, s7;
	v50 =	vor.u32 v8, v38;
	v42 =	vld.idx.msk [tilespmem:v42+s14+$0x0], $0xffff  }
0x2a0: {  	v52 =	vor.u32 v9, v36;
	[tilespmem:s6+$0x10A00] =	vst v41;
	v41 =	vld.idx.msk [tilespmem:v47+s14+$0x0], $0xffff;
	v47 =	vor.u32 v31, v34;
	v34 =	vmov v33  }
0x2a1: {  	s3 =	sadd.s32 $0x1, s3;
	v39 =	vshll.u32 v49, $0x9;
	s6 =	sor.u32 $0xC60, s5;
	v33 =	vmovc v37;
	v37 =	vmov v38;
	v43 =	vld.idx.msk [tilespmem:v43+s14+$0x0], $0xffff;
	v49 =	vor.u32 v22, v34  }
0x2a2: {  	s16 =	sand.u32 $0x3, s3;
	v53 =	vor.u32 v0, v39;
	v45 =	vld.idx.msk [tilespmem:v45+s14+$0x0], $0xffff;
	[tilespmem:s6+$0x10A00] =	vst v44;
	s6 =	sor.u32 $0xC60, s10  }
0x2a3: {  	s20 =	sadd.s32 $0x100, s20;
	s12 =	sadd.s32 $0x400, s12;
	s16 =	sshll.u32 s16, $0x8;
	v38 =	vshll.u32 v51, $0x9;
	v44 =	vor.u32 v18, v32;
	[tilespmem:s2+$0x70] =	vst v40;
	v46 =	vld.idx.msk [tilespmem:v46+s14+$0x0], $0xffff  }
0x2a4: {  	s16 =	sadd.s32 s16, s12;
	v51 =	vor.u32 v0, v38;
	v40 =	vor.u32 v6, v38;
	[tilespmem:s29+$0x400] =	vst v48;
	v48 =	vld.idx.msk [tilespmem:v50+s14+$0x0], $0xffff  }
0x2a5: {  	v50 =	vld.idx.msk [tilespmem:v52+s14+$0x0], $0xffff;
	[tilespmem:s28+$0x850] =	vst v42  }
0x2a6: {  	v42 =	vor.u32 v27, v35;
	v49 =	vld.idx.msk [tilespmem:v49+s14+$0x0], $0xffff;
	[tilespmem:s6+$0x10A00] =	vst v41  }
0x2a7: {  	v41 =	vor.u32 v9, v37;
	s6 =	sor.u32 $0xC20, s7;
	[tilespmem:s31+$0x810] =	vst v43;
	v43 =	vld.idx.msk [tilespmem:v47+s14+$0x0], $0xffff  }
0x2a8: {  	v47 =	vld.idx.msk [tilespmem:v53+s14+$0x0], $0xffff;
	[tilespmem:s6+$0x10A00] =	vst v45;
	v45 =	vor.u32 v23, v34;
	s6 =	sor.u32 $0xC70, s5;
	s5 =	smov.u32 s7;
	s7 =	smov.u32 s1  }
0x2a9: {  	v52 =	vor.u32 v1, v39;
	v53 =	vor.u32 v10, v36;
	s1 =	smov.u32 s0;
	s0 =	smov.u32 s16;
	v44 =	vld.idx.msk [tilespmem:v44+s14+$0x0], $0xffff;
	[tilespmem:s6+$0x10A00] =	vst v46  }
0x2aa: {  	s6 =	sor.u32 $0xC70, s10;
	v46 =	vld.idx.msk [tilespmem:v51+s14+$0x0], $0xffff;
	[tilespmem:s2+$0x400] =	vst v48  }
0x2ab: {  	s16 =	sadd.s32 $0xFFFFFF80, s20;
	s10 =	sand.u32 $0x3000, s12;
	v48 =	vor.u32 v1, v38;
	[tilespmem:s29+$0x410] =	vst v50;
	v50 =	vor.u32 v14, v33;
	v42 =	vld.idx.msk [tilespmem:v42+s14+$0x0], $0xffff  }
0x2ac: {  	s16 =	sand.u32 $0x300, s16;
	s10 =	sor.u32 $0x10A00, s10;
	v41 =	vld.idx.msk [tilespmem:v41+s14+$0x0], $0xffff;
	[tilespmem:s28+$0x860] =	vst v49  }
0x2ad: {  	s19 =	sadd.s32 s16, s10;
	v49 =	vor.u32 v19, v32;
	v45 =	vld.idx.msk [tilespmem:v45+s14+$0x0], $0xffff;
	[tilespmem:s6+$0x10A00] =	vst v43  }
0x2ae: {  	s6 =	sand.u32 $0x380, s20;
	[tilespmem:s19+$0x0] =	vst v47;
	v43 =	vld.idx.msk [tilespmem:v53+s14+$0x0], $0xffff;
	v47 =	vor.u32 v10, v37  }
0x2af: {  	s6 =	sadd.s32 s6, s10;
	v51 =	vld.idx.msk [tilespmem:v52+s14+$0x0], $0xffff;
	[tilespmem:s31+$0x820] =	vst v44;
	v44 =	vor.u32 v24, v34  }
0x2b0: {  	s10 =	sor.u32 $0xC30, s5;
	v52 =	vor.u32 v2, v39;
	[tilespmem:s6+$0x0] =	vst v46;
	v46 =	vor.u32 v11, v36;
	v50 =	vld.idx.msk [tilespmem:v50+s14+$0x0], $0xffff  }
0x2b1: {  	v48 =	vld.idx.msk [tilespmem:v48+s14+$0x0], $0xffff;
	[tilespmem:s10+$0x10A00] =	vst v42  }
0x2b2: {  	v42 =	vor.u32 v2, v38;
	[tilespmem:s2+$0x410] =	vst v41;
	v41 =	vld.idx.msk [tilespmem:v49+s14+$0x0], $0xffff;
	v49 =	vor.u32 v15, v33  }
0x2b3: {  	v47 =	vld.idx.msk [tilespmem:v47+s14+$0x0], $0xffff;
	[tilespmem:s28+$0x870] =	vst v45;
	s28 =	smov.u32 s30;
	s30 =	smov.u32 s2;
	s2 =	smov.u32 s6  }
0x2b4: {  	[tilespmem:s29+$0x420] =	vst v43;
	v43 =	vor.u32 v20, v32;
	v44 =	vld.idx.msk [tilespmem:v44+s14+$0x0], $0xffff  }
0x2b5: {  	[tilespmem:s19+$0x10] =	vst v51;
	v45 =	vld.idx.msk [tilespmem:v46+s14+$0x0], $0xffff;
	v46 =	vor.u32 v11, v37  }
0x2b6: {  	s6 =	sand.u32 $0x7, s11;
	v51 =	vld.idx.msk [tilespmem:v52+s14+$0x0], $0xffff;
	[tilespmem:s28+$0x460] =	vst v50;
	v50 =	vor.u32 v25, v34  }
0x2b7: {  	s6 =	sshll.u32 s6, $0x7;
	v52 =	vor.u32 v3, v39;
	[tilespmem:s2+$0x10] =	vst v48;
	v48 =	vor.u32 v12, v36;
	v49 =	vld.idx.msk [tilespmem:v49+s14+$0x0], $0xffff  }
0x2b8: {  	s10 =	sadd.s32 s6, s26;
	v42 =	vld.idx.msk [tilespmem:v42+s14+$0x0], $0xffff;
	[tilespmem:s31+$0x830] =	vst v41  }
0x2b9: {  	s6 =	sor.u32 $0xC00, s10;
	[tilespmem:s30+$0x420] =	vst v47;
	v41 =	vld.idx.msk [tilespmem:v43+s14+$0x0], $0xffff;
	v43 =	vor.u32 v16, v33  }
0x2ba: {  	v47 =	vor.u32 v3, v38;
	v46 =	vld.idx.msk [tilespmem:v46+s14+$0x0], $0xffff;
	[tilespmem:s6+$0x10A00] =	vst v44  }
0x2bb: {  	v44 =	vor.u32 v21, v32;
	[tilespmem:s29+$0x430] =	vst v45;
	v45 =	vld.idx.msk [tilespmem:v50+s14+$0x0], $0xffff  }
0x2bc: {  	v50 =	vor.u32 v12, v37;
	[tilespmem:s19+$0x20] =	vst v51;
	v48 =	vld.idx.msk [tilespmem:v48+s14+$0x0], $0xffff  }
0x2bd: {  	v51 =	vld.idx.msk [tilespmem:v52+s14+$0x0], $0xffff;
	[tilespmem:s28+$0x470] =	vst v49;
	v49 =	vor.u32 v26, v34  }
0x2be: {  	[tilespmem:s2+$0x20] =	vst v42;
	v42 =	vor.u32 v13, v36;
	v43 =	vld.idx.msk [tilespmem:v43+s14+$0x0], $0xffff  }
0x2bf: {  	v52 =	vor.u32 v4, v39;
	v47 =	vld.idx.msk [tilespmem:v47+s14+$0x0], $0xffff;
	[tilespmem:s31+$0x840] =	vst v41  }
0x2c0: {  	s6 =	sor.u32 $0xC10, s10;
	[tilespmem:s30+$0x430] =	vst v46;
	v41 =	vld.idx.msk [tilespmem:v44+s14+$0x0], $0xffff;
	v44 =	vor.u32 v17, v33  }
0x2c1: {  	v46 =	vor.u32 v4, v38;
	v50 =	vld.idx.msk [tilespmem:v50+s14+$0x0], $0xffff;
	[tilespmem:s6+$0x10A00] =	vst v45  }
0x2c2: {  	v45 =	vor.u32 v22, v32;
	[tilespmem:s29+$0x440] =	vst v48;
	v48 =	vld.idx.msk [tilespmem:v49+s14+$0x0], $0xffff  }
0x2c3: {  	v49 =	vor.u32 v13, v37;
	[tilespmem:s19+$0x30] =	vst v51;
	v42 =	vld.idx.msk [tilespmem:v42+s14+$0x0], $0xffff  }
0x2c4: {  	v51 =	vld.idx.msk [tilespmem:v52+s14+$0x0], $0xffff;
	[tilespmem:s28+$0x800] =	vst v43;
	v43 =	vor.u32 v27, v34  }
0x2c5: {  	[tilespmem:s2+$0x30] =	vst v47;
	v47 =	vor.u32 v14, v36;
	v44 =	vld.idx.msk [tilespmem:v44+s14+$0x0], $0xffff  }
0x2c6: {  	v52 =	vor.u32 v5, v39;
	v46 =	vld.idx.msk [tilespmem:v46+s14+$0x0], $0xffff;
	[tilespmem:s31+$0x850] =	vst v41  }
0x2c7: {  	s6 =	sor.u32 $0xC20, s10;
	[tilespmem:s30+$0x440] =	vst v50;
	v53 =	vld.idx.msk [tilespmem:v45+s14+$0x0], $0xffff;
	v45 =	vor.u32 v18, v33  }
0x2c8: {  	v54 =	vor.u32 v5, v38;
	v49 =	vld.idx.msk [tilespmem:v49+s14+$0x0], $0xffff;
	[tilespmem:s6+$0x10A00] =	vst v48  }
0x2c9: {  	v55 =	vor.u32 v23, v32;
	[tilespmem:s29+$0x450] =	vst v42;
	v42 =	vld.idx.msk [tilespmem:v43+s14+$0x0], $0xffff  }
.Ltmp1:
0x2ca: {  	[tilespmem:s19+$0x40] =	vst v51;
	v43 =	vld.idx.msk [tilespmem:v47+s14+$0x0], $0xffff;
	v51 =	vor.u32 v28, v35;
	(pc) =	sbr.rel @p1 .LBB2_5-.Ltmp1, $4  }
0x2cb: {  	v50 =	vor.u32 v28, v34;
	v41 =	vld.idx.msk [tilespmem:v52+s14+$0x0], $0xffff;
	[tilespmem:s28+$0x810] =	vst v44  }
0x2cc: {  	v47 =	vor.u32 v15, v36;
	[tilespmem:s2+$0x40] =	vst v46;
	v44 =	vld.idx.msk [tilespmem:v45+s14+$0x0], $0xffff  }
0x2cd: {  	s11 =	sadd.s32 $0x2, s11;
	v48 =	vor.u32 v6, v39;
	v45 =	vld.idx.msk [tilespmem:v54+s14+$0x0], $0xffff;
	[tilespmem:s31+$0x860] =	vst v53  }
0x2ce: {  	s6 =	sor.u32 $0xC30, s10;
	[tilespmem:s30+$0x450] =	vst v49;
	v46 =	vld.idx.msk [tilespmem:v55+s14+$0x0], $0xffff;
	v49 =	vor.u32 v19, v33  }
0x2cf: {  	_ =	sdelay $0x3  }
0x2d0: {  	[tilespmem:s6+$0x10A00] =	vst v42;
	v62 =	vld.idx.msk [tilespmem:v51+s14+$0x0], $0xffff  }
0x2d1: {  	[tilespmem:s29+$0x460] =	vst v43;
	v63 =	vor.u32 v24, v32;
	v50 =	vld.idx.msk [tilespmem:v50+s14+$0x0], $0xffff  }
0x2d2: {  	v53 =	vor.u32 v29, v35;
	[tilespmem:s19+$0x50] =	vst v41;
	v52 =	vld.idx.msk [tilespmem:v47+s14+$0x0], $0xffff  }
0x2d3: {  	v55 =	vor.u32 v29, v34;
	[tilespmem:s28+$0x820] =	vst v44;
	v54 =	vld.idx.msk [tilespmem:v48+s14+$0x0], $0xffff  }
0x2d4: {  	v56 =	vor.u32 v16, v36;
	[tilespmem:s2+$0x50] =	vst v45;
	v49 =	vld.idx.msk [tilespmem:v49+s14+$0x0], $0xffff  }
0x2d5: {  	s3 =	sor.u32 $0xC40, s5;
	v57 =	vor.u32 v7, v39;
	[tilespmem:s31+$0x870] =	vst v46;
	v40 =	vld.idx.msk [tilespmem:v40+s14+$0x0], $0xffff  }
0x2d6: {  	s6 =	sor.u32 $0xC40, s10;
	v58 =	vor.u32 v20, v33;
	[tilespmem:s3+$0x10A00] =	vst v62;
	v42 =	vld.idx.msk [tilespmem:v63+s14+$0x0], $0xffff  }
0x2d7: {  	v59 =	vor.u32 v7, v38;
	[tilespmem:s6+$0x10A00] =	vst v50;
	v47 =	vld.idx.msk [tilespmem:v53+s14+$0x0], $0xffff  }
0x2d8: {  	[tilespmem:s29+$0x470] =	vst v52;
	v48 =	vld.idx.msk [tilespmem:v55+s14+$0x0], $0xffff  }
0x2d9: {  	[tilespmem:s19+$0x60] =	vst v54;
	v44 =	vld.idx.msk [tilespmem:v56+s14+$0x0], $0xffff  }
0x2da: {  	[tilespmem:s28+$0x830] =	vst v49;
	v60 =	vld.idx.msk [tilespmem:v57+s14+$0x0], $0xffff  }
0x2db: {  	[tilespmem:s2+$0x60] =	vst v40;
	v40 =	vld.idx.msk [tilespmem:v58+s14+$0x0], $0xffff  }
0x2dc: {  	v61 =	vor.u32 v8, v39;
	v41 =	vld.idx.msk [tilespmem:v59+s14+$0x0], $0xffff  }
0x2dd: {  	v62 =	vor.u32 v8, v38;
	_ =	sdelay $0x2  }
0x2de: {  	[tilespmem:s19+$0x70] =	vst v60  }
0x2df: {  	v43 =	vld.idx.msk [tilespmem:v61+s14+$0x0], $0xffff;
	[tilespmem:s2+$0x70] =	vst v41  }
0x2e0: {  	v63 =	vor.u32 v9, v39;
	v49 =	vld.idx.msk [tilespmem:v62+s14+$0x0], $0xffff  }
0x2e1: {  	v50 =	vor.u32 v9, v38;
	_ =	sdelay $0x2  }
0x2e2: {  	[tilespmem:s19+$0x400] =	vst v43  }
0x2e3: {  	v41 =	vld.idx.msk [tilespmem:v63+s14+$0x0], $0xffff;
	[tilespmem:s2+$0x400] =	vst v49  }
0x2e4: {  	v51 =	vor.u32 v10, v39;
	v45 =	vld.idx.msk [tilespmem:v50+s14+$0x0], $0xffff  }
0x2e5: {  	v52 =	vor.u32 v10, v38;
	_ =	sdelay $0x2  }
0x2e6: {  	[tilespmem:s19+$0x410] =	vst v41  }
0x2e7: {  	v41 =	vld.idx.msk [tilespmem:v51+s14+$0x0], $0xffff;
	[tilespmem:s2+$0x410] =	vst v45  }
0x2e8: {  	v53 =	vor.u32 v11, v39;
	v45 =	vld.idx.msk [tilespmem:v52+s14+$0x0], $0xffff  }
0x2e9: {  	v54 =	vor.u32 v11, v38;
	_ =	sdelay $0x2  }
0x2ea: {  	[tilespmem:s19+$0x420] =	vst v41  }
0x2eb: {  	v41 =	vld.idx.msk [tilespmem:v53+s14+$0x0], $0xffff;
	[tilespmem:s2+$0x420] =	vst v45  }
0x2ec: {  	v55 =	vor.u32 v12, v39;
	v45 =	vld.idx.msk [tilespmem:v54+s14+$0x0], $0xffff  }
0x2ed: {  	v56 =	vor.u32 v12, v38;
	_ =	sdelay $0x2  }
0x2ee: {  	[tilespmem:s19+$0x430] =	vst v41  }
0x2ef: {  	v41 =	vld.idx.msk [tilespmem:v55+s14+$0x0], $0xffff;
	[tilespmem:s2+$0x430] =	vst v45  }
0x2f0: {  	v57 =	vor.u32 v13, v39;
	v45 =	vld.idx.msk [tilespmem:v56+s14+$0x0], $0xffff  }
0x2f1: {  	v58 =	vor.u32 v13, v38;
	_ =	sdelay $0x2  }
0x2f2: {  	[tilespmem:s19+$0x440] =	vst v41  }
0x2f3: {  	v59 =	vor.u32 v14, v37;
	v43 =	vld.idx.msk [tilespmem:v57+s14+$0x0], $0xffff;
	[tilespmem:s2+$0x440] =	vst v45  }
0x2f4: {  	v60 =	vor.u32 v14, v39;
	v46 =	vld.idx.msk [tilespmem:v58+s14+$0x0], $0xffff  }
0x2f5: {  	v61 =	vor.u32 v14, v38;
	_ =	sdelay $0x2  }
0x2f6: {  	v41 =	vld.idx.msk [tilespmem:v59+s14+$0x0], $0xffff;
	[tilespmem:s19+$0x450] =	vst v43  }
0x2f7: {  	v62 =	vor.u32 v15, v37;
	v45 =	vld.idx.msk [tilespmem:v60+s14+$0x0], $0xffff;
	[tilespmem:s2+$0x450] =	vst v46  }
0x2f8: {  	v63 =	vor.u32 v15, v39;
	v49 =	vld.idx.msk [tilespmem:v61+s14+$0x0], $0xffff  }
0x2f9: {  	v52 =	vor.u32 v15, v38;
	_ =	sdelay $0x1  }
0x2fa: {  	[tilespmem:s30+$0x460] =	vst v41  }
0x2fb: {  	v41 =	vld.idx.msk [tilespmem:v62+s14+$0x0], $0xffff;
	[tilespmem:s19+$0x460] =	vst v45  }
0x2fc: {  	v53 =	vor.u32 v16, v37;
	v45 =	vld.idx.msk [tilespmem:v63+s14+$0x0], $0xffff;
	[tilespmem:s2+$0x460] =	vst v49  }
0x2fd: {  	v54 =	vor.u32 v16, v39;
	v49 =	vld.idx.msk [tilespmem:v52+s14+$0x0], $0xffff  }
0x2fe: {  	v55 =	vor.u32 v16, v38;
	_ =	sdelay $0x1  }
0x2ff: {  	[tilespmem:s30+$0x470] =	vst v41  }
0x300: {  	v56 =	vor.u32 v17, v36;
	v43 =	vld.idx.msk [tilespmem:v53+s14+$0x0], $0xffff;
	[tilespmem:s19+$0x470] =	vst v45  }
0x301: {  	v57 =	vor.u32 v17, v37;
	v46 =	vld.idx.msk [tilespmem:v54+s14+$0x0], $0xffff;
	[tilespmem:s2+$0x470] =	vst v49  }
0x302: {  	v58 =	vor.u32 v17, v39;
	v50 =	vld.idx.msk [tilespmem:v55+s14+$0x0], $0xffff  }
0x303: {  	v59 =	vor.u32 v17, v38  }
0x304: {  	[tilespmem:s29+$0x800] =	vst v44  }
0x305: {  	v41 =	vld.idx.msk [tilespmem:v56+s14+$0x0], $0xffff;
	[tilespmem:s30+$0x800] =	vst v43  }
0x306: {  	v60 =	vor.u32 v18, v36;
	v61 =	vld.idx.msk [tilespmem:v57+s14+$0x0], $0xffff;
	[tilespmem:s19+$0x800] =	vst v46  }
0x307: {  	v62 =	vor.u32 v18, v37;
	v46 =	vld.idx.msk [tilespmem:v58+s14+$0x0], $0xffff;
	[tilespmem:s2+$0x800] =	vst v50  }
0x308: {  	v63 =	vor.u32 v18, v39;
	v50 =	vld.idx.msk [tilespmem:v59+s14+$0x0], $0xffff  }
0x309: {  	v54 =	vor.u32 v18, v38  }
0x30a: {  	[tilespmem:s29+$0x810] =	vst v41  }
0x30b: {  	v41 =	vld.idx.msk [tilespmem:v60+s14+$0x0], $0xffff;
	[tilespmem:s30+$0x810] =	vst v61  }
0x30c: {  	v55 =	vor.u32 v19, v36;
	v44 =	vld.idx.msk [tilespmem:v62+s14+$0x0], $0xffff;
	[tilespmem:s19+$0x810] =	vst v46  }
0x30d: {  	v56 =	vor.u32 v19, v37;
	v46 =	vld.idx.msk [tilespmem:v63+s14+$0x0], $0xffff;
	[tilespmem:s2+$0x810] =	vst v50  }
0x30e: {  	v57 =	vor.u32 v19, v39;
	v50 =	vld.idx.msk [tilespmem:v54+s14+$0x0], $0xffff  }
0x30f: {  	v58 =	vor.u32 v19, v38  }
0x310: {  	[tilespmem:s29+$0x820] =	vst v41  }
0x311: {  	v41 =	vld.idx.msk [tilespmem:v55+s14+$0x0], $0xffff;
	[tilespmem:s30+$0x820] =	vst v44  }
0x312: {  	v59 =	vor.u32 v20, v36;
	v44 =	vld.idx.msk [tilespmem:v56+s14+$0x0], $0xffff;
	[tilespmem:s19+$0x820] =	vst v46  }
0x313: {  	s12 =	sor.u32 $0xC00, s7;
	v60 =	vor.u32 v20, v37;
	v46 =	vld.idx.msk [tilespmem:v57+s14+$0x0], $0xffff;
	[tilespmem:s2+$0x820] =	vst v50  }
0x314: {  	s16 =	sor.u32 $0xC50, s5;
	[tilespmem:s12+$0x10A00] =	vst v42;
	v61 =	vor.u32 v20, v39;
	v62 =	vld.idx.msk [tilespmem:v58+s14+$0x0], $0xffff  }
0x315: {  	[tilespmem:s16+$0x10A00] =	vst v47;
	v63 =	vor.u32 v20, v38  }
0x316: {  	v53 =	vor.u32 v21, v33;
	[tilespmem:s29+$0x830] =	vst v41  }
0x317: {  	v52 =	vor.u32 v25, v32;
	v43 =	vld.idx.msk [tilespmem:v59+s14+$0x0], $0xffff;
	[tilespmem:s30+$0x830] =	vst v44  }
0x318: {  	v54 =	vor.u32 v21, v36;
	v45 =	vld.idx.msk [tilespmem:v60+s14+$0x0], $0xffff;
	[tilespmem:s19+$0x830] =	vst v46  }
0x319: {  	v55 =	vor.u32 v21, v37;
	v42 =	vld.idx.msk [tilespmem:v61+s14+$0x0], $0xffff;
	[tilespmem:s2+$0x830] =	vst v62  }
0x31a: {  	s20 =	sor.u32 $0xC50, s10;
	[tilespmem:s28+$0x840] =	vst v40;
	v56 =	vor.u32 v21, v39;
	v47 =	vld.idx.msk [tilespmem:v63+s14+$0x0], $0xffff  }
0x31b: {  	[tilespmem:s20+$0x10A00] =	vst v48;
	v41 =	vld.idx.msk [tilespmem:v53+s14+$0x0], $0xffff;
	v58 =	vor.u32 v21, v38  }
0x31c: {  	v59 =	vor.u32 v30, v35;
	v57 =	vld.idx.msk [tilespmem:v52+s14+$0x0], $0xffff;
	[tilespmem:s29+$0x840] =	vst v43  }
0x31d: {  	v60 =	vor.u32 v22, v33;
	v44 =	vld.idx.msk [tilespmem:v54+s14+$0x0], $0xffff;
	[tilespmem:s30+$0x840] =	vst v45  }
0x31e: {  	v46 =	vld.idx.msk [tilespmem:v55+s14+$0x0], $0xffff;
	v61 =	vor.u32 v22, v36;
	[tilespmem:s19+$0x840] =	vst v42  }
0x31f: {  	v62 =	vor.u32 v22, v37;
	v48 =	vld.idx.msk [tilespmem:v56+s14+$0x0], $0xffff;
	[tilespmem:s2+$0x840] =	vst v47  }
0x320: {  	s4 =	sor.u32 $0xC10, s7;
	[tilespmem:s28+$0x850] =	vst v41;
	v63 =	vor.u32 v22, v39;
	v40 =	vld.idx.msk [tilespmem:v58+s14+$0x0], $0xffff  }
0x321: {  	v53 =	vor.u32 v22, v38;
	v52 =	vld.idx.msk [tilespmem:v59+s14+$0x0], $0xffff;
	[tilespmem:s4+$0x10A00] =	vst v57  }
0x322: {  	v54 =	vor.u32 v30, v34;
	v43 =	vld.idx.msk [tilespmem:v60+s14+$0x0], $0xffff;
	[tilespmem:s29+$0x850] =	vst v44  }
0x323: {  	v55 =	vor.u32 v23, v33;
	[tilespmem:s30+$0x850] =	vst v46;
	v45 =	vld.idx.msk [tilespmem:v61+s14+$0x0], $0xffff  }
0x324: {  	v56 =	vor.u32 v23, v36;
	v42 =	vld.idx.msk [tilespmem:v62+s14+$0x0], $0xffff;
	[tilespmem:s19+$0x850] =	vst v48  }
0x325: {  	s6 =	sor.u32 $0xC60, s5;
	v57 =	vor.u32 v23, v37;
	v47 =	vld.idx.msk [tilespmem:v63+s14+$0x0], $0xffff;
	[tilespmem:s2+$0x850] =	vst v40  }
0x326: {  	[tilespmem:s6+$0x10A00] =	vst v52;
	v58 =	vor.u32 v23, v39;
	v41 =	vld.idx.msk [tilespmem:v53+s14+$0x0], $0xffff  }
0x327: {  	v60 =	vor.u32 v23, v38;
	v59 =	vld.idx.msk [tilespmem:v54+s14+$0x0], $0xffff;
	[tilespmem:s28+$0x860] =	vst v43  }
0x328: {  	v44 =	vld.idx.msk [tilespmem:v55+s14+$0x0], $0xffff;
	v61 =	vor.u32 v26, v32;
	[tilespmem:s29+$0x860] =	vst v45  }
0x329: {  	v62 =	vor.u32 v24, v33;
	v46 =	vld.idx.msk [tilespmem:v56+s14+$0x0], $0xffff;
	[tilespmem:s30+$0x860] =	vst v42  }
0x32a: {  	v63 =	vor.u32 v24, v36;
	v48 =	vld.idx.msk [tilespmem:v57+s14+$0x0], $0xffff;
	[tilespmem:s19+$0x860] =	vst v47  }
0x32b: {  	s12 =	sor.u32 $0xC60, s10;
	v52 =	vor.u32 v24, v37;
	v40 =	vld.idx.msk [tilespmem:v58+s14+$0x0], $0xffff;
	[tilespmem:s2+$0x860] =	vst v41  }
0x32c: {  	[tilespmem:s12+$0x10A00] =	vst v59;
	v53 =	vor.u32 v24, v39;
	v43 =	vld.idx.msk [tilespmem:v60+s14+$0x0], $0xffff  }
0x32d: {  	v55 =	vor.u32 v24, v38;
	[tilespmem:s28+$0x870] =	vst v44;
	v54 =	vld.idx.msk [tilespmem:v61+s14+$0x0], $0xffff  }
0x32e: {  	v56 =	vor.u32 v31, v35;
	v45 =	vld.idx.msk [tilespmem:v62+s14+$0x0], $0xffff;
	[tilespmem:s29+$0x870] =	vst v46  }
0x32f: {  	s16 =	sand.u32 $0x7, s11;
	s20 =	sadd.s32 $0x2, s11;
	v57 =	vor.u32 v25, v33;
	v42 =	vld.idx.msk [tilespmem:v63+s14+$0x0], $0xffff;
	[tilespmem:s30+$0x870] =	vst v48  }
0x330: {  	s3 =	sshll.u32 s16, $0x7;
	s16 =	sand.u32 $0x7, s20;
	s4 =	sadd.s32 $0x400, s26;
	v58 =	vor.u32 v25, v36;
	v47 =	vld.idx.msk [tilespmem:v52+s14+$0x0], $0xffff;
	[tilespmem:s19+$0x870] =	vst v40  }
0x331: {  	s11 =	sshll.u32 s16, $0x7;
	s26 =	sor.u32 $0xC20, s7;
	s3 =	sadd.s32 s3, s4;
	v59 =	vor.u32 v25, v37;
	v41 =	vld.idx.msk [tilespmem:v53+s14+$0x0], $0xffff;
	[tilespmem:s2+$0x870] =	vst v43  }
0x332: {  	s6 =	sadd.s32 $0x2, s20;
	s4 =	sadd.s32 $0x400, s4;
	s12 =	sor.u32 $0xC00, s3;
	[tilespmem:s26+$0x10A00] =	vst v54;
	v60 =	vor.u32 v25, v39;
	v44 =	vld.idx.msk [tilespmem:v55+s14+$0x0], $0xffff  }
0x333: {  	s16 =	sor.u32 $0xC00, s1;
	s6 =	sand.u32 $0x7, s6;
	v61 =	vor.u32 v25, v38;
	v35 =	vld.idx.msk [tilespmem:v56+s14+$0x0], $0xffff;
	[tilespmem:s12+$0x10A00] =	vst v45;
	s2 =	sadd.s32 s11, s4  }
0x334: {  	s6 =	sshll.u32 s6, $0x7;
	v62 =	vor.u32 v31, v34;
	v46 =	vld.idx.msk [tilespmem:v57+s14+$0x0], $0xffff;
	[tilespmem:s16+$0x10A00] =	vst v42;
	s4 =	sadd.s32 $0x400, s4;
	s19 =	sor.u32 $0xC00, s2  }
0x335: {  	s20 =	sor.u32 $0xC00, s0;
	v63 =	vor.u32 v26, v33;
	v48 =	vld.idx.msk [tilespmem:v58+s14+$0x0], $0xffff;
	s4 =	sadd.s32 s6, s4;
	[tilespmem:s19+$0x10A00] =	vst v47  }
0x336: {  	v52 =	vor.u32 v26, v36;
	s6 =	sor.u32 $0xC00, s4;
	v40 =	vld.idx.msk [tilespmem:v59+s14+$0x0], $0xffff;
	[tilespmem:s20+$0x10A00] =	vst v41  }
0x337: {  	s26 =	sor.u32 $0xC70, s5;
	v53 =	vor.u32 v26, v37;
	v43 =	vld.idx.msk [tilespmem:v60+s14+$0x0], $0xffff;
	[tilespmem:s6+$0x10A00] =	vst v44  }
0x338: {  	v54 =	vor.u32 v26, v39;
	[tilespmem:s26+$0x10A00] =	vst v35;
	s11 =	sor.u32 $0xC10, s3;
	v44 =	vld.idx.msk [tilespmem:v61+s14+$0x0], $0xffff  }
0x339: {  	v34 =	vld.idx.msk [tilespmem:v62+s14+$0x0], $0xffff;
	s12 =	sor.u32 $0xC10, s1;
	[tilespmem:s11+$0x10A00] =	vst v46;
	v55 =	vor.u32 v26, v38  }
0x33a: {  	v56 =	vor.u32 v27, v32;
	s16 =	sor.u32 $0xC10, s2;
	v42 =	vld.idx.msk [tilespmem:v63+s14+$0x0], $0xffff;
	[tilespmem:s12+$0x10A00] =	vst v48  }
0x33b: {  	v57 =	vor.u32 v27, v33;
	s19 =	sor.u32 $0xC10, s0;
	v47 =	vld.idx.msk [tilespmem:v52+s14+$0x0], $0xffff;
	[tilespmem:s16+$0x10A00] =	vst v40  }
0x33c: {  	v58 =	vor.u32 v27, v36;
	s20 =	sor.u32 $0xC10, s4;
	v41 =	vld.idx.msk [tilespmem:v53+s14+$0x0], $0xffff;
	[tilespmem:s19+$0x10A00] =	vst v43  }
0x33d: {  	s26 =	sor.u32 $0xC70, s10;
	v59 =	vor.u32 v27, v37;
	v35 =	vld.idx.msk [tilespmem:v54+s14+$0x0], $0xffff;
	[tilespmem:s20+$0x10A00] =	vst v44  }
0x33e: {  	[tilespmem:s26+$0x10A00] =	vst v34;
	v60 =	vor.u32 v27, v39;
	s6 =	sor.u32 $0xC20, s3;
	v44 =	vld.idx.msk [tilespmem:v55+s14+$0x0], $0xffff  }
0x33f: {  	v62 =	vor.u32 v27, v38;
	s10 =	sor.u32 $0xC20, s1;
	v61 =	vld.idx.msk [tilespmem:v56+s14+$0x0], $0xffff;
	[tilespmem:s6+$0x10A00] =	vst v42  }
0x340: {  	s11 =	sor.u32 $0xC20, s2;
	v52 =	vor.u32 v28, v32;
	v63 =	vld.idx.msk [tilespmem:v57+s14+$0x0], $0xffff;
	[tilespmem:s10+$0x10A00] =	vst v47  }
0x341: {  	s12 =	sor.u32 $0xC20, s0;
	v53 =	vor.u32 v28, v33;
	v40 =	vld.idx.msk [tilespmem:v58+s14+$0x0], $0xffff;
	[tilespmem:s11+$0x10A00] =	vst v41  }
0x342: {  	s16 =	sor.u32 $0xC20, s4;
	v54 =	vor.u32 v28, v36;
	v41 =	vld.idx.msk [tilespmem:v59+s14+$0x0], $0xffff;
	[tilespmem:s12+$0x10A00] =	vst v35  }
0x343: {  	s19 =	sor.u32 $0xC30, s7;
	v55 =	vor.u32 v28, v37;
	v34 =	vld.idx.msk [tilespmem:v60+s14+$0x0], $0xffff;
	[tilespmem:s16+$0x10A00] =	vst v44  }
0x344: {  	v56 =	vor.u32 v28, v39;
	[tilespmem:s19+$0x10A00] =	vst v61;
	s20 =	sor.u32 $0xC30, s3;
	v42 =	vld.idx.msk [tilespmem:v62+s14+$0x0], $0xffff  }
0x345: {  	s26 =	sor.u32 $0xC30, s1;
	v57 =	vor.u32 v28, v38;
	v45 =	vld.idx.msk [tilespmem:v52+s14+$0x0], $0xffff;
	[tilespmem:s20+$0x10A00] =	vst v63  }
0x346: {  	s6 =	sor.u32 $0xC30, s2;
	v58 =	vor.u32 v29, v32;
	v47 =	vld.idx.msk [tilespmem:v53+s14+$0x0], $0xffff;
	[tilespmem:s26+$0x10A00] =	vst v40  }
0x347: {  	s10 =	sor.u32 $0xC30, s0;
	v59 =	vor.u32 v29, v33;
	v43 =	vld.idx.msk [tilespmem:v54+s14+$0x0], $0xffff;
	[tilespmem:s6+$0x10A00] =	vst v41  }
0x348: {  	s11 =	sor.u32 $0xC30, s4;
	v60 =	vor.u32 v29, v36;
	v35 =	vld.idx.msk [tilespmem:v55+s14+$0x0], $0xffff;
	[tilespmem:s10+$0x10A00] =	vst v34  }
0x349: {  	v61 =	vor.u32 v29, v37;
	s12 =	sor.u32 $0xC40, s7;
	v44 =	vld.idx.msk [tilespmem:v56+s14+$0x0], $0xffff;
	[tilespmem:s11+$0x10A00] =	vst v42  }
0x34a: {  	[tilespmem:s12+$0x10A00] =	vst v45;
	s16 =	sor.u32 $0xC40, s3;
	v62 =	vor.u32 v29, v39;
	v42 =	vld.idx.msk [tilespmem:v57+s14+$0x0], $0xffff  }
0x34b: {  	s19 =	sor.u32 $0xC40, s1;
	v52 =	vor.u32 v29, v38;
	v63 =	vld.idx.msk [tilespmem:v58+s14+$0x0], $0xffff;
	[tilespmem:s16+$0x10A00] =	vst v47  }
0x34c: {  	s20 =	sor.u32 $0xC40, s2;
	v53 =	vor.u32 v30, v32;
	v40 =	vld.idx.msk [tilespmem:v59+s14+$0x0], $0xffff;
	[tilespmem:s19+$0x10A00] =	vst v43  }
0x34d: {  	s26 =	sor.u32 $0xC40, s0;
	v54 =	vor.u32 v30, v33;
	v41 =	vld.idx.msk [tilespmem:v60+s14+$0x0], $0xffff;
	[tilespmem:s20+$0x10A00] =	vst v35  }
0x34e: {  	s6 =	sor.u32 $0xC40, s4;
	v55 =	vor.u32 v30, v36;
	v34 =	vld.idx.msk [tilespmem:v61+s14+$0x0], $0xffff;
	[tilespmem:s26+$0x10A00] =	vst v44  }
0x34f: {  	s10 =	sor.u32 $0xC50, s7;
	v56 =	vor.u32 v30, v37;
	v45 =	vld.idx.msk [tilespmem:v62+s14+$0x0], $0xffff;
	[tilespmem:s6+$0x10A00] =	vst v42  }
0x350: {  	[tilespmem:s10+$0x10A00] =	vst v63;
	s11 =	sor.u32 $0xC50, s3;
	v57 =	vor.u32 v30, v39;
	v42 =	vld.idx.msk [tilespmem:v52+s14+$0x0], $0xffff  }
0x351: {  	s12 =	sor.u32 $0xC50, s1;
	v59 =	vor.u32 v30, v38;
	[tilespmem:s11+$0x10A00] =	vst v40;
	v58 =	vld.idx.msk [tilespmem:v53+s14+$0x0], $0xffff  }
0x352: {  	s16 =	sor.u32 $0xC50, s2;
	v60 =	vor.u32 v31, v32;
	v43 =	vld.idx.msk [tilespmem:v54+s14+$0x0], $0xffff;
	[tilespmem:s12+$0x10A00] =	vst v41  }
0x353: {  	s19 =	sor.u32 $0xC50, s0;
	v61 =	vor.u32 v31, v33;
	v62 =	vld.idx.msk [tilespmem:v55+s14+$0x0], $0xffff;
	[tilespmem:s16+$0x10A00] =	vst v34  }
0x354: {  	v63 =	vor.u32 v31, v36;
	s20 =	sor.u32 $0xC50, s4;
	v44 =	vld.idx.msk [tilespmem:v56+s14+$0x0], $0xffff;
	[tilespmem:s19+$0x10A00] =	vst v45  }
0x355: {  	v48 =	vor.u32 v31, v37;
	s26 =	sor.u32 $0xC60, s7;
	v49 =	vld.idx.msk [tilespmem:v57+s14+$0x0], $0xffff;
	[tilespmem:s20+$0x10A00] =	vst v42  }
0x356: {  	v50 =	vor.u32 v31, v39;
	[tilespmem:s26+$0x10A00] =	vst v58;
	s6 =	sor.u32 $0xC60, s3;
	v51 =	vld.idx.msk [tilespmem:v59+s14+$0x0], $0xffff  }
0x357: {  	s10 =	sor.u32 $0xC60, s1;
	v32 =	vld.idx.msk [tilespmem:v60+s14+$0x0], $0xffff;
	[tilespmem:s6+$0x10A00] =	vst v43;
	v52 =	vor.u32 v31, v38  }
0x358: {  	s11 =	sor.u32 $0xC60, s2;
	v33 =	vld.idx.msk [tilespmem:v61+s14+$0x0], $0xffff;
	[tilespmem:s10+$0x10A00] =	vst v62  }
0x359: {  	s12 =	sor.u32 $0xC60, s0;
	v34 =	vld.idx.msk [tilespmem:v63+s14+$0x0], $0xffff;
	[tilespmem:s11+$0x10A00] =	vst v44  }
0x35a: {  	s16 =	sor.u32 $0xC60, s4;
	v53 =	vld.idx.msk [tilespmem:v48+s14+$0x0], $0xffff;
	[tilespmem:s12+$0x10A00] =	vst v49  }
0x35b: {  	s19 =	sor.u32 $0xC70, s7;
	v54 =	vld.idx.msk [tilespmem:v50+s14+$0x0], $0xffff;
	[tilespmem:s16+$0x10A00] =	vst v51  }
0x35c: {  	s3 =	sor.u32 $0xC70, s3;
	[tilespmem:s19+$0x10A00] =	vst v32;
	v55 =	vld.idx.msk [tilespmem:v52+s14+$0x0], $0xffff  }
0x35d: {  	s20 =	sor.u32 $0xC70, s1;
	[tilespmem:s3+$0x10A00] =	vst v33  }
0x35e: {  	s26 =	sor.u32 $0xC70, s2;
	[tilespmem:s20+$0x10A00] =	vst v34  }
0x35f: {  	s2 =	sadd.s32 $0xFFFFFFFE, s23;
	s1 =	sor.u32 $0xC70, s0;
	[tilespmem:s26+$0x10A00] =	vst v53  }
0x360: {  	s3 =	sor.u32 $0xC70, s4;
	s4 =	rddreg [dreg:$0x5];
	[tilespmem:s1+$0x10A00] =	vst v54;
	s1 =	sadd.s32 s24, s2  }
0x361: {  	s0 =	sadd.s32 s4, s25;
	s5 =	sadd.s32 $0x2, s1;
	[tilespmem:s3+$0x10A00] =	vst v55  }
0x362: {  	v56 =	vmov s5;
	[hbm4b:s0+s8] =	stream.linear.scatter [tilespmem:s17], [sflag:$0x1], $0x4000, $0x38;
	[tilespmem:$0x18A00] =	vst v63  }
0x363: {  	s0 =	simm.s32 @!p0 $0x1  }
0x364: {  	_ =	swait.ge @!p0 [sflag:s0], $0x4000  }
0x365: {  	[sflag:s0] =	ssyncset.done @!p0 $0x0  }
0x366: {  	[sflag:s0] =	ssyncadd.s32 @!p0 $0xFFFFC000  }
0x367: {  	v32 =	vld.idx.msk [tilespmem:v56+s8+$0x0], $0xffff;
	_ =	sdelay $0x4  }
0x368: {  	v35 =	vshll.u32 v32, $0x9  }
0x369: {  	v32 =	vor.u32 v0, v35;
	_ =	sdelay $0x4  }
0x36a: {  	v32 =	vld.idx.msk [tilespmem:v32+s15+$0x0], $0xffff  }
0x36b: {  	s0 =	simm.s32 $0x0;
	v57 =	vor.u32 v1, v35  }
0x36c: {  	s7 =	simm.s32 $0x0;
	s6 =	sand.u32 $0x3000, s0  }
0x36d: {  	s3 =	sand.u32 $0x300, s7;
	s10 =	sor.u32 $0x14A00, s6  }
0x36e: {  	s2 =	sadd.s32 s3, s10  }
0x36f: {  	s1 =	sadd.s32 $0x3, s1;
	[tilespmem:s2+$0x0] =	vst v32  }
0x370: {  	v59 =	vmov s1;
	v32 =	vld.idx.msk [tilespmem:v57+s15+$0x0], $0xffff  }
0x371: {  	v58 =	vor.u32 v2, v35;
	_ =	sdelay $0x3  }
0x372: {  	v34 =	vld.idx.msk [tilespmem:v59+s8+$0x0], $0xffff;
	[tilespmem:s2+$0x10] =	vst v32  }
0x373: {  	v32 =	vld.idx.msk [tilespmem:v58+s15+$0x0], $0xffff  }
0x374: {  	v60 =	vor.u32 v3, v35;
	_ =	sdelay $0x2  }
0x375: {  	v34 =	vshll.u32 v34, $0x9  }
0x376: {  	v62 =	vor.u32 v0, v34;
	[tilespmem:s2+$0x20] =	vst v32  }
0x377: {  	v32 =	vld.idx.msk [tilespmem:v60+s15+$0x0], $0xffff  }
0x378: {  	v61 =	vor.u32 v4, v35;
	_ =	sdelay $0x2  }
0x379: {  	v36 =	vld.idx.msk [tilespmem:v62+s15+$0x0], $0xffff  }
0x37a: {  	v40 =	vor.u32 v1, v34;
	[tilespmem:s2+$0x30] =	vst v32  }
0x37b: {  	s26 =	simm.s32 $0x80;
	v32 =	vld.idx.msk [tilespmem:v61+s15+$0x0], $0xffff  }
0x37c: {  	s11 =	sand.u32 $0x380, s26;
	v63 =	vor.u32 v5, v35  }
0x37d: {  	s1 =	sadd.s32 s11, s10  }
0x37e: {  	[tilespmem:s1+$0x0] =	vst v36  }
0x37f: {  	v36 =	vld.idx.msk [tilespmem:v40+s15+$0x0], $0xffff  }
0x380: {  	v42 =	vor.u32 v2, v34;
	[tilespmem:s2+$0x40] =	vst v32  }
0x381: {  	s12 =	sadd.s32 $0x0, s23;
	v32 =	vld.idx.msk [tilespmem:v63+s15+$0x0], $0xffff  }
0x382: {  	s3 =	sadd.s32 s24, s12;
	v41 =	vor.u32 v6, v35  }
0x383: {  	s16 =	sadd.s32 $0x2, s3  }
0x384: {  	v43 =	vmov s16;
	[tilespmem:s1+$0x10] =	vst v36  }
0x385: {  	v36 =	vld.idx.msk [tilespmem:v42+s15+$0x0], $0xffff  }
0x386: {  	v46 =	vor.u32 v3, v34;
	[tilespmem:s2+$0x50] =	vst v32  }
0x387: {  	v32 =	vld.idx.msk [tilespmem:v41+s15+$0x0], $0xffff  }
0x388: {  	v44 =	vor.u32 v7, v35  }
0x389: {  	v45 =	vld.idx.msk [tilespmem:v43+s8+$0x0], $0xffff  }
0x38a: {  	[tilespmem:s1+$0x20] =	vst v36  }
0x38b: {  	v36 =	vld.idx.msk [tilespmem:v46+s15+$0x0], $0xffff  }
0x38c: {  	v48 =	vor.u32 v4, v34;
	[tilespmem:s2+$0x60] =	vst v32  }
0x38d: {  	v33 =	vld.idx.msk [tilespmem:v44+s15+$0x0], $0xffff  }
0x38e: {  	v47 =	vor.u32 v8, v35;
	v32 =	vshll.u32 v45, $0x9  }
0x38f: {  	v37 =	vor.u32 v0, v32  }
0x390: {  	[tilespmem:s1+$0x30] =	vst v36  }
0x391: {  	v51 =	vld.idx.msk [tilespmem:v48+s15+$0x0], $0xffff  }
0x392: {  	s3 =	sadd.s32 $0x3, s3;
	v53 =	vor.u32 v5, v34;
	[tilespmem:s2+$0x70] =	vst v33  }
0x393: {  	v54 =	vmov s3;
	v33 =	vld.idx.msk [tilespmem:v47+s15+$0x0], $0xffff  }
0x394: {  	v49 =	vor.u32 v9, v35;
	v50 =	vld.idx.msk [tilespmem:v37+s15+$0x0], $0xffff  }
0x395: {  	s19 =	simm.s32 $0x400;
	v52 =	vor.u32 v1, v32  }
0x396: {  	s4 =	sand.u32 $0x3000, s19;
	s20 =	simm.s32 $0x100;
	[tilespmem:s1+$0x40] =	vst v51  }
0x397: {  	s4 =	sor.u32 $0x14A00, s4;
	s5 =	sand.u32 $0x300, s20;
	v37 =	vld.idx.msk [tilespmem:v53+s15+$0x0], $0xffff  }
0x398: {  	s29 =	sadd.s32 s5, s4;
	v57 =	vor.u32 v6, v34;
	[tilespmem:s2+$0x400] =	vst v33;
	v33 =	vld.idx.msk [tilespmem:v54+s8+$0x0], $0xffff  }
0x399: {  	[tilespmem:s29+$0x0] =	vst v50;
	v39 =	vld.idx.msk [tilespmem:v49+s15+$0x0], $0xffff  }
0x39a: {  	v55 =	vor.u32 v10, v35;
	v36 =	vld.idx.msk [tilespmem:v52+s15+$0x0], $0xffff  }
0x39b: {  	v56 =	vor.u32 v2, v32  }
0x39c: {  	[tilespmem:s1+$0x50] =	vst v37  }
0x39d: {  	v37 =	vld.idx.msk [tilespmem:v57+s15+$0x0], $0xffff  }
0x39e: {  	v60 =	vor.u32 v7, v34;
	v33 =	vshll.u32 v33, $0x9;
	[tilespmem:s2+$0x410] =	vst v39  }
0x39f: {  	[tilespmem:s29+$0x10] =	vst v36;
	v61 =	vor.u32 v0, v33;
	v39 =	vld.idx.msk [tilespmem:v55+s15+$0x0], $0xffff  }
0x3a0: {  	v58 =	vor.u32 v11, v35;
	v36 =	vld.idx.msk [tilespmem:v56+s15+$0x0], $0xffff  }
0x3a1: {  	v59 =	vor.u32 v3, v32  }
0x3a2: {  	[tilespmem:s1+$0x60] =	vst v37  }
0x3a3: {  	v37 =	vld.idx.msk [tilespmem:v60+s15+$0x0], $0xffff  }
0x3a4: {  	v45 =	vor.u32 v8, v34;
	[tilespmem:s2+$0x420] =	vst v39;
	v39 =	vld.idx.msk [tilespmem:v61+s15+$0x0], $0xffff  }
0x3a5: {  	v46 =	vor.u32 v1, v33;
	[tilespmem:s29+$0x20] =	vst v36;
	v41 =	vld.idx.msk [tilespmem:v58+s15+$0x0], $0xffff  }
0x3a6: {  	s5 =	simm.s32 $0x180;
	v62 =	vor.u32 v12, v35;
	v36 =	vld.idx.msk [tilespmem:v59+s15+$0x0], $0xffff  }
0x3a7: {  	s3 =	sand.u32 $0x380, s5;
	v63 =	vor.u32 v4, v32  }
0x3a8: {  	s28 =	sadd.s32 s3, s4;
	[tilespmem:s1+$0x70] =	vst v37  }
0x3a9: {  	v37 =	vld.idx.msk [tilespmem:v45+s15+$0x0], $0xffff;
	[tilespmem:s28+$0x0] =	vst v39  }
0x3aa: {  	v49 =	vor.u32 v9, v34;
	[tilespmem:s2+$0x430] =	vst v41;
	v39 =	vld.idx.msk [tilespmem:v46+s15+$0x0], $0xffff  }
0x3ab: {  	v50 =	vor.u32 v2, v33;
	[tilespmem:s29+$0x30] =	vst v36;
	v42 =	vld.idx.msk [tilespmem:v62+s15+$0x0], $0xffff  }
0x3ac: {  	v47 =	vor.u32 v13, v35;
	v36 =	vld.idx.msk [tilespmem:v63+s15+$0x0], $0xffff  }
0x3ad: {  	v48 =	vor.u32 v5, v32  }
0x3ae: {  	[tilespmem:s1+$0x400] =	vst v37  }
0x3af: {  	v37 =	vld.idx.msk [tilespmem:v49+s15+$0x0], $0xffff;
	[tilespmem:s28+$0x10] =	vst v39  }
0x3b0: {  	v53 =	vor.u32 v10, v34;
	[tilespmem:s2+$0x440] =	vst v42;
	v39 =	vld.idx.msk [tilespmem:v50+s15+$0x0], $0xffff  }
0x3b1: {  	v54 =	vor.u32 v3, v33;
	[tilespmem:s29+$0x40] =	vst v36;
	v42 =	vld.idx.msk [tilespmem:v47+s15+$0x0], $0xffff  }
0x3b2: {  	s6 =	sadd.s32 $0x2, s23;
	v51 =	vor.u32 v14, v35;
	v36 =	vld.idx.msk [tilespmem:v48+s15+$0x0], $0xffff  }
0x3b3: {  	s3 =	sadd.s32 s24, s6;
	v52 =	vor.u32 v6, v32  }
0x3b4: {  	s7 =	sadd.s32 $0x2, s3;
	[tilespmem:s1+$0x410] =	vst v37  }
0x3b5: {  	v58 =	vmov s7;
	v37 =	vld.idx.msk [tilespmem:v53+s15+$0x0], $0xffff;
	[tilespmem:s28+$0x20] =	vst v39  }
0x3b6: {  	v57 =	vor.u32 v11, v34;
	[tilespmem:s2+$0x450] =	vst v42;
	v39 =	vld.idx.msk [tilespmem:v54+s15+$0x0], $0xffff  }
0x3b7: {  	v59 =	vor.u32 v4, v33;
	[tilespmem:s29+$0x50] =	vst v36;
	v42 =	vld.idx.msk [tilespmem:v51+s15+$0x0], $0xffff  }
0x3b8: {  	v55 =	vor.u32 v15, v35;
	v36 =	vld.idx.msk [tilespmem:v52+s15+$0x0], $0xffff  }
0x3b9: {  	v56 =	vor.u32 v7, v32  }
0x3ba: {  	s3 =	sadd.s32 $0x3, s3;
	v49 =	vld.idx.msk [tilespmem:v58+s8+$0x0], $0xffff;
	[tilespmem:s1+$0x420] =	vst v37  }
0x3bb: {  	v61 =	vmov s3;
	v63 =	vld.idx.msk [tilespmem:v57+s15+$0x0], $0xffff;
	[tilespmem:s28+$0x30] =	vst v39  }
0x3bc: {  	v50 =	vor.u32 v12, v34;
	[tilespmem:s2+$0x460] =	vst v42;
	v42 =	vld.idx.msk [tilespmem:v59+s15+$0x0], $0xffff  }
0x3bd: {  	v51 =	vor.u32 v5, v33;
	[tilespmem:s29+$0x60] =	vst v36;
	v43 =	vld.idx.msk [tilespmem:v55+s15+$0x0], $0xffff  }
0x3be: {  	v60 =	vor.u32 v16, v35;
	v62 =	vld.idx.msk [tilespmem:v56+s15+$0x0], $0xffff  }
0x3bf: {  	v48 =	vor.u32 v8, v32;
	v36 =	vshll.u32 v49, $0x9  }
0x3c0: {  	v52 =	vld.idx.msk [tilespmem:v61+s8+$0x0], $0xffff;
	[tilespmem:s1+$0x430] =	vst v63;
	v56 =	vor.u32 v0, v36  }
0x3c1: {  	v55 =	vld.idx.msk [tilespmem:v50+s15+$0x0], $0xffff;
	[tilespmem:s28+$0x40] =	vst v42  }
0x3c2: {  	v57 =	vor.u32 v13, v34;
	[tilespmem:s2+$0x470] =	vst v43;
	v43 =	vld.idx.msk [tilespmem:v51+s15+$0x0], $0xffff  }
0x3c3: {  	v58 =	vor.u32 v6, v33;
	[tilespmem:s29+$0x70] =	vst v62;
	v44 =	vld.idx.msk [tilespmem:v60+s15+$0x0], $0xffff  }
0x3c4: {  	v53 =	vor.u32 v17, v35;
	v40 =	vld.idx.msk [tilespmem:v48+s15+$0x0], $0xffff  }
0x3c5: {  	v54 =	vor.u32 v9, v32;
	v61 =	vld.idx.msk [tilespmem:v56+s15+$0x0], $0xffff  }
0x3c6: {  	s10 =	simm.s32 $0x800;
	v37 =	vshll.u32 v52, $0x9;
	v63 =	vor.u32 v1, v36;
	[tilespmem:s1+$0x440] =	vst v55  }
0x3c7: {  	s11 =	simm.s32 $0x200;
	s3 =	sand.u32 $0x3000, s10;
	v60 =	vor.u32 v0, v37;
	v42 =	vld.idx.msk [tilespmem:v57+s15+$0x0], $0xffff;
	[tilespmem:s28+$0x50] =	vst v43  }
0x3c8: {  	s4 =	sand.u32 $0x300, s11;
	s3 =	sor.u32 $0x14A00, s3;
	v52 =	vor.u32 v14, v34;
	[tilespmem:s2+$0x800] =	vst v44;
	v44 =	vld.idx.msk [tilespmem:v58+s15+$0x0], $0xffff  }
0x3c9: {  	s30 =	sadd.s32 s4, s3;
	[tilespmem:s29+$0x400] =	vst v40;
	v46 =	vld.idx.msk [tilespmem:v53+s15+$0x0], $0xffff;
	v53 =	vor.u32 v7, v33  }
0x3ca: {  	v59 =	vor.u32 v18, v35;
	[tilespmem:s30+$0x0] =	vst v61;
	v38 =	vld.idx.msk [tilespmem:v54+s15+$0x0], $0xffff  }
0x3cb: {  	v62 =	vor.u32 v10, v32;
	v57 =	vld.idx.msk [tilespmem:v63+s15+$0x0], $0xffff  }
0x3cc: {  	v40 =	vld.idx.msk [tilespmem:v60+s15+$0x0], $0xffff;
	[tilespmem:s1+$0x450] =	vst v42  }
0x3cd: {  	v60 =	vld.idx.msk [tilespmem:v52+s15+$0x0], $0xffff;
	[tilespmem:s28+$0x60] =	vst v44  }
0x3ce: {  	v55 =	vor.u32 v1, v37;
	[tilespmem:s2+$0x810] =	vst v46;
	v61 =	vld.idx.msk [tilespmem:v53+s15+$0x0], $0xffff  }
0x3cf: {  	s12 =	simm.s32 $0x280;
	[tilespmem:s29+$0x410] =	vst v38;
	v45 =	vld.idx.msk [tilespmem:v59+s15+$0x0], $0xffff;
	v59 =	vor.u32 v2, v36  }
0x3d0: {  	s4 =	sand.u32 $0x380, s12;
	v56 =	vld.idx.msk [tilespmem:v62+s15+$0x0], $0xffff;
	v62 =	vor.u32 v15, v34  }
0x3d1: {  	s31 =	sadd.s32 s4, s3;
	v63 =	vor.u32 v8, v33;
	[tilespmem:s30+$0x10] =	vst v57  }
0x3d2: {  	v54 =	vor.u32 v19, v35;
	[tilespmem:s31+$0x0] =	vst v40  }
0x3d3: {  	v58 =	vor.u32 v11, v32;
	v40 =	vld.idx.msk [tilespmem:v55+s15+$0x0], $0xffff;
	[tilespmem:s1+$0x460] =	vst v60  }
0x3d4: {  	v53 =	vor.u32 v2, v37;
	[tilespmem:s28+$0x70] =	vst v61;
	v55 =	vld.idx.msk [tilespmem:v59+s15+$0x0], $0xffff  }
0x3d5: {  	[tilespmem:s2+$0x820] =	vst v45;
	v45 =	vld.idx.msk [tilespmem:v62+s15+$0x0], $0xffff  }
0x3d6: {  	v46 =	vld.idx.msk [tilespmem:v63+s15+$0x0], $0xffff  }
0x3d7: {  	v57 =	vor.u32 v3, v36;
	[tilespmem:s29+$0x420] =	vst v56;
	v38 =	vld.idx.msk [tilespmem:v54+s15+$0x0], $0xffff  }
0x3d8: {  	[tilespmem:s31+$0x10] =	vst v40;
	v54 =	vld.idx.msk [tilespmem:v58+s15+$0x0], $0xffff;
	v58 =	vor.u32 v16, v34  }
0x3d9: {  	v59 =	vor.u32 v9, v33;
	v40 =	vld.idx.msk [tilespmem:v53+s15+$0x0], $0xffff  }
0x3da: {  	v52 =	vor.u32 v20, v35;
	[tilespmem:s30+$0x20] =	vst v55  }
0x3db: {  	v61 =	vor.u32 v3, v37;
	[tilespmem:s1+$0x470] =	vst v45  }
0x3dc: {  	[tilespmem:s28+$0x400] =	vst v46;
	v63 =	vld.idx.msk [tilespmem:v57+s15+$0x0], $0xffff  }
0x3dd: {  	v56 =	vor.u32 v12, v32;
	[tilespmem:s2+$0x830] =	vst v38;
	v38 =	vld.idx.msk [tilespmem:v58+s15+$0x0], $0xffff  }
0x3de: {  	v53 =	vor.u32 v4, v36;
	[tilespmem:s31+$0x20] =	vst v40;
	v46 =	vld.idx.msk [tilespmem:v59+s15+$0x0], $0xffff  }
0x3df: {  	[tilespmem:s29+$0x430] =	vst v54;
	v54 =	vor.u32 v17, v34;
	v39 =	vld.idx.msk [tilespmem:v52+s15+$0x0], $0xffff  }
0x3e0: {  	v55 =	vor.u32 v10, v33;
	v57 =	vld.idx.msk [tilespmem:v61+s15+$0x0], $0xffff  }
0x3e1: {  	v59 =	vor.u32 v4, v37;
	[tilespmem:s30+$0x30] =	vst v63  }
0x3e2: {  	v60 =	vor.u32 v21, v35;
	v62 =	vld.idx.msk [tilespmem:v56+s15+$0x0], $0xffff;
	[tilespmem:s1+$0x800] =	vst v38  }
0x3e3: {  	v52 =	vor.u32 v13, v32;
	[tilespmem:s28+$0x410] =	vst v46;
	v61 =	vld.idx.msk [tilespmem:v53+s15+$0x0], $0xffff  }
0x3e4: {  	[tilespmem:s2+$0x840] =	vst v39;
	v39 =	vld.idx.msk [tilespmem:v54+s15+$0x0], $0xffff  }
0x3e5: {  	[tilespmem:s31+$0x30] =	vst v57;
	v46 =	vld.idx.msk [tilespmem:v55+s15+$0x0], $0xffff  }
0x3e6: {  	v63 =	vor.u32 v5, v36;
	v55 =	vld.idx.msk [tilespmem:v59+s15+$0x0], $0xffff  }
0x3e7: {  	v57 =	vor.u32 v5, v37;
	[tilespmem:s29+$0x440] =	vst v62;
	v56 =	vld.idx.msk [tilespmem:v60+s15+$0x0], $0xffff  }
0x3e8: {  	v60 =	vld.idx.msk [tilespmem:v52+s15+$0x0], $0xffff;
	v52 =	vor.u32 v18, v34  }
0x3e9: {  	s16 =	sadd.s32 $0x4, s23;
	v58 =	vor.u32 v22, v35;
	[tilespmem:s30+$0x40] =	vst v61  }
0x3ea: {  	s3 =	sadd.s32 s24, s16;
	v53 =	vor.u32 v11, v33;
	[tilespmem:s1+$0x810] =	vst v39  }
0x3eb: {  	s19 =	sadd.s32 $0x2, s3;
	v62 =	vor.u32 v14, v32;
	[tilespmem:s31+$0x40] =	vst v55;
	v44 =	vld.idx.msk [tilespmem:v63+s15+$0x0], $0xffff  }
0x3ec: {  	[tilespmem:s28+$0x420] =	vst v46;
	v63 =	vld.idx.msk [tilespmem:v57+s15+$0x0], $0xffff;
	v57 =	vmov s19  }
0x3ed: {  	v59 =	vor.u32 v6, v36;
	[tilespmem:s2+$0x850] =	vst v56;
	v40 =	vld.idx.msk [tilespmem:v52+s15+$0x0], $0xffff  }
0x3ee: {  	[tilespmem:s29+$0x450] =	vst v60;
	v60 =	vor.u32 v19, v34;
	v54 =	vld.idx.msk [tilespmem:v58+s15+$0x0], $0xffff  }
0x3ef: {  	v56 =	vor.u32 v23, v35;
	v46 =	vld.idx.msk [tilespmem:v53+s15+$0x0], $0xffff  }
0x3f0: {  	v61 =	vor.u32 v12, v33;
	v38 =	vld.idx.msk [tilespmem:v62+s15+$0x0], $0xffff  }
0x3f1: {  	v53 =	vor.u32 v6, v37;
	[tilespmem:s30+$0x50] =	vst v44;
	v47 =	vld.idx.msk [tilespmem:v57+s8+$0x0], $0xffff  }
0x3f2: {  	v58 =	vor.u32 v15, v32;
	[tilespmem:s1+$0x820] =	vst v40;
	v44 =	vld.idx.msk [tilespmem:v59+s15+$0x0], $0xffff  }
0x3f3: {  	v55 =	vor.u32 v7, v36;
	[tilespmem:s2+$0x860] =	vst v54;
	v41 =	vld.idx.msk [tilespmem:v60+s15+$0x0], $0xffff  }
0x3f4: {  	[tilespmem:s28+$0x430] =	vst v46;
	v62 =	vld.idx.msk [tilespmem:v56+s15+$0x0], $0xffff;
	v56 =	vor.u32 v20, v34  }
0x3f5: {  	s3 =	sadd.s32 $0x3, s3;
	v52 =	vor.u32 v24, v35;
	[tilespmem:s31+$0x50] =	vst v63;
	v46 =	vld.idx.msk [tilespmem:v61+s15+$0x0], $0xffff  }
0x3f6: {  	[tilespmem:s29+$0x460] =	vst v38;
	v43 =	vld.idx.msk [tilespmem:v53+s15+$0x0], $0xffff;
	v59 =	vmov s3  }
0x3f7: {  	v60 =	vor.u32 v7, v37;
	v39 =	vld.idx.msk [tilespmem:v58+s15+$0x0], $0xffff;
	[tilespmem:s30+$0x60] =	vst v44  }
0x3f8: {  	v63 =	vor.u32 v13, v33;
	[tilespmem:s1+$0x830] =	vst v41;
	v44 =	vld.idx.msk [tilespmem:v55+s15+$0x0], $0xffff  }
0x3f9: {  	v54 =	vor.u32 v16, v32;
	[tilespmem:s2+$0x870] =	vst v62;
	v42 =	vld.idx.msk [tilespmem:v56+s15+$0x0], $0xffff  }
0x3fa: {  	v61 =	vor.u32 v8, v36;
	v38 =	vld.idx.msk [tilespmem:v52+s15+$0x0], $0xffff  }
0x3fb: {  	s20 =	sand.u32 $0x3, s0;
	v58 =	vor.u32 v25, v35;
	[tilespmem:s31+$0x60] =	vst v43;
	v55 =	vld.idx.msk [tilespmem:v59+s8+$0x0], $0xffff  }
0x3fc: {  	[tilespmem:s28+$0x440] =	vst v46;
	s2 =	sshll.u32 s20, $0x8;
	v62 =	vor.u32 v21, v34;
	v41 =	vld.idx.msk [tilespmem:v60+s15+$0x0], $0xffff  }
0x3fd: {  	[tilespmem:s29+$0x470] =	vst v39;
	v49 =	vld.idx.msk [tilespmem:v63+s15+$0x0], $0xffff;
	v39 =	vshll.u32 v47, $0x9;
	s5 =	sadd.s32 $0x0, s2  }
0x3fe: {  	v40 =	vld.idx.msk [tilespmem:v54+s15+$0x0], $0xffff;
	v63 =	vor.u32 v0, v39;
	s2 =	sor.u32 $0xC00, s5;
	[tilespmem:s30+$0x70] =	vst v44  }
0x3ff: {  	v56 =	vor.u32 v17, v32;
	[tilespmem:s2+$0x14A00] =	vst v38;
	v45 =	vld.idx.msk [tilespmem:v61+s15+$0x0], $0xffff  }
0x400: {  	[tilespmem:s1+$0x840] =	vst v42;
	v54 =	vld.idx.msk [tilespmem:v58+s15+$0x0], $0xffff;
	v58 =	vor.u32 v8, v37  }
0x401: {  	v60 =	vor.u32 v9, v36;
	v59 =	vld.idx.msk [tilespmem:v62+s15+$0x0], $0xffff  }
0x402: {  	v61 =	vor.u32 v22, v34;
	v38 =	vshll.u32 v55, $0x9  }
0x403: {  	[tilespmem:s29+$0x800] =	vst v40;
	v55 =	vld.idx.msk [tilespmem:v63+s15+$0x0], $0xffff;
	v43 =	vor.u32 v0, v38  }
0x404: {  	v57 =	vor.u32 v26, v35;
	[tilespmem:s31+$0x70] =	vst v41;
	v62 =	vld.idx.msk [tilespmem:v56+s15+$0x0], $0xffff  }
0x405: {  	v52 =	vor.u32 v18, v32;
	[tilespmem:s30+$0x400] =	vst v45;
	v42 =	vld.idx.msk [tilespmem:v58+s15+$0x0], $0xffff  }
0x406: {  	s12 =	simm.s32 $0xC00;
	s3 =	sor.u32 $0xC10, s5;
	[tilespmem:s1+$0x850] =	vst v59;
	v59 =	vor.u32 v14, v33;
	v45 =	vld.idx.msk [tilespmem:v60+s15+$0x0], $0xffff  }
0x407: {  	s7 =	simm.s32 $0x300;
	s6 =	sand.u32 $0x3000, s12;
	[tilespmem:s3+$0x14A00] =	vst v54;
	v40 =	vld.idx.msk [tilespmem:v61+s15+$0x0], $0xffff;
	v54 =	vor.u32 v9, v37  }
0x408: {  	[tilespmem:s28+$0x450] =	vst v49;
	s2 =	sor.u32 $0x14A00, s6;
	v56 =	vor.u32 v23, v34;
	v43 =	vld.idx.msk [tilespmem:v43+s15+$0x0], $0xffff;
	s3 =	sand.u32 $0x300, s7  }
0x409: {  	[tilespmem:s29+$0x810] =	vst v62;
	v44 =	vld.idx.msk [tilespmem:v57+s15+$0x0], $0xffff;
	v57 =	vor.u32 v10, v36;
	s19 =	sadd.s32 s3, s2  }
0x40a: {  	v58 =	vor.u32 v1, v39;
	v41 =	vld.idx.msk [tilespmem:v52+s15+$0x0], $0xffff;
	[tilespmem:s19+$0x0] =	vst v55  }
0x40b: {  	s20 =	simm.s32 $0x380;
	v60 =	vor.u32 v1, v38;
	[tilespmem:s31+$0x400] =	vst v42;
	v42 =	vld.idx.msk [tilespmem:v59+s15+$0x0], $0xffff  }
0x40c: {  	v53 =	vor.u32 v27, v35;
	s10 =	sand.u32 $0x380, s20;
	[tilespmem:s1+$0x860] =	vst v40;
	v50 =	vld.idx.msk [tilespmem:v54+s15+$0x0], $0xffff  }
0x40d: {  	v61 =	vor.u32 v19, v32;
	s2 =	sadd.s32 s10, s2;
	[tilespmem:s30+$0x410] =	vst v45;
	v62 =	vld.idx.msk [tilespmem:v56+s15+$0x0], $0xffff  }
0x40e: {  	s4 =	sor.u32 $0xC20, s5;
	[tilespmem:s2+$0x0] =	vst v43;
	v63 =	vld.idx.msk [tilespmem:v57+s15+$0x0], $0xffff;
	v54 =	vor.u32 v10, v37  }
0x40f: {  	v55 =	vor.u32 v24, v34;
	[tilespmem:s4+$0x14A00] =	vst v44;
	v44 =	vld.idx.msk [tilespmem:v58+s15+$0x0], $0xffff  }
0x410: {  	[tilespmem:s29+$0x820] =	vst v41;
	v56 =	vor.u32 v11, v36;
	v51 =	vld.idx.msk [tilespmem:v60+s15+$0x0], $0xffff  }
0x411: {  	v57 =	vor.u32 v2, v39;
	v46 =	vld.idx.msk [tilespmem:v53+s15+$0x0], $0xffff;
	[tilespmem:s28+$0x460] =	vst v42  }
0x412: {  	v58 =	vor.u32 v15, v33;
	v40 =	vld.idx.msk [tilespmem:v61+s15+$0x0], $0xffff;
	[tilespmem:s31+$0x410] =	vst v50  }
0x413: {  	v59 =	vor.u32 v2, v38;
	[tilespmem:s1+$0x870] =	vst v62;
	v48 =	vld.idx.msk [tilespmem:v54+s15+$0x0], $0xffff  }
0x414: {  	v60 =	vor.u32 v20, v32;
	[tilespmem:s30+$0x420] =	vst v63;
	v41 =	vld.idx.msk [tilespmem:v55+s15+$0x0], $0xffff  }
0x415: {  	v61 =	vor.u32 v11, v37;
	[tilespmem:s19+$0x10] =	vst v44;
	v43 =	vld.idx.msk [tilespmem:v56+s15+$0x0], $0xffff  }
0x416: {  	s0 =	sand.u32 $0x7, s0;
	s11 =	sor.u32 $0xC30, s5;
	v63 =	vor.u32 v25, v34;
	[tilespmem:s2+$0x10] =	vst v51;
	v62 =	vld.idx.msk [tilespmem:v57+s15+$0x0], $0xffff  }
0x417: {  	s0 =	sshll.u32 s0, $0x7;
	[tilespmem:s11+$0x14A00] =	vst v46;
	v54 =	vor.u32 v12, v36;
	v46 =	vld.idx.msk [tilespmem:v58+s15+$0x0], $0xffff  }
0x418: {  	s10 =	sadd.s32 $0x80, s0;
	v55 =	vor.u32 v3, v39;
	v50 =	vld.idx.msk [tilespmem:v59+s15+$0x0], $0xffff;
	[tilespmem:s29+$0x830] =	vst v40  }
0x419: {  	s0 =	sor.u32 $0xC00, s10;
	v56 =	vor.u32 v16, v33;
	v40 =	vld.idx.msk [tilespmem:v60+s15+$0x0], $0xffff;
	[tilespmem:s31+$0x420] =	vst v48  }
0x41a: {  	v57 =	vor.u32 v3, v38;
	[tilespmem:s0+$0x14A00] =	vst v41;
	v44 =	vld.idx.msk [tilespmem:v61+s15+$0x0], $0xffff  }
0x41b: {  	v58 =	vor.u32 v21, v32;
	[tilespmem:s30+$0x430] =	vst v43;
	v42 =	vld.idx.msk [tilespmem:v63+s15+$0x0], $0xffff  }
0x41c: {  	v59 =	vor.u32 v12, v37;
	[tilespmem:s19+$0x20] =	vst v62;
	v43 =	vld.idx.msk [tilespmem:v54+s15+$0x0], $0xffff  }
0x41d: {  	[tilespmem:s28+$0x470] =	vst v46;
	v60 =	vld.idx.msk [tilespmem:v55+s15+$0x0], $0xffff;
	v61 =	vor.u32 v26, v34  }
0x41e: {  	[tilespmem:s2+$0x20] =	vst v50;
	v63 =	vor.u32 v13, v36;
	v45 =	vld.idx.msk [tilespmem:v56+s15+$0x0], $0xffff  }
0x41f: {  	v54 =	vor.u32 v4, v39;
	v48 =	vld.idx.msk [tilespmem:v57+s15+$0x0], $0xffff;
	[tilespmem:s29+$0x840] =	vst v40  }
0x420: {  	s16 =	sor.u32 $0xC10, s10;
	v55 =	vor.u32 v17, v33;
	v40 =	vld.idx.msk [tilespmem:v58+s15+$0x0], $0xffff;
	[tilespmem:s31+$0x430] =	vst v44  }
0x421: {  	v56 =	vor.u32 v4, v38;
	[tilespmem:s16+$0x14A00] =	vst v42;
	v47 =	vld.idx.msk [tilespmem:v59+s15+$0x0], $0xffff  }
0x422: {  	v62 =	vor.u32 v22, v32;
	[tilespmem:s30+$0x440] =	vst v43;
	v43 =	vld.idx.msk [tilespmem:v61+s15+$0x0], $0xffff  }
0x423: {  	v57 =	vor.u32 v13, v37;
	[tilespmem:s19+$0x30] =	vst v60;
	v63 =	vld.idx.msk [tilespmem:v63+s15+$0x0], $0xffff  }
0x424: {  	[tilespmem:s28+$0x800] =	vst v45;
	v58 =	vld.idx.msk [tilespmem:v54+s15+$0x0], $0xffff;
	v59 =	vor.u32 v27, v34  }
0x425: {  	[tilespmem:s2+$0x30] =	vst v48;
	v60 =	vor.u32 v14, v36;
	v61 =	vld.idx.msk [tilespmem:v55+s15+$0x0], $0xffff  }
0x426: {  	v52 =	vor.u32 v5, v39;
	v44 =	vld.idx.msk [tilespmem:v56+s15+$0x0], $0xffff;
	[tilespmem:s29+$0x850] =	vst v40  }
0x427: {  	s1 =	sor.u32 $0xC20, s10;
	v53 =	vld.idx.msk [tilespmem:v62+s15+$0x0], $0xffff;
	v62 =	vor.u32 v18, v33;
	[tilespmem:s31+$0x440] =	vst v47  }
0x428: {  	v54 =	vor.u32 v5, v38;
	[tilespmem:s1+$0x14A00] =	vst v43;
	v55 =	vld.idx.msk [tilespmem:v57+s15+$0x0], $0xffff  }
0x429: {  	s3 =	simm.s32 $0x1;
	[tilespmem:s30+$0x450] =	vst v63;
	v63 =	vor.u32 v23, v32;
	v41 =	vld.idx.msk [tilespmem:v59+s15+$0x0], $0xffff  }
0x42a: {  	s0 =	sand.u32 $0x3, s3;
	s3 =	simm.s32 $0x3;
	v46 =	vor.u32 v28, v35;
	[tilespmem:s19+$0x40] =	vst v58;
	v47 =	vld.idx.msk [tilespmem:v60+s15+$0x0], $0xffff  }
0x42b: {  	s4 =	simm.s32 $0x2;
	s0 =	sshll.u32 s0, $0x8;
	s11 =	sand.u32 $0x3, s3;
	v42 =	vor.u32 v28, v34;
	[tilespmem:s28+$0x810] =	vst v61;
	v49 =	vld.idx.msk [tilespmem:v52+s15+$0x0], $0xffff  }
0x42c: {  	s7 =	sadd.s32 $0x400, s0;
	s16 =	sshll.u32 s11, $0x8;
	v48 =	vor.u32 v15, v36;
	s1 =	sand.u32 $0x3, s4;
	[tilespmem:s2+$0x40] =	vst v44;
	v45 =	vld.idx.msk [tilespmem:v62+s15+$0x0], $0xffff  }
0x42d: {  	v51 =	vor.u32 v6, v39;
	s11 =	simm.s32 $0x2;
	s0 =	sadd.s32 $0xC00, s16;
	s6 =	sshll.u32 s1, $0x8;
	v50 =	vld.idx.msk [tilespmem:v54+s15+$0x0], $0xffff;
	[tilespmem:s29+$0x860] =	vst v53  }
0x42e: {  	v40 =	vor.u32 v6, v38;
	s4 =	simm.s32 $0x6;
	v43 =	vor.u32 v19, v33;
	s1 =	sadd.s32 $0x800, s6;
	s6 =	sor.u32 $0xC30, s10;
	v44 =	vld.idx.msk [tilespmem:v63+s15+$0x0], $0xffff;
	[tilespmem:s31+$0x450] =	vst v55  }
.LBB2_7:
0x42f: {  	s16 =	sadd.s32 s4, s23;
	s4 =	sadd.s32 $0x2, s4;
	v46 =	vld.idx.msk [tilespmem:v46+s15+$0x0], $0xffff;
	[tilespmem:s6+$0x14A00] =	vst v41;
	s26 =	sadd.s32 $0x400, s26  }
0x430: {  	v41 =	vor.u32 v24, v32;
	s6 =	sadd.s32 s24, s16;
	p0 =	slt.u32 s4, $0x1E;
	[tilespmem:s30+$0x460] =	vst v47;
	v42 =	vld.idx.msk [tilespmem:v42+s15+$0x0], $0xffff  }
0x431: {  	s16 =	sadd.s32 $0x2, s6;
	s6 =	sadd.s32 $0x3, s6;
	[tilespmem:s19+$0x50] =	vst v49;
	v47 =	vld.idx.msk [tilespmem:v48+s15+$0x0], $0xffff;
	v48 =	vor.u32 v29, v35  }
0x432: {  	v49 =	vmov s16;
	v51 =	vld.idx.msk [tilespmem:v51+s15+$0x0], $0xffff;
	[tilespmem:s28+$0x820] =	vst v45;
	v45 =	vor.u32 v29, v34  }
0x433: {  	v52 =	vmov s6;
	[tilespmem:s2+$0x50] =	vst v50;
	v50 =	vor.u32 v16, v36;
	v43 =	vld.idx.msk [tilespmem:v43+s15+$0x0], $0xffff  }
0x434: {  	v53 =	vor.u32 v7, v39;
	s6 =	sor.u32 $0xC40, s5;
	v40 =	vld.idx.msk [tilespmem:v40+s15+$0x0], $0xffff;
	[tilespmem:s29+$0x870] =	vst v44;
	s29 =	smov.u32 s30;
	s30 =	smov.u32 s19  }
0x435: {  	v44 =	vor.u32 v20, v33;
	v41 =	vld.idx.msk [tilespmem:v41+s15+$0x0], $0xffff;
	[tilespmem:s6+$0x14A00] =	vst v46;
	s6 =	sor.u32 $0xC40, s10  }
0x436: {  	v46 =	vld.idx.msk [tilespmem:v48+s15+$0x0], $0xffff;
	[tilespmem:s6+$0x14A00] =	vst v42  }
0x437: {  	v42 =	vor.u32 v25, v32;
	[tilespmem:s29+$0x470] =	vst v47;
	v45 =	vld.idx.msk [tilespmem:v45+s15+$0x0], $0xffff  }
0x438: {  	[tilespmem:s30+$0x60] =	vst v51;
	v47 =	vld.idx.msk [tilespmem:v50+s15+$0x0], $0xffff  }
0x439: {  	v48 =	vld.idx.msk [tilespmem:v53+s15+$0x0], $0xffff;
	[tilespmem:s28+$0x830] =	vst v43;
	v43 =	vor.u32 v30, v35  }
0x43a: {  	s6 =	sor.u32 $0xC00, s7;
	[tilespmem:s2+$0x60] =	vst v40;
	v40 =	vor.u32 v7, v38;
	v44 =	vld.idx.msk [tilespmem:v44+s15+$0x0], $0xffff  }
0x43b: {  	v50 =	vor.u32 v8, v39;
	v49 =	vld.idx.msk [tilespmem:v49+s8+$0x0], $0xffff;
	[tilespmem:s6+$0x14A00] =	vst v41;
	s6 =	sor.u32 $0xC50, s5  }
0x43c: {  	v41 =	vld.idx.msk [tilespmem:v42+s15+$0x0], $0xffff;
	v42 =	vor.u32 v21, v33;
	[tilespmem:s6+$0x14A00] =	vst v46;
	s6 =	sor.u32 $0xC50, s10;
	v46 =	vor.u32 v30, v34  }
0x43d: {  	v51 =	vld.idx.msk [tilespmem:v52+s8+$0x0], $0xffff;
	[tilespmem:s6+$0x14A00] =	vst v45  }
0x43e: {  	v45 =	vor.u32 v17, v36;
	[tilespmem:s29+$0x800] =	vst v47;
	v43 =	vld.idx.msk [tilespmem:v43+s15+$0x0], $0xffff  }
0x43f: {  	v47 =	vor.u32 v26, v32;
	[tilespmem:s30+$0x70] =	vst v48;
	v40 =	vld.idx.msk [tilespmem:v40+s15+$0x0], $0xffff  }
0x440: {  	v48 =	vld.idx.msk [tilespmem:v50+s15+$0x0], $0xffff;
	[tilespmem:s28+$0x840] =	vst v44;
	v44 =	vor.u32 v31, v35;
	v35 =	vmovc v32;
	v32 =	vmov v36;
	v36 =	vmov v39  }
0x441: {  	s6 =	sor.u32 $0xC10, s7;
	v50 =	vor.u32 v8, v38;
	v42 =	vld.idx.msk [tilespmem:v42+s15+$0x0], $0xffff  }
0x442: {  	v52 =	vor.u32 v9, v36;
	[tilespmem:s6+$0x14A00] =	vst v41;
	v41 =	vld.idx.msk [tilespmem:v46+s15+$0x0], $0xffff;
	v46 =	vor.u32 v31, v34;
	v34 =	vmov v33  }
0x443: {  	s3 =	sadd.s32 $0x1, s3;
	v39 =	vshll.u32 v49, $0x9;
	s6 =	sor.u32 $0xC60, s5;
	v33 =	vmovc v37;
	v37 =	vmov v38;
	v45 =	vld.idx.msk [tilespmem:v45+s15+$0x0], $0xffff;
	v49 =	vor.u32 v22, v34  }
0x444: {  	s16 =	sand.u32 $0x3, s3;
	v53 =	vor.u32 v0, v39;
	v47 =	vld.idx.msk [tilespmem:v47+s15+$0x0], $0xffff;
	[tilespmem:s6+$0x14A00] =	vst v43;
	s6 =	sor.u32 $0xC60, s10  }
0x445: {  	s20 =	sadd.s32 $0x100, s20;
	s12 =	sadd.s32 $0x400, s12;
	s16 =	sshll.u32 s16, $0x8;
	v38 =	vshll.u32 v51, $0x9;
	v43 =	vor.u32 v18, v32;
	[tilespmem:s2+$0x70] =	vst v40;
	v44 =	vld.idx.msk [tilespmem:v44+s15+$0x0], $0xffff  }
0x446: {  	s16 =	sadd.s32 s16, s12;
	v51 =	vor.u32 v0, v38;
	v40 =	vor.u32 v6, v38;
	[tilespmem:s30+$0x400] =	vst v48;
	v48 =	vld.idx.msk [tilespmem:v50+s15+$0x0], $0xffff  }
0x447: {  	v50 =	vld.idx.msk [tilespmem:v52+s15+$0x0], $0xffff;
	[tilespmem:s28+$0x850] =	vst v42  }
0x448: {  	v42 =	vor.u32 v27, v35;
	v49 =	vld.idx.msk [tilespmem:v49+s15+$0x0], $0xffff;
	[tilespmem:s6+$0x14A00] =	vst v41  }
0x449: {  	v41 =	vor.u32 v9, v37;
	s6 =	sor.u32 $0xC20, s7;
	[tilespmem:s29+$0x810] =	vst v45;
	v45 =	vld.idx.msk [tilespmem:v46+s15+$0x0], $0xffff  }
0x44a: {  	v46 =	vld.idx.msk [tilespmem:v53+s15+$0x0], $0xffff;
	[tilespmem:s6+$0x14A00] =	vst v47;
	v47 =	vor.u32 v23, v34;
	s6 =	sor.u32 $0xC70, s5;
	s5 =	smov.u32 s7;
	s7 =	smov.u32 s1  }
0x44b: {  	v52 =	vor.u32 v1, v39;
	v53 =	vor.u32 v10, v36;
	s1 =	smov.u32 s0;
	s0 =	smov.u32 s16;
	v43 =	vld.idx.msk [tilespmem:v43+s15+$0x0], $0xffff;
	[tilespmem:s6+$0x14A00] =	vst v44  }
0x44c: {  	s6 =	sor.u32 $0xC70, s10;
	v44 =	vld.idx.msk [tilespmem:v51+s15+$0x0], $0xffff;
	[tilespmem:s2+$0x400] =	vst v48  }
0x44d: {  	s16 =	sadd.s32 $0xFFFFFF80, s20;
	s10 =	sand.u32 $0x3000, s12;
	v48 =	vor.u32 v1, v38;
	[tilespmem:s30+$0x410] =	vst v50;
	v50 =	vor.u32 v14, v33;
	v42 =	vld.idx.msk [tilespmem:v42+s15+$0x0], $0xffff  }
0x44e: {  	s16 =	sand.u32 $0x300, s16;
	s10 =	sor.u32 $0x14A00, s10;
	v41 =	vld.idx.msk [tilespmem:v41+s15+$0x0], $0xffff;
	[tilespmem:s28+$0x860] =	vst v49  }
0x44f: {  	s19 =	sadd.s32 s16, s10;
	v49 =	vor.u32 v19, v32;
	v47 =	vld.idx.msk [tilespmem:v47+s15+$0x0], $0xffff;
	[tilespmem:s6+$0x14A00] =	vst v45  }
0x450: {  	s6 =	sand.u32 $0x380, s20;
	[tilespmem:s19+$0x0] =	vst v46;
	v45 =	vld.idx.msk [tilespmem:v53+s15+$0x0], $0xffff;
	v46 =	vor.u32 v10, v37  }
0x451: {  	s6 =	sadd.s32 s6, s10;
	v51 =	vld.idx.msk [tilespmem:v52+s15+$0x0], $0xffff;
	[tilespmem:s29+$0x820] =	vst v43;
	v43 =	vor.u32 v24, v34  }
0x452: {  	s10 =	sor.u32 $0xC30, s5;
	v52 =	vor.u32 v2, v39;
	[tilespmem:s6+$0x0] =	vst v44;
	v44 =	vor.u32 v11, v36;
	v50 =	vld.idx.msk [tilespmem:v50+s15+$0x0], $0xffff  }
0x453: {  	v48 =	vld.idx.msk [tilespmem:v48+s15+$0x0], $0xffff;
	[tilespmem:s10+$0x14A00] =	vst v42  }
0x454: {  	v42 =	vor.u32 v2, v38;
	[tilespmem:s2+$0x410] =	vst v41;
	v41 =	vld.idx.msk [tilespmem:v49+s15+$0x0], $0xffff;
	v49 =	vor.u32 v15, v33  }
0x455: {  	v46 =	vld.idx.msk [tilespmem:v46+s15+$0x0], $0xffff;
	[tilespmem:s28+$0x870] =	vst v47;
	s28 =	smov.u32 s31;
	s31 =	smov.u32 s2;
	s2 =	smov.u32 s6  }
0x456: {  	[tilespmem:s30+$0x420] =	vst v45;
	v45 =	vor.u32 v20, v32;
	v43 =	vld.idx.msk [tilespmem:v43+s15+$0x0], $0xffff  }
0x457: {  	v47 =	vor.u32 v11, v37;
	[tilespmem:s19+$0x10] =	vst v51;
	v44 =	vld.idx.msk [tilespmem:v44+s15+$0x0], $0xffff  }
0x458: {  	s6 =	sand.u32 $0x7, s11;
	v51 =	vld.idx.msk [tilespmem:v52+s15+$0x0], $0xffff;
	[tilespmem:s28+$0x460] =	vst v50;
	v50 =	vor.u32 v25, v34  }
0x459: {  	s6 =	sshll.u32 s6, $0x7;
	v52 =	vor.u32 v3, v39;
	[tilespmem:s2+$0x10] =	vst v48;
	v48 =	vor.u32 v12, v36;
	v49 =	vld.idx.msk [tilespmem:v49+s15+$0x0], $0xffff  }
0x45a: {  	s10 =	sadd.s32 s6, s26;
	v42 =	vld.idx.msk [tilespmem:v42+s15+$0x0], $0xffff;
	[tilespmem:s29+$0x830] =	vst v41  }
0x45b: {  	s6 =	sor.u32 $0xC00, s10;
	[tilespmem:s31+$0x420] =	vst v46;
	v41 =	vld.idx.msk [tilespmem:v45+s15+$0x0], $0xffff;
	v45 =	vor.u32 v16, v33  }
0x45c: {  	v46 =	vor.u32 v3, v38;
	v47 =	vld.idx.msk [tilespmem:v47+s15+$0x0], $0xffff;
	[tilespmem:s6+$0x14A00] =	vst v43  }
0x45d: {  	v43 =	vor.u32 v21, v32;
	[tilespmem:s30+$0x430] =	vst v44;
	v44 =	vld.idx.msk [tilespmem:v50+s15+$0x0], $0xffff  }
0x45e: {  	v50 =	vor.u32 v12, v37;
	[tilespmem:s19+$0x20] =	vst v51;
	v48 =	vld.idx.msk [tilespmem:v48+s15+$0x0], $0xffff  }
0x45f: {  	v51 =	vld.idx.msk [tilespmem:v52+s15+$0x0], $0xffff;
	[tilespmem:s28+$0x470] =	vst v49;
	v49 =	vor.u32 v26, v34  }
0x460: {  	[tilespmem:s2+$0x20] =	vst v42;
	v42 =	vor.u32 v13, v36;
	v45 =	vld.idx.msk [tilespmem:v45+s15+$0x0], $0xffff  }
0x461: {  	v52 =	vor.u32 v4, v39;
	v46 =	vld.idx.msk [tilespmem:v46+s15+$0x0], $0xffff;
	[tilespmem:s29+$0x840] =	vst v41  }
0x462: {  	s6 =	sor.u32 $0xC10, s10;
	[tilespmem:s31+$0x430] =	vst v47;
	v41 =	vld.idx.msk [tilespmem:v43+s15+$0x0], $0xffff;
	v43 =	vor.u32 v17, v33  }
0x463: {  	v47 =	vor.u32 v4, v38;
	v50 =	vld.idx.msk [tilespmem:v50+s15+$0x0], $0xffff;
	[tilespmem:s6+$0x14A00] =	vst v44  }
0x464: {  	v44 =	vor.u32 v22, v32;
	[tilespmem:s30+$0x440] =	vst v48;
	v48 =	vld.idx.msk [tilespmem:v49+s15+$0x0], $0xffff  }
0x465: {  	v49 =	vor.u32 v13, v37;
	[tilespmem:s19+$0x30] =	vst v51;
	v42 =	vld.idx.msk [tilespmem:v42+s15+$0x0], $0xffff  }
0x466: {  	v51 =	vld.idx.msk [tilespmem:v52+s15+$0x0], $0xffff;
	[tilespmem:s28+$0x800] =	vst v45;
	v45 =	vor.u32 v27, v34  }
0x467: {  	[tilespmem:s2+$0x30] =	vst v46;
	v46 =	vor.u32 v14, v36;
	v43 =	vld.idx.msk [tilespmem:v43+s15+$0x0], $0xffff  }
0x468: {  	v52 =	vor.u32 v5, v39;
	v53 =	vld.idx.msk [tilespmem:v47+s15+$0x0], $0xffff;
	[tilespmem:s29+$0x850] =	vst v41  }
0x469: {  	s6 =	sor.u32 $0xC20, s10;
	[tilespmem:s31+$0x440] =	vst v50;
	v44 =	vld.idx.msk [tilespmem:v44+s15+$0x0], $0xffff;
	v50 =	vor.u32 v18, v33  }
0x46a: {  	v54 =	vor.u32 v5, v38;
	v55 =	vld.idx.msk [tilespmem:v49+s15+$0x0], $0xffff;
	[tilespmem:s6+$0x14A00] =	vst v48  }
0x46b: {  	v56 =	vor.u32 v23, v32;
	[tilespmem:s30+$0x450] =	vst v42;
	v41 =	vld.idx.msk [tilespmem:v45+s15+$0x0], $0xffff  }
.Ltmp2:
0x46c: {  	[tilespmem:s19+$0x40] =	vst v51;
	v47 =	vld.idx.msk [tilespmem:v46+s15+$0x0], $0xffff;
	v46 =	vor.u32 v28, v35;
	(pc) =	sbr.rel @p0 .LBB2_7-.Ltmp2, $4  }
0x46d: {  	v42 =	vor.u32 v28, v34;
	v49 =	vld.idx.msk [tilespmem:v52+s15+$0x0], $0xffff;
	[tilespmem:s28+$0x810] =	vst v43  }
0x46e: {  	v48 =	vor.u32 v15, v36;
	[tilespmem:s2+$0x40] =	vst v53;
	v45 =	vld.idx.msk [tilespmem:v50+s15+$0x0], $0xffff  }
0x46f: {  	s11 =	sadd.s32 $0x2, s11;
	v51 =	vor.u32 v6, v39;
	v50 =	vld.idx.msk [tilespmem:v54+s15+$0x0], $0xffff;
	[tilespmem:s29+$0x860] =	vst v44  }
0x470: {  	s6 =	sor.u32 $0xC30, s10;
	v43 =	vor.u32 v19, v33;
	[tilespmem:s31+$0x450] =	vst v55;
	v44 =	vld.idx.msk [tilespmem:v56+s15+$0x0], $0xffff  }
0x471: {  	_ =	sdelay $0x2  }
0x472: {  	[tilespmem:s19+$0x50] =	vst v49  }
0x473: {  	v49 =	vld.idx.msk [tilespmem:v51+s15+$0x0], $0xffff;
	[tilespmem:s2+$0x50] =	vst v50  }
0x474: {  	v58 =	vor.u32 v7, v39;
	v40 =	vld.idx.msk [tilespmem:v40+s15+$0x0], $0xffff  }
0x475: {  	v59 =	vor.u32 v7, v38;
	_ =	sdelay $0x2  }
0x476: {  	[tilespmem:s19+$0x60] =	vst v49  }
0x477: {  	v49 =	vld.idx.msk [tilespmem:v58+s15+$0x0], $0xffff;
	[tilespmem:s2+$0x60] =	vst v40  }
0x478: {  	v60 =	vor.u32 v8, v39;
	v61 =	vld.idx.msk [tilespmem:v59+s15+$0x0], $0xffff  }
0x479: {  	v62 =	vor.u32 v8, v38;
	_ =	sdelay $0x2  }
0x47a: {  	[tilespmem:s19+$0x70] =	vst v49  }
0x47b: {  	v40 =	vld.idx.msk [tilespmem:v60+s15+$0x0], $0xffff;
	[tilespmem:s2+$0x70] =	vst v61  }
0x47c: {  	v63 =	vor.u32 v9, v39;
	v50 =	vld.idx.msk [tilespmem:v62+s15+$0x0], $0xffff  }
0x47d: {  	v54 =	vor.u32 v9, v38;
	_ =	sdelay $0x2  }
0x47e: {  	[tilespmem:s19+$0x400] =	vst v40  }
0x47f: {  	v40 =	vld.idx.msk [tilespmem:v63+s15+$0x0], $0xffff;
	[tilespmem:s2+$0x400] =	vst v50  }
0x480: {  	v55 =	vor.u32 v10, v39;
	v50 =	vld.idx.msk [tilespmem:v54+s15+$0x0], $0xffff  }
0x481: {  	v56 =	vor.u32 v10, v38;
	_ =	sdelay $0x2  }
0x482: {  	[tilespmem:s19+$0x410] =	vst v40  }
0x483: {  	v40 =	vld.idx.msk [tilespmem:v55+s15+$0x0], $0xffff;
	[tilespmem:s2+$0x410] =	vst v50  }
0x484: {  	v57 =	vor.u32 v11, v39;
	v50 =	vld.idx.msk [tilespmem:v56+s15+$0x0], $0xffff  }
0x485: {  	v58 =	vor.u32 v11, v38;
	_ =	sdelay $0x2  }
0x486: {  	[tilespmem:s19+$0x420] =	vst v40  }
0x487: {  	v40 =	vld.idx.msk [tilespmem:v57+s15+$0x0], $0xffff;
	[tilespmem:s2+$0x420] =	vst v50  }
0x488: {  	v59 =	vor.u32 v12, v39;
	v50 =	vld.idx.msk [tilespmem:v58+s15+$0x0], $0xffff  }
0x489: {  	v60 =	vor.u32 v12, v38;
	_ =	sdelay $0x2  }
0x48a: {  	[tilespmem:s19+$0x430] =	vst v40  }
0x48b: {  	v40 =	vld.idx.msk [tilespmem:v59+s15+$0x0], $0xffff;
	[tilespmem:s2+$0x430] =	vst v50  }
0x48c: {  	v61 =	vor.u32 v13, v39;
	v50 =	vld.idx.msk [tilespmem:v60+s15+$0x0], $0xffff  }
0x48d: {  	v62 =	vor.u32 v13, v38;
	_ =	sdelay $0x2  }
0x48e: {  	[tilespmem:s19+$0x440] =	vst v40  }
0x48f: {  	v63 =	vor.u32 v14, v37;
	v49 =	vld.idx.msk [tilespmem:v61+s15+$0x0], $0xffff;
	[tilespmem:s2+$0x440] =	vst v50  }
0x490: {  	v56 =	vor.u32 v14, v39;
	v51 =	vld.idx.msk [tilespmem:v62+s15+$0x0], $0xffff  }
0x491: {  	v52 =	vor.u32 v14, v38;
	_ =	sdelay $0x2  }
0x492: {  	v40 =	vld.idx.msk [tilespmem:v63+s15+$0x0], $0xffff;
	[tilespmem:s19+$0x450] =	vst v49  }
0x493: {  	v57 =	vor.u32 v15, v37;
	v50 =	vld.idx.msk [tilespmem:v56+s15+$0x0], $0xffff;
	[tilespmem:s2+$0x450] =	vst v51  }
0x494: {  	v58 =	vor.u32 v15, v39;
	v52 =	vld.idx.msk [tilespmem:v52+s15+$0x0], $0xffff  }
0x495: {  	v53 =	vor.u32 v15, v38;
	[tilespmem:s30+$0x460] =	vst v47  }
0x496: {  	v47 =	vld.idx.msk [tilespmem:v48+s15+$0x0], $0xffff  }
0x497: {  	v59 =	vor.u32 v16, v36;
	[tilespmem:s31+$0x460] =	vst v40  }
0x498: {  	v60 =	vld.idx.msk [tilespmem:v57+s15+$0x0], $0xffff;
	[tilespmem:s19+$0x460] =	vst v50  }
0x499: {  	v61 =	vor.u32 v16, v37;
	v50 =	vld.idx.msk [tilespmem:v58+s15+$0x0], $0xffff;
	[tilespmem:s2+$0x460] =	vst v52  }
0x49a: {  	v62 =	vor.u32 v16, v39;
	v52 =	vld.idx.msk [tilespmem:v53+s15+$0x0], $0xffff  }
0x49b: {  	[tilespmem:s30+$0x470] =	vst v47;
	v63 =	vor.u32 v16, v38  }
0x49c: {  	v40 =	vld.idx.msk [tilespmem:v59+s15+$0x0], $0xffff  }
0x49d: {  	v56 =	vor.u32 v17, v36;
	[tilespmem:s31+$0x470] =	vst v60  }
0x49e: {  	v48 =	vld.idx.msk [tilespmem:v61+s15+$0x0], $0xffff;
	[tilespmem:s19+$0x470] =	vst v50  }
0x49f: {  	v57 =	vor.u32 v17, v37;
	v50 =	vld.idx.msk [tilespmem:v62+s15+$0x0], $0xffff;
	[tilespmem:s2+$0x470] =	vst v52  }
0x4a0: {  	[tilespmem:s6+$0x14A00] =	vst v41;
	v58 =	vor.u32 v17, v39;
	v59 =	vld.idx.msk [tilespmem:v63+s15+$0x0], $0xffff  }
0x4a1: {  	[tilespmem:s30+$0x800] =	vst v40;
	v60 =	vor.u32 v17, v38  }
0x4a2: {  	[tilespmem:s28+$0x820] =	vst v45;
	v40 =	vld.idx.msk [tilespmem:v56+s15+$0x0], $0xffff  }
0x4a3: {  	v46 =	vld.idx.msk [tilespmem:v46+s15+$0x0], $0xffff;
	v61 =	vor.u32 v18, v36;
	[tilespmem:s31+$0x800] =	vst v48  }
0x4a4: {  	v48 =	vld.idx.msk [tilespmem:v57+s15+$0x0], $0xffff;
	[tilespmem:s19+$0x800] =	vst v50  }
0x4a5: {  	v62 =	vor.u32 v18, v37;
	v41 =	vld.idx.msk [tilespmem:v58+s15+$0x0], $0xffff;
	[tilespmem:s2+$0x800] =	vst v59  }
0x4a6: {  	[tilespmem:s29+$0x870] =	vst v44;
	v63 =	vor.u32 v18, v39;
	v45 =	vld.idx.msk [tilespmem:v60+s15+$0x0], $0xffff  }
0x4a7: {  	s3 =	sor.u32 $0xC40, s5;
	v42 =	vld.idx.msk [tilespmem:v42+s15+$0x0], $0xffff;
	[tilespmem:s30+$0x810] =	vst v40;
	v52 =	vor.u32 v18, v38  }
0x4a8: {  	[tilespmem:s3+$0x14A00] =	vst v46;
	v54 =	vor.u32 v29, v35;
	v47 =	vld.idx.msk [tilespmem:v61+s15+$0x0], $0xffff  }
0x4a9: {  	v43 =	vld.idx.msk [tilespmem:v43+s15+$0x0], $0xffff;
	v55 =	vor.u32 v19, v36;
	[tilespmem:s31+$0x810] =	vst v48  }
0x4aa: {  	v53 =	vor.u32 v24, v32;
	v49 =	vld.idx.msk [tilespmem:v62+s15+$0x0], $0xffff;
	[tilespmem:s19+$0x810] =	vst v41  }
0x4ab: {  	s23 =	sor.u32 $0xC40, s10;
	v56 =	vor.u32 v19, v37;
	v44 =	vld.idx.msk [tilespmem:v63+s15+$0x0], $0xffff;
	[tilespmem:s2+$0x810] =	vst v45  }
0x4ac: {  	[tilespmem:s23+$0x14A00] =	vst v42;
	v57 =	vor.u32 v19, v39;
	v45 =	vld.idx.msk [tilespmem:v52+s15+$0x0], $0xffff  }
0x4ad: {  	v40 =	vld.idx.msk [tilespmem:v54+s15+$0x0], $0xffff;
	[tilespmem:s30+$0x820] =	vst v47;
	v59 =	vor.u32 v19, v38  }
0x4ae: {  	[tilespmem:s28+$0x830] =	vst v43;
	v61 =	vor.u32 v20, v33;
	v48 =	vld.idx.msk [tilespmem:v55+s15+$0x0], $0xffff  }
0x4af: {  	v62 =	vor.u32 v20, v36;
	v58 =	vld.idx.msk [tilespmem:v53+s15+$0x0], $0xffff;
	[tilespmem:s31+$0x820] =	vst v49  }
0x4b0: {  	v60 =	vor.u32 v29, v34;
	v41 =	vld.idx.msk [tilespmem:v56+s15+$0x0], $0xffff;
	[tilespmem:s19+$0x820] =	vst v44  }
0x4b1: {  	s29 =	sor.u32 $0xC50, s5;
	v63 =	vor.u32 v20, v37;
	v42 =	vld.idx.msk [tilespmem:v57+s15+$0x0], $0xffff;
	[tilespmem:s2+$0x820] =	vst v45  }
0x4b2: {  	[tilespmem:s29+$0x14A00] =	vst v40;
	v52 =	vor.u32 v20, v39;
	v43 =	vld.idx.msk [tilespmem:v59+s15+$0x0], $0xffff  }
0x4b3: {  	s24 =	sor.u32 $0xC00, s7;
	v54 =	vor.u32 v20, v38;
	v47 =	vld.idx.msk [tilespmem:v61+s15+$0x0], $0xffff;
	[tilespmem:s30+$0x830] =	vst v48  }
0x4b4: {  	v55 =	vor.u32 v25, v32;
	[tilespmem:s24+$0x14A00] =	vst v58;
	v49 =	vld.idx.msk [tilespmem:v62+s15+$0x0], $0xffff  }
0x4b5: {  	v53 =	vld.idx.msk [tilespmem:v60+s15+$0x0], $0xffff;
	[tilespmem:s31+$0x830] =	vst v41;
	v57 =	vor.u32 v21, v36  }
0x4b6: {  	v56 =	vor.u32 v21, v33;
	v44 =	vld.idx.msk [tilespmem:v63+s15+$0x0], $0xffff;
	[tilespmem:s19+$0x830] =	vst v42  }
0x4b7: {  	v58 =	vor.u32 v21, v37;
	v45 =	vld.idx.msk [tilespmem:v52+s15+$0x0], $0xffff;
	[tilespmem:s2+$0x830] =	vst v43  }
0x4b8: {  	[tilespmem:s28+$0x840] =	vst v47;
	v59 =	vor.u32 v21, v39;
	v40 =	vld.idx.msk [tilespmem:v54+s15+$0x0], $0xffff  }
0x4b9: {  	s4 =	sor.u32 $0xC50, s10;
	v61 =	vor.u32 v21, v38;
	v60 =	vld.idx.msk [tilespmem:v55+s15+$0x0], $0xffff;
	[tilespmem:s30+$0x840] =	vst v49  }
0x4ba: {  	v62 =	vor.u32 v30, v35;
	[tilespmem:s4+$0x14A00] =	vst v53;
	v41 =	vld.idx.msk [tilespmem:v57+s15+$0x0], $0xffff  }
0x4bb: {  	v48 =	vld.idx.msk [tilespmem:v56+s15+$0x0], $0xffff;
	[tilespmem:s31+$0x840] =	vst v44;
	v52 =	vor.u32 v22, v36  }
0x4bc: {  	v63 =	vor.u32 v22, v33;
	v42 =	vld.idx.msk [tilespmem:v58+s15+$0x0], $0xffff;
	[tilespmem:s19+$0x840] =	vst v45  }
0x4bd: {  	s6 =	sor.u32 $0xC10, s7;
	v53 =	vor.u32 v22, v37;
	v43 =	vld.idx.msk [tilespmem:v59+s15+$0x0], $0xffff;
	[tilespmem:s2+$0x840] =	vst v40  }
0x4be: {  	[tilespmem:s6+$0x14A00] =	vst v60;
	v54 =	vor.u32 v22, v39;
	v55 =	vld.idx.msk [tilespmem:v61+s15+$0x0], $0xffff  }
0x4bf: {  	v56 =	vld.idx.msk [tilespmem:v62+s15+$0x0], $0xffff;
	v57 =	vor.u32 v22, v38;
	[tilespmem:s30+$0x850] =	vst v41  }
0x4c0: {  	[tilespmem:s28+$0x850] =	vst v48;
	v58 =	vor.u32 v30, v34;
	v44 =	vld.idx.msk [tilespmem:v52+s15+$0x0], $0xffff  }
0x4c1: {  	v60 =	vor.u32 v23, v36;
	v49 =	vld.idx.msk [tilespmem:v63+s15+$0x0], $0xffff;
	[tilespmem:s31+$0x850] =	vst v42  }
0x4c2: {  	v45 =	vld.idx.msk [tilespmem:v53+s15+$0x0], $0xffff;
	v59 =	vor.u32 v23, v33;
	[tilespmem:s19+$0x850] =	vst v43  }
0x4c3: {  	s12 =	sor.u32 $0xC60, s5;
	v61 =	vor.u32 v23, v37;
	v40 =	vld.idx.msk [tilespmem:v54+s15+$0x0], $0xffff;
	[tilespmem:s2+$0x850] =	vst v55  }
0x4c4: {  	v62 =	vor.u32 v23, v39;
	[tilespmem:s12+$0x14A00] =	vst v56;
	v63 =	vld.idx.msk [tilespmem:v57+s15+$0x0], $0xffff  }
0x4c5: {  	v52 =	vld.idx.msk [tilespmem:v58+s15+$0x0], $0xffff;
	v53 =	vor.u32 v23, v38;
	[tilespmem:s30+$0x860] =	vst v44  }
0x4c6: {  	[tilespmem:s28+$0x860] =	vst v49;
	v42 =	vld.idx.msk [tilespmem:v60+s15+$0x0], $0xffff;
	v54 =	vor.u32 v26, v32  }
0x4c7: {  	v56 =	vor.u32 v24, v36;
	[tilespmem:s31+$0x860] =	vst v45;
	v41 =	vld.idx.msk [tilespmem:v59+s15+$0x0], $0xffff  }
0x4c8: {  	v55 =	vor.u32 v24, v33;
	v43 =	vld.idx.msk [tilespmem:v61+s15+$0x0], $0xffff;
	[tilespmem:s19+$0x860] =	vst v40  }
0x4c9: {  	s16 =	sor.u32 $0xC60, s10;
	v57 =	vor.u32 v24, v37;
	v46 =	vld.idx.msk [tilespmem:v62+s15+$0x0], $0xffff;
	[tilespmem:s2+$0x860] =	vst v63  }
0x4ca: {  	v58 =	vor.u32 v24, v39;
	[tilespmem:s16+$0x14A00] =	vst v52;
	v59 =	vld.idx.msk [tilespmem:v53+s15+$0x0], $0xffff  }
0x4cb: {  	v61 =	vor.u32 v24, v38;
	[tilespmem:s30+$0x870] =	vst v42;
	v60 =	vld.idx.msk [tilespmem:v54+s15+$0x0], $0xffff  }
0x4cc: {  	s20 =	sand.u32 $0x7, s11;
	[tilespmem:s28+$0x870] =	vst v41;
	v45 =	vld.idx.msk [tilespmem:v56+s15+$0x0], $0xffff;
	v62 =	vor.u32 v31, v35  }
0x4cd: {  	s3 =	sshll.u32 s20, $0x7;
	v52 =	vor.u32 v25, v36;
	v44 =	vld.idx.msk [tilespmem:v55+s15+$0x0], $0xffff;
	[tilespmem:s31+$0x870] =	vst v43  }
0x4ce: {  	s23 =	sadd.s32 $0x2, s11;
	s24 =	sor.u32 $0xC20, s7;
	s4 =	sadd.s32 $0x400, s26;
	v63 =	vor.u32 v25, v33;
	v40 =	vld.idx.msk [tilespmem:v57+s15+$0x0], $0xffff;
	[tilespmem:s19+$0x870] =	vst v46  }
0x4cf: {  	s6 =	sadd.s32 $0x2, s23;
	s3 =	sadd.s32 s3, s4;
	s16 =	sand.u32 $0x7, s23;
	v53 =	vor.u32 v25, v37;
	v47 =	vld.idx.msk [tilespmem:v58+s15+$0x0], $0xffff;
	[tilespmem:s2+$0x870] =	vst v59  }
0x4d0: {  	s4 =	sadd.s32 $0x400, s4;
	s26 =	sshll.u32 s16, $0x7;
	s28 =	sor.u32 $0xC00, s1;
	v54 =	vor.u32 v25, v39;
	[tilespmem:s24+$0x14A00] =	vst v60;
	v41 =	vld.idx.msk [tilespmem:v61+s15+$0x0], $0xffff  }
0x4d1: {  	s6 =	sand.u32 $0x7, s6;
	s12 =	sor.u32 $0xC00, s3;
	v55 =	vor.u32 v25, v38;
	[tilespmem:s28+$0x14A00] =	vst v45;
	v35 =	vld.idx.msk [tilespmem:v62+s15+$0x0], $0xffff;
	s2 =	sadd.s32 s26, s4  }
0x4d2: {  	s6 =	sshll.u32 s6, $0x7;
	v56 =	vor.u32 v31, v34;
	[tilespmem:s12+$0x14A00] =	vst v44;
	v43 =	vld.idx.msk [tilespmem:v52+s15+$0x0], $0xffff;
	s4 =	sadd.s32 $0x400, s4;
	s29 =	sor.u32 $0xC00, s2  }
0x4d3: {  	s30 =	sor.u32 $0xC00, s0;
	v42 =	vld.idx.msk [tilespmem:v63+s15+$0x0], $0xffff;
	v58 =	vor.u32 v26, v36;
	s4 =	sadd.s32 s6, s4;
	[tilespmem:s29+$0x14A00] =	vst v40  }
0x4d4: {  	v57 =	vor.u32 v26, v33;
	s6 =	sor.u32 $0xC00, s4;
	v46 =	vld.idx.msk [tilespmem:v53+s15+$0x0], $0xffff;
	[tilespmem:s30+$0x14A00] =	vst v47  }
0x4d5: {  	s31 =	sor.u32 $0xC70, s5;
	v59 =	vor.u32 v26, v37;
	v48 =	vld.idx.msk [tilespmem:v54+s15+$0x0], $0xffff;
	[tilespmem:s6+$0x14A00] =	vst v41  }
0x4d6: {  	s11 =	sor.u32 $0xC10, s1;
	v60 =	vor.u32 v26, v39;
	[tilespmem:s31+$0x14A00] =	vst v35;
	v41 =	vld.idx.msk [tilespmem:v55+s15+$0x0], $0xffff  }
0x4d7: {  	v34 =	vld.idx.msk [tilespmem:v56+s15+$0x0], $0xffff;
	v61 =	vor.u32 v26, v38;
	[tilespmem:s11+$0x14A00] =	vst v43;
	s6 =	sor.u32 $0xC10, s3  }
0x4d8: {  	v62 =	vor.u32 v27, v32;
	s12 =	sor.u32 $0xC10, s2;
	v40 =	vld.idx.msk [tilespmem:v58+s15+$0x0], $0xffff;
	[tilespmem:s6+$0x14A00] =	vst v42  }
0x4d9: {  	s16 =	sor.u32 $0xC10, s0;
	v52 =	vor.u32 v27, v36;
	v45 =	vld.idx.msk [tilespmem:v57+s15+$0x0], $0xffff;
	[tilespmem:s12+$0x14A00] =	vst v46  }
0x4da: {  	v63 =	vor.u32 v27, v33;
	s19 =	sor.u32 $0xC10, s4;
	v47 =	vld.idx.msk [tilespmem:v59+s15+$0x0], $0xffff;
	[tilespmem:s16+$0x14A00] =	vst v48  }
0x4db: {  	s20 =	sor.u32 $0xC70, s10;
	v53 =	vor.u32 v27, v37;
	v35 =	vld.idx.msk [tilespmem:v60+s15+$0x0], $0xffff;
	[tilespmem:s19+$0x14A00] =	vst v41  }
0x4dc: {  	s24 =	sor.u32 $0xC20, s1;
	[tilespmem:s20+$0x14A00] =	vst v34;
	v54 =	vor.u32 v27, v39;
	v41 =	vld.idx.msk [tilespmem:v61+s15+$0x0], $0xffff  }
0x4dd: {  	s23 =	sor.u32 $0xC20, s3;
	v56 =	vor.u32 v27, v38;
	v55 =	vld.idx.msk [tilespmem:v62+s15+$0x0], $0xffff;
	[tilespmem:s24+$0x14A00] =	vst v40  }
0x4de: {  	s26 =	sor.u32 $0xC20, s2;
	v57 =	vor.u32 v28, v32;
	v46 =	vld.idx.msk [tilespmem:v52+s15+$0x0], $0xffff;
	[tilespmem:s23+$0x14A00] =	vst v45  }
0x4df: {  	s28 =	sor.u32 $0xC20, s0;
	v59 =	vor.u32 v28, v36;
	v43 =	vld.idx.msk [tilespmem:v63+s15+$0x0], $0xffff;
	[tilespmem:s26+$0x14A00] =	vst v47  }
0x4e0: {  	s29 =	sor.u32 $0xC20, s4;
	v58 =	vor.u32 v28, v33;
	v47 =	vld.idx.msk [tilespmem:v53+s15+$0x0], $0xffff;
	[tilespmem:s28+$0x14A00] =	vst v35  }
0x4e1: {  	s30 =	sor.u32 $0xC30, s7;
	v60 =	vor.u32 v28, v37;
	v34 =	vld.idx.msk [tilespmem:v54+s15+$0x0], $0xffff;
	[tilespmem:s29+$0x14A00] =	vst v41  }
0x4e2: {  	s6 =	sor.u32 $0xC30, s1;
	[tilespmem:s30+$0x14A00] =	vst v55;
	v61 =	vor.u32 v28, v39;
	v41 =	vld.idx.msk [tilespmem:v56+s15+$0x0], $0xffff  }
0x4e3: {  	s31 =	sor.u32 $0xC30, s3;
	v62 =	vld.idx.msk [tilespmem:v57+s15+$0x0], $0xffff;
	v63 =	vor.u32 v28, v38;
	[tilespmem:s6+$0x14A00] =	vst v46  }
0x4e4: {  	s10 =	sor.u32 $0xC30, s2;
	v52 =	vor.u32 v29, v32;
	v48 =	vld.idx.msk [tilespmem:v59+s15+$0x0], $0xffff;
	[tilespmem:s31+$0x14A00] =	vst v43  }
0x4e5: {  	s11 =	sor.u32 $0xC30, s0;
	v54 =	vor.u32 v29, v36;
	v40 =	vld.idx.msk [tilespmem:v58+s15+$0x0], $0xffff;
	[tilespmem:s10+$0x14A00] =	vst v47  }
0x4e6: {  	s12 =	sor.u32 $0xC30, s4;
	v53 =	vor.u32 v29, v33;
	v35 =	vld.idx.msk [tilespmem:v60+s15+$0x0], $0xffff;
	[tilespmem:s11+$0x14A00] =	vst v34  }
0x4e7: {  	s16 =	sor.u32 $0xC40, s7;
	v55 =	vor.u32 v29, v37;
	v42 =	vld.idx.msk [tilespmem:v61+s15+$0x0], $0xffff;
	[tilespmem:s12+$0x14A00] =	vst v41  }
0x4e8: {  	s20 =	sor.u32 $0xC40, s1;
	[tilespmem:s16+$0x14A00] =	vst v62;
	v56 =	vor.u32 v29, v39;
	v41 =	vld.idx.msk [tilespmem:v63+s15+$0x0], $0xffff  }
0x4e9: {  	s19 =	sor.u32 $0xC40, s3;
	v57 =	vor.u32 v29, v38;
	v44 =	vld.idx.msk [tilespmem:v52+s15+$0x0], $0xffff;
	[tilespmem:s20+$0x14A00] =	vst v48  }
0x4ea: {  	s23 =	sor.u32 $0xC40, s2;
	v59 =	vor.u32 v30, v32;
	v47 =	vld.idx.msk [tilespmem:v54+s15+$0x0], $0xffff;
	[tilespmem:s19+$0x14A00] =	vst v40  }
0x4eb: {  	s24 =	sor.u32 $0xC40, s0;
	v61 =	vor.u32 v30, v36;
	v58 =	vld.idx.msk [tilespmem:v53+s15+$0x0], $0xffff;
	[tilespmem:s23+$0x14A00] =	vst v35  }
0x4ec: {  	s26 =	sor.u32 $0xC40, s4;
	v60 =	vor.u32 v30, v33;
	v34 =	vld.idx.msk [tilespmem:v55+s15+$0x0], $0xffff;
	[tilespmem:s24+$0x14A00] =	vst v42  }
0x4ed: {  	s28 =	sor.u32 $0xC50, s7;
	v62 =	vor.u32 v30, v37;
	v43 =	vld.idx.msk [tilespmem:v56+s15+$0x0], $0xffff;
	[tilespmem:s26+$0x14A00] =	vst v41  }
0x4ee: {  	s30 =	sor.u32 $0xC50, s1;
	[tilespmem:s28+$0x14A00] =	vst v44;
	v63 =	vor.u32 v30, v39;
	v40 =	vld.idx.msk [tilespmem:v57+s15+$0x0], $0xffff  }
0x4ef: {  	v49 =	vor.u32 v30, v38;
	s29 =	sor.u32 $0xC50, s3;
	v44 =	vld.idx.msk [tilespmem:v59+s15+$0x0], $0xffff;
	[tilespmem:s30+$0x14A00] =	vst v47  }
0x4f0: {  	v50 =	vor.u32 v31, v32;
	s31 =	sor.u32 $0xC50, s2;
	v53 =	vld.idx.msk [tilespmem:v61+s15+$0x0], $0xffff;
	[tilespmem:s29+$0x14A00] =	vst v58  }
0x4f1: {  	s6 =	sor.u32 $0xC50, s0;
	v54 =	vor.u32 v31, v36;
	v51 =	vld.idx.msk [tilespmem:v60+s15+$0x0], $0xffff;
	[tilespmem:s31+$0x14A00] =	vst v34  }
0x4f2: {  	v52 =	vor.u32 v31, v33;
	s10 =	sor.u32 $0xC50, s4;
	v55 =	vld.idx.msk [tilespmem:v62+s15+$0x0], $0xffff;
	[tilespmem:s6+$0x14A00] =	vst v43  }
0x4f3: {  	s11 =	sor.u32 $0xC60, s7;
	v56 =	vor.u32 v31, v37;
	v57 =	vld.idx.msk [tilespmem:v63+s15+$0x0], $0xffff;
	[tilespmem:s10+$0x14A00] =	vst v40  }
0x4f4: {  	s16 =	sor.u32 $0xC60, s1;
	[tilespmem:s11+$0x14A00] =	vst v44;
	v58 =	vor.u32 v31, v39;
	v59 =	vld.idx.msk [tilespmem:v49+s15+$0x0], $0xffff  }
0x4f5: {  	s12 =	sor.u32 $0xC60, s3;
	v32 =	vld.idx.msk [tilespmem:v50+s15+$0x0], $0xffff;
	v60 =	vor.u32 v31, v38;
	[tilespmem:s16+$0x14A00] =	vst v53  }
0x4f6: {  	s19 =	sor.u32 $0xC60, s2;
	v34 =	vld.idx.msk [tilespmem:v54+s15+$0x0], $0xffff;
	[tilespmem:s12+$0x14A00] =	vst v51  }
0x4f7: {  	s20 =	sor.u32 $0xC60, s0;
	v33 =	vld.idx.msk [tilespmem:v52+s15+$0x0], $0xffff;
	[tilespmem:s19+$0x14A00] =	vst v55  }
0x4f8: {  	s23 =	sor.u32 $0xC60, s4;
	v61 =	vld.idx.msk [tilespmem:v56+s15+$0x0], $0xffff;
	[tilespmem:s20+$0x14A00] =	vst v57  }
0x4f9: {  	s24 =	sor.u32 $0xC70, s7;
	v62 =	vld.idx.msk [tilespmem:v58+s15+$0x0], $0xffff;
	[tilespmem:s23+$0x14A00] =	vst v59  }
0x4fa: {  	s22 =	sadd.s32 $0x1, s22;
	s26 =	sor.u32 $0xC70, s1;
	[tilespmem:s24+$0x14A00] =	vst v32;
	v63 =	vld.idx.msk [tilespmem:v60+s15+$0x0], $0xffff  }
0x4fb: {  	p0 =	sne.s32 s22, $0x20;
	s3 =	sor.u32 $0xC70, s3;
	[tilespmem:s26+$0x14A00] =	vst v34  }
.Ltmp3:
0x4fc: {  	s28 =	sor.u32 $0xC70, s2;
	[tilespmem:s3+$0x14A00] =	vst v33;
	(pc) =	sbr.rel @p0 .LBB2_2-.Ltmp3, $4  }
0x4fd: {  	s29 =	sor.u32 $0xC70, s0;
	[tilespmem:s28+$0x14A00] =	vst v61  }
0x4fe: {  	s30 =	sor.u32 $0xC70, s4;
	s31 =	rddreg [dreg:$0x6];
	[tilespmem:s29+$0x14A00] =	vst v62  }
0x4ff: {  	s21 =	sadd.s32 $0x1, s21;
	s0 =	sadd.s32 s31, s25;
	[tilespmem:s30+$0x14A00] =	vst v63  }
0x500: {  	[hbm4b:s0+s8] =	stream.linear.scatter [tilespmem:s18], [sflag:$0x1], $0x4000, $0x38;
	[tilespmem:$0x18A00] =	vst v63  }
0x501: {  	s1 =	simm.s32 $0x1  }
0x502: {  	_ =	swait.ge [sflag:s1], $0x4000  }
0x503: {  	[sflag:s1] =	ssyncset.done $0x0  }
0x504: {  	[sflag:s1] =	ssyncadd.s32 $0xFFFFC000  }
0x505: {  	_ =	swait.ge [sflag:s1], $0x4000  }
0x506: {  	[sflag:s1] =	ssyncset.done $0x0  }
0x507: {  	[sflag:s1] =	ssyncadd.s32 $0xFFFFC000  }
0x508: {  	_ =	swait.ge [sflag:s1], $0x4000  }
0x509: {  	s2 =	rddreg [dreg:$0xa]  }
0x50a: {  	s0 =	rddreg [dreg:$0x9];
	s2 =	sadd.s32 $0x1, s2  }
0x50b: {  	p0 =	sne.s32 s2, s0  }
.Ltmp4:
0x50c: {  	_ = 	snop;
	(pc) =	sbr.rel @p0 .LBB2_1-.Ltmp4, $3  }
0x50d: {  	_ =	sdelay $0x1  }
0x50e: {  	[sflag:s1] =	ssyncset.done $0x0  }
0x50f: {  	[sflag:s1] =	ssyncadd.s32 $0xFFFFC000  }
0x510: {  	_ =	sfence.sel $0x180000  }
0x511: {  	[bflag:$0x0] =	sbarrier.arrive $0xFFFF  }
0x512: {  	_ =	strace $0x90000047  }
0x513: {  	s0 =	stileid.u32;
	[bflag:$0x2] =	sbarrier.arrive $0xFFFF  }
0x514: {  	p0 =	sne.s32 s0, $0x0;
	s0 =	rddreg [dreg:$0x7]  }
0x515: {  	s0 =	sadd.s32 @!p0 $0x100000, s0  }
0x516: {  	[sflag:s0] =	ssyncadd.tile.s32 @!p0 $0x1;
	_ =	shalt  }
.Lfunc_end2:
_tile_overlayer_lowered:
.L_overlay_start_2:
0x517: {  	(tag) =	ssettag $0x2  }
0x518: {  	s0 =	rddreg [dreg:$0x0];
	s2 =	stileid.u32  }
0x519: {  	s1 =	rddreg [dreg:$0x1];
	p0 =	sne.s32 s2, $0x0  }
0x51a: {  	s3 =	rddreg [dreg:$0x2];
	[bflag:$0x3] =	sbarrier.arrive $0xFFFF;
	s2 =	simm.s32 @!p0 $0x1C02  }
0x51b: {  	[timem:s3], [sflag:s2] =	dma.local @!p0 [hbm:s0], s1  }
0x51c: {  	s0 =	simm.s32 @!p0 $0x2  }
0x51d: {  	_ =	swait.ge @!p0 [sflag:s0], s1  }
0x51e: {  	s1 =	ssub.s32 @!p0 $0x0, s1;
	[sflag:s0] =	ssyncset.done @!p0 $0x0  }
0x51f: {  	[sflag:s0] =	ssyncadd.s32 @!p0 s1  }
0x520: {  	[bflag:$0x3] =	sbarrier.arrive $0xFFFF  }
0x521: {  	_ =	shalt  }

</sc_bundles>
